<compile_context>
chip_gen: v7x
topology: tpu7x:2x2x1
jax: 0.10.2.dev20260603
libtpu: 0.0.44.dev20260713+nightly
codegen_flags: <defaults>
</compile_context>

<pallas_src>
import functools

import jax
import jax.numpy as jnp
from jax import lax
from jax.experimental import pallas as pl
from jax.experimental.pallas import tpu as pltpu
from jax.experimental.pallas import tpu_sc as plsc

_B = 4
_N = 20000
_NPAD = 20480
_ROWS = _NPAD // 128
_PRE = 2048
_POST = 500
_THRESH = 0.7
_SLOTS = 512
_TILE = 256
_F = 16
_OUTROWS = _PRE + 8
_NEG = -1e30


def _select_body(s_ref, pos_ref):
    s = s_ref[0]
    key = lax.bitcast_convert_type(s, jnp.int32)
    skey = key ^ (lax.shift_right_arithmetic(key, 31) & jnp.int32(0x7FFFFFFF))

    def bit_step(i, t):
        cand = t + lax.shift_left(jnp.int32(1), 31 - i)
        cnt = jnp.sum((skey >= cand).astype(jnp.int32))
        return jnp.where(cnt >= _PRE, cand, t)

    t = lax.fori_loop(0, 32, bit_step, jnp.int32(-2147483648))

    gt = skey > t
    eq = skey == t
    c1 = jnp.sum(gt.astype(jnp.int32))
    need = (_PRE - c1).astype(jnp.float32)

    u_row = jax.lax.broadcasted_iota(jnp.int32, (128, 128), 0)
    u_col = jax.lax.broadcasted_iota(jnp.int32, (128, 128), 1)
    u128 = jnp.where(u_row < u_col, 1.0, 0.0).astype(jnp.bfloat16)
    l_row = jax.lax.broadcasted_iota(jnp.int32, (_ROWS, _ROWS), 0)
    l_col = jax.lax.broadcasted_iota(jnp.int32, (_ROWS, _ROWS), 1)
    l160 = jnp.where(l_col < l_row, 1.0, 0.0).astype(jnp.bfloat16)

    def ex_prefix(m):
        within = lax.dot_general(m, u128, (((1,), (0,)), ((), ())),
                                 preferred_element_type=jnp.float32)
        rs = jnp.sum(m.astype(jnp.float32), axis=1, keepdims=True)
        roff = lax.dot_general(l160, rs.astype(jnp.bfloat16),
                               (((1,), (0,)), ((), ())),
                               preferred_element_type=jnp.float32)
        return within + roff

    tie_rank = ex_prefix(eq.astype(jnp.bfloat16))
    selected = gt | (eq & (tie_rank < need))
    p = ex_prefix(selected.astype(jnp.bfloat16))
    pos_ref[0] = jnp.where(selected, p, float(_PRE)).astype(jnp.int32)


_SC_CORES = 2
_SC_SUBCORES = 16
_NTILES = _SC_CORES * _SC_SUBCORES
_CHUNK = _NPAD // _NTILES
_KSUB = _CHUNK // 128


_BPC = _B // _SC_CORES
_EPT = _NPAD // _SC_SUBCORES
_VPT = _EPT // 16
_SPT = _PRE // _SC_SUBCORES


@functools.cache
def _get_sc_compact():
    mesh = plsc.VectorSubcoreMesh(core_axis_name="c", subcore_axis_name="s")

    @functools.partial(
        pl.kernel,
        mesh=mesh,
        out_type=jax.ShapeDtypeStruct((_B, _PRE, _F), jnp.float32),
        scratch_types=[
            pltpu.VMEM((_BPC, _VPT, 16), jnp.int32),
            pltpu.VMEM((_BPC, _PRE), jnp.int32),
            pltpu.VMEM((_BPC, _SC_SUBCORES, _SPT), jnp.int32),
            pltpu.VMEM((_BPC, _SPT), jnp.int32),
            pltpu.VMEM((_BPC, _SPT, _F), jnp.float32),
            pltpu.VMEM_SHARED((_BPC, _SC_SUBCORES, _PRE), jnp.int32),
            pltpu.SemaphoreType.DMA,
            pltpu.SemaphoreType.DMA,
            pltpu.SemaphoreType.DMA,
        ],
        compiler_params=pltpu.CompilerParams(
            needs_layout_passes=False, use_tc_tiling_on_sc=False),
    )
    def _sc_compact(table_hbm, pos_hbm, out_hbm,
                    pos_v, acc_v, comb_v, gidx_v, grows_v, spm,
                    lsem, psem, gsem):
        cid = lax.axis_index("c")
        sid = lax.axis_index("s")
        base = sid * _EPT
        lane = lax.iota(jnp.int32, 16)

        loads = [pltpu.async_copy(pos_hbm.at[cid * _BPC + bb, sid],
                                  pos_v.at[bb], lsem)
                 for bb in range(_BPC)]
        for c in loads:
            c.wait()

        pubs = []
        for bb in range(_BPC):
            def zero(i, _):
                acc_v[bb, pl.ds(i * 16, 16)] = jnp.zeros((16,), jnp.int32)
                return _
            lax.fori_loop(0, _PRE // 16, zero, 0)

            def scat(j, _):
                pv = pos_v[bb, j]
                vals = base + j * 16 + lane + 1
                plsc.store_scatter(acc_v.at[bb], [pv], vals, mask=pv < _PRE)
                return _
            lax.fori_loop(0, _VPT, scat, 0)
            pubs.append(pltpu.async_copy(acc_v.at[bb], spm.at[bb, sid], psem))
        for c in pubs:
            c.wait()
        plsc.subcore_barrier()

        for bb in range(_BPC):
            pltpu.sync_copy(spm.at[bb, :, pl.ds(sid * _SPT, _SPT)],
                            comb_v.at[bb])
        gats = []
        for bb in range(_BPC):
            for j in range(_SPT // 16):
                m = comb_v[bb, 0, pl.ds(j * 16, 16)]
                for r in range(1, _SC_SUBCORES):
                    m = jnp.maximum(m, comb_v[bb, r, pl.ds(j * 16, 16)])
                gidx_v[bb, pl.ds(j * 16, 16)] = m - 1
            gats.append(pltpu.async_copy(
                table_hbm.at[cid * _BPC + bb].at[gidx_v.at[bb]],
                grows_v.at[bb], gsem))
        for c in gats:
            c.wait()
        for bb in range(_BPC):
            pltpu.sync_copy(grows_v.at[bb],
                            out_hbm.at[cid * _BPC + bb, pl.ds(sid * _SPT, _SPT)])

    return _sc_compact


def _nms_body(feat_ref, featT_ref, out_ref, adj_ref, rank_ref):
    xr = featT_ref[0, 0:1, :]
    yr = featT_ref[0, 1:2, :]
    dxr = featT_ref[0, 3:4, :]
    dyr = featT_ref[0, 4:5, :]
    scr = featT_ref[0, 7:8, :]
    idr = featT_ref[0, 9:10, :]
    x1r = xr - dxr * 0.5
    x2r = xr + dxr * 0.5
    y1r = yr - dyr * 0.5
    y2r = yr + dyr * 0.5
    ar = dxr * dyr

    def build(ti, carry):
        ft = feat_ref[0, pl.ds(ti * _TILE, _TILE), :]
        xc = ft[:, 0:1]
        yc = ft[:, 1:2]
        dxc = ft[:, 3:4]
        dyc = ft[:, 4:5]
        scc = ft[:, 7:8]
        idc = ft[:, 9:10]
        x1c = xc - dxc * 0.5
        x2c = xc + dxc * 0.5
        y1c = yc - dyc * 0.5
        y2c = yc + dyc * 0.5
        ac = dxc * dyc
        ix = jnp.clip(jnp.minimum(x2c, x2r) - jnp.maximum(x1c, x1r), 0.0)
        iy = jnp.clip(jnp.minimum(y2c, y2r) - jnp.maximum(y1c, y1r), 0.0)
        inter = ix * iy
        union = ac + ar - inter
        iou = inter / jnp.maximum(union, 1e-6)
        before = (scc > scr) | ((scc == scr) & (idc < idr))
        adj_ref[pl.ds(ti * _TILE, _TILE), :] = jnp.where(
            (iou > _THRESH) & before, 1.0, 0.0).astype(jnp.bfloat16)
        rank_ref[pl.ds(ti * _TILE, _TILE), :] = jnp.where(
            before, 1.0, 0.0).astype(jnp.bfloat16)
        return carry

    lax.fori_loop(0, _PRE // _TILE, build, 0)

    def cond(c):
        return c[1]

    def body(c):
        keep, _ = c
        supp = lax.dot_general(
            keep, adj_ref[...], (((1,), (0,)), ((), ())),
            preferred_element_type=jnp.float32)
        new = (supp == 0.0).astype(jnp.bfloat16)
        changed = jnp.sum(jnp.abs(new.astype(jnp.float32)
                                  - keep.astype(jnp.float32))) > 0.0
        return new, changed

    keep0 = jnp.ones((1, _PRE), jnp.bfloat16)
    keep, _ = lax.while_loop(cond, body, (keep0, jnp.bool_(True)))

    p = lax.dot_general(
        keep, rank_ref[...], (((1,), (0,)), ((), ())),
        preferred_element_type=jnp.float32)
    keep32 = keep.astype(jnp.float32)

    srow = jax.lax.broadcasted_iota(jnp.int32, (_SLOTS, _PRE), 0).astype(jnp.float32)
    sel = jnp.where((p == srow) & (keep32 > 0.5), 1.0, 0.0)
    out_ref[0] = lax.dot_general(
        sel, feat_ref[0], (((1,), (0,)), ((), ())),
        precision=lax.Precision.HIGHEST,
        preferred_element_type=jnp.float32)


def kernel(batch_box_preds, batch_cls_preds):
    f32 = jnp.float32
    scores = jnp.max(batch_cls_preds, axis=-1)
    labp = (jnp.argmax(batch_cls_preds, axis=-1) + 1).astype(f32)
    idxf = jnp.broadcast_to(
        jnp.arange(_N, dtype=f32)[None, :], (_B, _N))

    table = jnp.concatenate(
        [batch_box_preds, scores[..., None], labp[..., None],
         idxf[..., None], jnp.zeros((_B, _N, _F - 10), f32)], axis=-1)
    table = jnp.pad(table, ((0, 0), (0, _NPAD - _N), (0, 0)))

    spad = jnp.pad(scores, ((0, 0), (0, _NPAD - _N)),
                   constant_values=_NEG).reshape(_B, _ROWS, 128)

    pos = pl.pallas_call(
        _select_body,
        grid=(_B,),
        in_specs=[pl.BlockSpec((1, _ROWS, 128), lambda i: (i, 0, 0))],
        out_specs=pl.BlockSpec((1, _ROWS, 128), lambda i: (i, 0, 0)),
        out_shape=jax.ShapeDtypeStruct((_B, _ROWS, 128), jnp.int32),
        compiler_params=pltpu.CompilerParams(
            dimension_semantics=("parallel",)),
    )(spad)

    pos_sc = pos.reshape(_B, _SC_SUBCORES, _VPT, 16)

    feat = _get_sc_compact()(table, pos_sc)
    featT = jnp.transpose(feat, (0, 2, 1))

    out = pl.pallas_call(
        _nms_body,
        grid=(_B,),
        in_specs=[
            pl.BlockSpec((1, _PRE, _F), lambda i: (i, 0, 0)),
            pl.BlockSpec((1, _F, _PRE), lambda i: (i, 0, 0)),
        ],
        out_specs=pl.BlockSpec((1, _SLOTS, _F), lambda i: (i, 0, 0)),
        out_shape=jax.ShapeDtypeStruct((_B, _SLOTS, _F), jnp.float32),
        compiler_params=pltpu.CompilerParams(
            dimension_semantics=("parallel",)),
        scratch_shapes=[
            pltpu.VMEM((_PRE, _PRE), jnp.bfloat16),
            pltpu.VMEM((_PRE, _PRE), jnp.bfloat16),
        ],
    )(feat, featT)

    rois = out[:, :_POST, 0:7]
    roi_scores = out[:, :_POST, 7]
    roi_labels = jnp.round(out[:, :_POST, 8]).astype(jnp.int32)
    return rois, roi_scores, roi_labels

# --- scband reference (transcript-rebuilt; emitter-appended) ---
"""Pipeline reference for scband-voxel-aggregation-head-1812476199669 (READ-ONLY COPY).

The authoritative reference and input builder live on the scoring server;
editing this copy changes nothing except your own understanding.
"""

import jax, jax.numpy as jnp
import numpy as np

B = 4
N = 20000
NUM_CLS = 3
PRE = 2048
POST = 500
THRESH = 0.7


def setup_inputs(seed: int = 0) -> dict:
    key = jax.random.key(seed)
    k1, k2 = jax.random.split(key)
    raw = jax.random.uniform(k1, (B, N, 7), dtype=jnp.float32)
    scale = jnp.array([70.0, 80.0, 4.0, 4.0, 4.0, 4.0, 2.0 * np.pi], dtype=jnp.float32)
    shift = jnp.array([0.0, -40.0, -3.0, 0.5, 0.5, 0.5, -np.pi], dtype=jnp.float32)
    batch_box_preds = raw * scale + shift
    batch_cls_preds = jax.random.normal(k2, (B, N, NUM_CLS), dtype=jnp.float32)
    return {"batch_box_preds": batch_box_preds, "batch_cls_preds": batch_cls_preds}


def _pairwise_bev_iou(boxes):
    # boxes: [K, 7] = (x, y, z, dx, dy, dz, ry). Axis-aligned BEV IoU.
    x = boxes[:, 0]
    y = boxes[:, 1]
    dx = boxes[:, 3]
    dy = boxes[:, 4]
    x1 = x - dx * 0.5
    x2 = x + dx * 0.5
    y1 = y - dy * 0.5
    y2 = y + dy * 0.5
    ix = jnp.clip(jnp.minimum(x2[:, None], x2[None, :]) - jnp.maximum(x1[:, None], x1[None, :]), 0.0)
    iy = jnp.clip(jnp.minimum(y2[:, None], y2[None, :]) - jnp.maximum(y1[:, None], y1[None, :]), 0.0)
    inter = ix * iy
    area = dx * dy
    union = area[:, None] + area[None, :] - inter
    return inter / jnp.maximum(union, 1e-6)


def _nms_single(box_preds, cls_preds):
    # box_preds: [N, 7], cls_preds: [N, NUM_CLS]
    scores = jnp.max(cls_preds, axis=1)
    labels = jnp.argmax(cls_preds, axis=1)
    # pre-NMS top-k (NMS_PRE_MAXSIZE)
    top_scores, top_idx = jax.lax.top_k(scores, PRE)
    b = jnp.take(box_preds, top_idx, axis=0)
    l = jnp.take(labels, top_idx, axis=0)
    ious = _pairwise_bev_iou(b)  # [PRE, PRE], O(PRE^2) compute
    idxs = jnp.arange(PRE)

    def body(i, supp):
        keep_i = jnp.logical_not(supp[i])
        sup_row = (ious[i] > THRESH) & (idxs > i) & keep_i
        return supp | sup_row

    supp = jax.lax.fori_loop(0, PRE, body, jnp.zeros((PRE,), dtype=bool))
    keep = jnp.logical_not(supp)
    # kept boxes first, preserving score order; pad slots marked invalid
    order = jnp.argsort(jnp.where(keep, idxs, idxs + PRE))
    sel = order[:POST]
    valid = jnp.take(keep, sel)
    rois = jnp.take(b, sel, axis=0) * valid[:, None].astype(b.dtype)
    roi_scores = jnp.take(top_scores, sel) * valid.astype(b.dtype)
    roi_labels = (jnp.take(l, sel) + 1) * valid.astype(jnp.int32)
    return rois, roi_scores, roi_labels


def reference(batch_box_preds, batch_cls_preds):
    rois, roi_scores, roi_labels = jax.vmap(_nms_single)(batch_box_preds, batch_cls_preds)
    return rois, roi_scores, roi_labels

if __name__ == "__main__":
    import jax
    _d = setup_inputs()
    print(jax.jit(kernel)(*tuple(_d.values())))

</pallas_src>

<mosaic_0001>
#map = affine_map<(d0, d1) -> (0, 0, 0)>
#map1 = affine_map<(d0, d1) -> (0, 0, 0, 0)>
module attributes {stable_mosaic.version = 14 : i64} {
  func.func @_sc_compact(%arg0: i32, %arg1: i32, %arg2: memref<4x20480x16xf32, #tpu.memory_space<hbm>>, %arg3: memref<4x16x80x16xi32, #tpu.memory_space<hbm>>, %arg4: memref<4x2048x16xf32, #tpu.memory_space<hbm>>, %arg5: memref<2x80x16xi32, #tpu.memory_space<vmem>>, %arg6: memref<2x2048xi32, #tpu.memory_space<vmem>>, %arg7: memref<2x16x128xi32, #tpu.memory_space<vmem>>, %arg8: memref<2x128xi32, #tpu.memory_space<vmem>>, %arg9: memref<2x128x16xf32, #tpu.memory_space<vmem>>, %arg10: memref<2x16x2048xi32, #tpu.memory_space<vmem_shared>>, %arg11: memref<!tpu.dma_semaphore, #tpu.memory_space<semaphore_mem>>, %arg12: memref<!tpu.dma_semaphore, #tpu.memory_space<semaphore_mem>>, %arg13: memref<!tpu.dma_semaphore, #tpu.memory_space<semaphore_mem>>) attributes {dimension_semantics = [#tpu.dimension_semantics<core_parallel>, #tpu.dimension_semantics<subcore_parallel>], iteration_bounds = array<i64: 2, 16>, scalar_prefetch = 0 : i64, scratch_operands = 9 : i64, tpu.core_type = #tpu.core_type<sc_vector_subcore>, window_params = [{transform_indices = #map}, {transform_indices = #map1}, {transform_indices = #map}]} {
    %mul3A = arith.constant 1280 : i32
    %mul3A_0 = arith.muli %arg1, %mul3A : i32
    %iota3A = tpu.iota {dimensions = array<i32: 0>} : vector<16xi32>
    %mul3A_1 = arith.constant 2 : i32
    %mul3A_2 = arith.muli %arg0, %mul3A_1 : i32
    %add3A = arith.constant 0 : i32
    %add3A_3 = arith.addi %mul3A_2, %add3A : i32
    %dma_start3A = arith.constant 0 : i32
    %dma_start3A_4 = arith.constant 0 : i32
    %dma_start3A_5 = arith.constant 0 : i32
    %dma_start3A_6 = tpu.memref_slice %arg5[%dma_start3A, %dma_start3A_4, %dma_start3A_5] : memref<2x80x16xi32, #tpu.memory_space<vmem>> -> memref<1x80x16xi32, #tpu.memory_space<vmem>>
    %dma_start3A_7 = tpu.memref_squeeze %dma_start3A_6 : memref<1x80x16xi32, #tpu.memory_space<vmem>> -> memref<80x16xi32, #tpu.memory_space<vmem>>
    %dma_start3A_8 = arith.constant 0 : i32
    %dma_start3A_9 = arith.constant 0 : i32
    %dma_start3A_10 = tpu.memref_slice %arg3[%add3A_3, %arg1, %dma_start3A_8, %dma_start3A_9] : memref<4x16x80x16xi32, #tpu.memory_space<hbm>> -> memref<1x1x80x16xi32, #tpu.memory_space<hbm>>
    %dma_start3A_11 = tpu.memref_squeeze %dma_start3A_10 : memref<1x1x80x16xi32, #tpu.memory_space<hbm>> -> memref<80x16xi32, #tpu.memory_space<hbm>>
    %dma_start3A_12 = arith.constant 0 : i32
    %dma_start3A_13 = arith.constant 0 : i32
    %dma_start3A_14 = tpu.memref_slice %arg5[%dma_start3A, %dma_start3A_12, %dma_start3A_13] : memref<2x80x16xi32, #tpu.memory_space<vmem>> -> memref<1x80x16xi32, #tpu.memory_space<vmem>>
    %dma_start3A_15 = tpu.memref_squeeze %dma_start3A_14 : memref<1x80x16xi32, #tpu.memory_space<vmem>> -> memref<80x16xi32, #tpu.memory_space<vmem>>
    %dma_start3A_16 = arith.constant 0 : i32
    %dma_start3A_17 = arith.constant 0 : i32
    %dma_start3A_18 = tpu.memref_slice %arg3[%add3A_3, %arg1, %dma_start3A_16, %dma_start3A_17] : memref<4x16x80x16xi32, #tpu.memory_space<hbm>> -> memref<1x1x80x16xi32, #tpu.memory_space<hbm>>
    %dma_start3A_19 = tpu.memref_squeeze %dma_start3A_18 : memref<1x1x80x16xi32, #tpu.memory_space<hbm>> -> memref<80x16xi32, #tpu.memory_space<hbm>>
    tpu.enqueue_dma source(%dma_start3A_19 : memref<80x16xi32, #tpu.memory_space<hbm>>) target(%dma_start3A_15 : memref<80x16xi32, #tpu.memory_space<vmem>>) target_semaphore(%arg11 : memref<!tpu.dma_semaphore, #tpu.memory_space<semaphore_mem>>)
    %mul3A_20 = arith.constant 2 : i32
    %mul3A_21 = arith.muli %arg0, %mul3A_20 : i32
    %add3A_22 = arith.constant 1 : i32
    %add3A_23 = arith.addi %mul3A_21, %add3A_22 : i32
    %dma_start3A_24 = arith.constant 1 : i32
    %dma_start3A_25 = arith.constant 0 : i32
    %dma_start3A_26 = arith.constant 0 : i32
    %dma_start3A_27 = tpu.memref_slice %arg5[%dma_start3A_24, %dma_start3A_25, %dma_start3A_26] : memref<2x80x16xi32, #tpu.memory_space<vmem>> -> memref<1x80x16xi32, #tpu.memory_space<vmem>>
    %dma_start3A_28 = tpu.memref_squeeze %dma_start3A_27 : memref<1x80x16xi32, #tpu.memory_space<vmem>> -> memref<80x16xi32, #tpu.memory_space<vmem>>
    %dma_start3A_29 = arith.constant 0 : i32
    %dma_start3A_30 = arith.constant 0 : i32
    %dma_start3A_31 = tpu.memref_slice %arg3[%add3A_23, %arg1, %dma_start3A_29, %dma_start3A_30] : memref<4x16x80x16xi32, #tpu.memory_space<hbm>> -> memref<1x1x80x16xi32, #tpu.memory_space<hbm>>
    %dma_start3A_32 = tpu.memref_squeeze %dma_start3A_31 : memref<1x1x80x16xi32, #tpu.memory_space<hbm>> -> memref<80x16xi32, #tpu.memory_space<hbm>>
    %dma_start3A_33 = arith.constant 0 : i32
    %dma_start3A_34 = arith.constant 0 : i32
    %dma_start3A_35 = tpu.memref_slice %arg5[%dma_start3A_24, %dma_start3A_33, %dma_start3A_34] : memref<2x80x16xi32, #tpu.memory_space<vmem>> -> memref<1x80x16xi32, #tpu.memory_space<vmem>>
    %dma_start3A_36 = tpu.memref_squeeze %dma_start3A_35 : memref<1x80x16xi32, #tpu.memory_space<vmem>> -> memref<80x16xi32, #tpu.memory_space<vmem>>
    %dma_start3A_37 = arith.constant 0 : i32
    %dma_start3A_38 = arith.constant 0 : i32
    %dma_start3A_39 = tpu.memref_slice %arg3[%add3A_23, %arg1, %dma_start3A_37, %dma_start3A_38] : memref<4x16x80x16xi32, #tpu.memory_space<hbm>> -> memref<1x1x80x16xi32, #tpu.memory_space<hbm>>
    %dma_start3A_40 = tpu.memref_squeeze %dma_start3A_39 : memref<1x1x80x16xi32, #tpu.memory_space<hbm>> -> memref<80x16xi32, #tpu.memory_space<hbm>>
    tpu.enqueue_dma source(%dma_start3A_40 : memref<80x16xi32, #tpu.memory_space<hbm>>) target(%dma_start3A_36 : memref<80x16xi32, #tpu.memory_space<vmem>>) target_semaphore(%arg11 : memref<!tpu.dma_semaphore, #tpu.memory_space<semaphore_mem>>)
    %dma_wait3A = arith.constant 0 : i32
    %dma_wait3A_41 = arith.constant 0 : i32
    %dma_wait3A_42 = arith.constant 0 : i32
    %dma_wait3A_43 = tpu.memref_slice %arg5[%dma_wait3A, %dma_wait3A_41, %dma_wait3A_42] : memref<2x80x16xi32, #tpu.memory_space<vmem>> -> memref<1x80x16xi32, #tpu.memory_space<vmem>>
    %dma_wait3A_44 = tpu.memref_squeeze %dma_wait3A_43 : memref<1x80x16xi32, #tpu.memory_space<vmem>> -> memref<80x16xi32, #tpu.memory_space<vmem>>
    %dma_wait3A_45 = arith.constant 0 : i32
    %dma_wait3A_46 = arith.constant 0 : i32
    %dma_wait3A_47 = tpu.memref_slice %arg3[%add3A_3, %arg1, %dma_wait3A_45, %dma_wait3A_46] : memref<4x16x80x16xi32, #tpu.memory_space<hbm>> -> memref<1x1x80x16xi32, #tpu.memory_space<hbm>>
    %dma_wait3A_48 = tpu.memref_squeeze %dma_wait3A_47 : memref<1x1x80x16xi32, #tpu.memory_space<hbm>> -> memref<80x16xi32, #tpu.memory_space<hbm>>
    %dma_wait3A_49 = arith.constant 0 : i32
    %dma_wait3A_50 = arith.constant 0 : i32
    %dma_wait3A_51 = tpu.memref_slice %arg5[%dma_wait3A, %dma_wait3A_49, %dma_wait3A_50] : memref<2x80x16xi32, #tpu.memory_space<vmem>> -> memref<1x80x16xi32, #tpu.memory_space<vmem>>
    %dma_wait3A_52 = tpu.memref_squeeze %dma_wait3A_51 : memref<1x80x16xi32, #tpu.memory_space<vmem>> -> memref<80x16xi32, #tpu.memory_space<vmem>>
    %dma_wait3A_53 = arith.constant 0 : i32
    %dma_wait3A_54 = arith.constant 0 : i32
    %dma_wait3A_55 = tpu.memref_slice %arg3[%add3A_3, %arg1, %dma_wait3A_53, %dma_wait3A_54] : memref<4x16x80x16xi32, #tpu.memory_space<hbm>> -> memref<1x1x80x16xi32, #tpu.memory_space<hbm>>
    %dma_wait3A_56 = tpu.memref_squeeze %dma_wait3A_55 : memref<1x1x80x16xi32, #tpu.memory_space<hbm>> -> memref<80x16xi32, #tpu.memory_space<hbm>>
    tpu.wait_dma2 semaphore(%arg11 : memref<!tpu.dma_semaphore, #tpu.memory_space<semaphore_mem>>) src(%dma_wait3A_56 : memref<80x16xi32, #tpu.memory_space<hbm>>) dst(%dma_wait3A_52 : memref<80x16xi32, #tpu.memory_space<vmem>>)
    %dma_wait3A_57 = arith.constant 1 : i32
    %dma_wait3A_58 = arith.constant 0 : i32
    %dma_wait3A_59 = arith.constant 0 : i32
    %dma_wait3A_60 = tpu.memref_slice %arg5[%dma_wait3A_57, %dma_wait3A_58, %dma_wait3A_59] : memref<2x80x16xi32, #tpu.memory_space<vmem>> -> memref<1x80x16xi32, #tpu.memory_space<vmem>>
    %dma_wait3A_61 = tpu.memref_squeeze %dma_wait3A_60 : memref<1x80x16xi32, #tpu.memory_space<vmem>> -> memref<80x16xi32, #tpu.memory_space<vmem>>
    %dma_wait3A_62 = arith.constant 0 : i32
    %dma_wait3A_63 = arith.constant 0 : i32
    %dma_wait3A_64 = tpu.memref_slice %arg3[%add3A_23, %arg1, %dma_wait3A_62, %dma_wait3A_63] : memref<4x16x80x16xi32, #tpu.memory_space<hbm>> -> memref<1x1x80x16xi32, #tpu.memory_space<hbm>>
    %dma_wait3A_65 = tpu.memref_squeeze %dma_wait3A_64 : memref<1x1x80x16xi32, #tpu.memory_space<hbm>> -> memref<80x16xi32, #tpu.memory_space<hbm>>
    %dma_wait3A_66 = arith.constant 0 : i32
    %dma_wait3A_67 = arith.constant 0 : i32
    %dma_wait3A_68 = tpu.memref_slice %arg5[%dma_wait3A_57, %dma_wait3A_66, %dma_wait3A_67] : memref<2x80x16xi32, #tpu.memory_space<vmem>> -> memref<1x80x16xi32, #tpu.memory_space<vmem>>
    %dma_wait3A_69 = tpu.memref_squeeze %dma_wait3A_68 : memref<1x80x16xi32, #tpu.memory_space<vmem>> -> memref<80x16xi32, #tpu.memory_space<vmem>>
    %dma_wait3A_70 = arith.constant 0 : i32
    %dma_wait3A_71 = arith.constant 0 : i32
    %dma_wait3A_72 = tpu.memref_slice %arg3[%add3A_23, %arg1, %dma_wait3A_70, %dma_wait3A_71] : memref<4x16x80x16xi32, #tpu.memory_space<hbm>> -> memref<1x1x80x16xi32, #tpu.memory_space<hbm>>
    %dma_wait3A_73 = tpu.memref_squeeze %dma_wait3A_72 : memref<1x1x80x16xi32, #tpu.memory_space<hbm>> -> memref<80x16xi32, #tpu.memory_space<hbm>>
    tpu.wait_dma2 semaphore(%arg11 : memref<!tpu.dma_semaphore, #tpu.memory_space<semaphore_mem>>) src(%dma_wait3A_73 : memref<80x16xi32, #tpu.memory_space<hbm>>) dst(%dma_wait3A_69 : memref<80x16xi32, #tpu.memory_space<vmem>>)
    %scan3A = arith.constant 0 : i32
    %scan3A_74 = arith.constant 0 : i32
    %scan3A_75 = arith.constant 128 : i32
    %scan3A_76 = arith.addi %scan3A_74, %scan3A_75 : i32
    %scan3A_77 = arith.constant 1 : i32
    scf.for %scan3A_2130 = %scan3A_74 to %scan3A_76 step %scan3A_77  : i32 {
      %broadcast_in_dim3A = arith.constant 0 : i32
      %broadcast_in_dim3A_2131 = vector.broadcast %broadcast_in_dim3A : i32 to vector<16xi32>
      %mul3A_2132 = arith.constant 16 : i32
      %mul3A_2133 = arith.muli %scan3A_2130, %mul3A_2132 : i32
      %swap3A_2134 = arith.constant 0 : i32
      %swap3A_2135 = arith.index_cast %swap3A_2134 : i32 to index
      %swap3A_2136 = arith.index_cast %mul3A_2133 : i32 to index
      %swap3A_2137 = tpu.vector_load %arg6[%swap3A_2135, %swap3A_2136] {strides = array<i32>} : memref<2x2048xi32, #tpu.memory_space<vmem>>, vector<16xi32>,
      tpu.vector_store %arg6[%swap3A_2135, %swap3A_2136], %broadcast_in_dim3A_2131 {strides = array<i32>} : memref<2x2048xi32, #tpu.memory_space<vmem>>, vector<16xi32>,
    }
    %scan3A_78 = arith.constant 128 : i32
    %scan3A_79 = arith.constant 0 : i32
    %scan3A_80 = arith.constant 0 : i32
    %scan3A_81 = arith.constant 80 : i32
    %scan3A_82 = arith.addi %scan3A_80, %scan3A_81 : i32
    %scan3A_83 = arith.constant 1 : i32
    scf.for %scan3A_2130 = %scan3A_80 to %scan3A_82 step %scan3A_83  : i32 {
      %get3A_2131 = arith.constant 0 : i32
      %get3A_2132 = arith.index_cast %get3A_2131 : i32 to index
      %get3A_2133 = arith.index_cast %scan3A_2130 : i32 to index
      %get3A_2134 = arith.constant 0 : index
      %get3A_2135 = tpu.vector_load %arg5[%get3A_2132, %get3A_2133, %get3A_2134] {strides = array<i32>} : memref<2x80x16xi32, #tpu.memory_space<vmem>>, vector<16xi32>,
      %mul3A_2136 = arith.constant 16 : i32
      %mul3A_2137 = arith.muli %scan3A_2130, %mul3A_2136 : i32
      %add3A_2138 = arith.addi %mul3A_0, %mul3A_2137 : i32
      %add3A_2139 = vector.broadcast %add3A_2138 : i32 to vector<16xi32>
      %add3A_2140 = arith.addi %add3A_2139, %iota3A : vector<16xi32>
      %add3A_2141 = arith.constant 1 : i32
      %add3A_2142 = vector.broadcast %add3A_2141 : i32 to vector<16xi32>
      %add3A_2143 = arith.addi %add3A_2140, %add3A_2142 : vector<16xi32>
      %lt3A = arith.constant 2048 : i32
      %lt3A_2144 = vector.broadcast %lt3A : i32 to vector<16xi32>
      %lt3A_2145 = arith.cmpi slt, %get3A_2135, %lt3A_2144 : vector<16xi32>
      %scatter3A = arith.constant 0 : i32
      %scatter3A_2146 = arith.constant 0 : i32
      %scatter3A_2147 = tpu.memref_slice %arg6[%scatter3A, %scatter3A_2146] : memref<2x2048xi32, #tpu.memory_space<vmem>> -> memref<1x2048xi32, #tpu.memory_space<vmem>>
      %scatter3A_2148 = tpu.memref_squeeze %scatter3A_2147 : memref<1x2048xi32, #tpu.memory_space<vmem>> -> memref<2048xi32, #tpu.memory_space<vmem>>
      tpu.vector_store_idx %scatter3A_2148[%get3A_2135], %add3A_2143 masked %lt3A_2145 : memref<2048xi32, #tpu.memory_space<vmem>>[vector<16xi32>], vector<16xi32>, vector<16xi1>
    }
    %scan3A_84 = arith.constant 80 : i32
    %dma_start3A_85 = arith.constant 0 : i32
    %dma_start3A_86 = arith.constant 0 : i32
    %dma_start3A_87 = arith.constant 0 : i32
    %dma_start3A_88 = tpu.memref_slice %arg6[%dma_start3A_85, %dma_start3A_87] : memref<2x2048xi32, #tpu.memory_space<vmem>> -> memref<1x2048xi32, #tpu.memory_space<vmem>>
    %dma_start3A_89 = tpu.memref_squeeze %dma_start3A_88 : memref<1x2048xi32, #tpu.memory_space<vmem>> -> memref<2048xi32, #tpu.memory_space<vmem>>
    %dma_start3A_90 = arith.constant 0 : i32
    %dma_start3A_91 = tpu.memref_slice %arg10[%dma_start3A_86, %arg1, %dma_start3A_90] : memref<2x16x2048xi32, #tpu.memory_space<vmem_shared>> -> memref<1x1x2048xi32, #tpu.memory_space<vmem_shared>>
    %dma_start3A_92 = tpu.memref_squeeze %dma_start3A_91 : memref<1x1x2048xi32, #tpu.memory_space<vmem_shared>> -> memref<2048xi32, #tpu.memory_space<vmem_shared>>
    %dma_start3A_93 = arith.constant 0 : i32
    %dma_start3A_94 = tpu.memref_slice %arg10[%dma_start3A_86, %arg1, %dma_start3A_93] : memref<2x16x2048xi32, #tpu.memory_space<vmem_shared>> -> memref<1x1x2048xi32, #tpu.memory_space<vmem_shared>>
    %dma_start3A_95 = tpu.memref_squeeze %dma_start3A_94 : memref<1x1x2048xi32, #tpu.memory_space<vmem_shared>> -> memref<2048xi32, #tpu.memory_space<vmem_shared>>
    %dma_start3A_96 = arith.constant 0 : i32
    %dma_start3A_97 = tpu.memref_slice %arg6[%dma_start3A_85, %dma_start3A_96] : memref<2x2048xi32, #tpu.memory_space<vmem>> -> memref<1x2048xi32, #tpu.memory_space<vmem>>
    %dma_start3A_98 = tpu.memref_squeeze %dma_start3A_97 : memref<1x2048xi32, #tpu.memory_space<vmem>> -> memref<2048xi32, #tpu.memory_space<vmem>>
    tpu.enqueue_dma source(%dma_start3A_98 : memref<2048xi32, #tpu.memory_space<vmem>>) target(%dma_start3A_95 : memref<2048xi32, #tpu.memory_space<vmem_shared>>) target_semaphore(%arg12 : memref<!tpu.dma_semaphore, #tpu.memory_space<semaphore_mem>>)
    %scan3A_99 = arith.constant 0 : i32
    %scan3A_100 = arith.constant 0 : i32
    %scan3A_101 = arith.constant 128 : i32
    %scan3A_102 = arith.addi %scan3A_100, %scan3A_101 : i32
    %scan3A_103 = arith.constant 1 : i32
    scf.for %scan3A_2130 = %scan3A_100 to %scan3A_102 step %scan3A_103  : i32 {
      %broadcast_in_dim3A = arith.constant 0 : i32
      %broadcast_in_dim3A_2131 = vector.broadcast %broadcast_in_dim3A : i32 to vector<16xi32>
      %mul3A_2132 = arith.constant 16 : i32
      %mul3A_2133 = arith.muli %scan3A_2130, %mul3A_2132 : i32
      %swap3A_2134 = arith.constant 1 : i32
      %swap3A_2135 = arith.index_cast %swap3A_2134 : i32 to index
      %swap3A_2136 = arith.index_cast %mul3A_2133 : i32 to index
      %swap3A_2137 = tpu.vector_load %arg6[%swap3A_2135, %swap3A_2136] {strides = array<i32>} : memref<2x2048xi32, #tpu.memory_space<vmem>>, vector<16xi32>,
      tpu.vector_store %arg6[%swap3A_2135, %swap3A_2136], %broadcast_in_dim3A_2131 {strides = array<i32>} : memref<2x2048xi32, #tpu.memory_space<vmem>>, vector<16xi32>,
    }
    %scan3A_104 = arith.constant 128 : i32
    %scan3A_105 = arith.constant 0 : i32
    %scan3A_106 = arith.constant 0 : i32
    %scan3A_107 = arith.constant 80 : i32
    %scan3A_108 = arith.addi %scan3A_106, %scan3A_107 : i32
    %scan3A_109 = arith.constant 1 : i32
    scf.for %scan3A_2130 = %scan3A_106 to %scan3A_108 step %scan3A_109  : i32 {
      %get3A_2131 = arith.constant 1 : i32
      %get3A_2132 = arith.index_cast %get3A_2131 : i32 to index
      %get3A_2133 = arith.index_cast %scan3A_2130 : i32 to index
      %get3A_2134 = arith.constant 0 : index
      %get3A_2135 = tpu.vector_load %arg5[%get3A_2132, %get3A_2133, %get3A_2134] {strides = array<i32>} : memref<2x80x16xi32, #tpu.memory_space<vmem>>, vector<16xi32>,
      %mul3A_2136 = arith.constant 16 : i32
      %mul3A_2137 = arith.muli %scan3A_2130, %mul3A_2136 : i32
      %add3A_2138 = arith.addi %mul3A_0, %mul3A_2137 : i32
      %add3A_2139 = vector.broadcast %add3A_2138 : i32 to vector<16xi32>
      %add3A_2140 = arith.addi %add3A_2139, %iota3A : vector<16xi32>
      %add3A_2141 = arith.constant 1 : i32
      %add3A_2142 = vector.broadcast %add3A_2141 : i32 to vector<16xi32>
      %add3A_2143 = arith.addi %add3A_2140, %add3A_2142 : vector<16xi32>
      %lt3A = arith.constant 2048 : i32
      %lt3A_2144 = vector.broadcast %lt3A : i32 to vector<16xi32>
      %lt3A_2145 = arith.cmpi slt, %get3A_2135, %lt3A_2144 : vector<16xi32>
      %scatter3A = arith.constant 1 : i32
      %scatter3A_2146 = arith.constant 0 : i32
      %scatter3A_2147 = tpu.memref_slice %arg6[%scatter3A, %scatter3A_2146] : memref<2x2048xi32, #tpu.memory_space<vmem>> -> memref<1x2048xi32, #tpu.memory_space<vmem>>
      %scatter3A_2148 = tpu.memref_squeeze %scatter3A_2147 : memref<1x2048xi32, #tpu.memory_space<vmem>> -> memref<2048xi32, #tpu.memory_space<vmem>>
      tpu.vector_store_idx %scatter3A_2148[%get3A_2135], %add3A_2143 masked %lt3A_2145 : memref<2048xi32, #tpu.memory_space<vmem>>[vector<16xi32>], vector<16xi32>, vector<16xi1>
    }
    %scan3A_110 = arith.constant 80 : i32
    %dma_start3A_111 = arith.constant 1 : i32
    %dma_start3A_112 = arith.constant 1 : i32
    %dma_start3A_113 = arith.constant 0 : i32
    %dma_start3A_114 = tpu.memref_slice %arg6[%dma_start3A_111, %dma_start3A_113] : memref<2x2048xi32, #tpu.memory_space<vmem>> -> memref<1x2048xi32, #tpu.memory_space<vmem>>
    %dma_start3A_115 = tpu.memref_squeeze %dma_start3A_114 : memref<1x2048xi32, #tpu.memory_space<vmem>> -> memref<2048xi32, #tpu.memory_space<vmem>>
    %dma_start3A_116 = arith.constant 0 : i32
    %dma_start3A_117 = tpu.memref_slice %arg10[%dma_start3A_112, %arg1, %dma_start3A_116] : memref<2x16x2048xi32, #tpu.memory_space<vmem_shared>> -> memref<1x1x2048xi32, #tpu.memory_space<vmem_shared>>
    %dma_start3A_118 = tpu.memref_squeeze %dma_start3A_117 : memref<1x1x2048xi32, #tpu.memory_space<vmem_shared>> -> memref<2048xi32, #tpu.memory_space<vmem_shared>>
    %dma_start3A_119 = arith.constant 0 : i32
    %dma_start3A_120 = tpu.memref_slice %arg10[%dma_start3A_112, %arg1, %dma_start3A_119] : memref<2x16x2048xi32, #tpu.memory_space<vmem_shared>> -> memref<1x1x2048xi32, #tpu.memory_space<vmem_shared>>
    %dma_start3A_121 = tpu.memref_squeeze %dma_start3A_120 : memref<1x1x2048xi32, #tpu.memory_space<vmem_shared>> -> memref<2048xi32, #tpu.memory_space<vmem_shared>>
    %dma_start3A_122 = arith.constant 0 : i32
    %dma_start3A_123 = tpu.memref_slice %arg6[%dma_start3A_111, %dma_start3A_122] : memref<2x2048xi32, #tpu.memory_space<vmem>> -> memref<1x2048xi32, #tpu.memory_space<vmem>>
    %dma_start3A_124 = tpu.memref_squeeze %dma_start3A_123 : memref<1x2048xi32, #tpu.memory_space<vmem>> -> memref<2048xi32, #tpu.memory_space<vmem>>
    tpu.enqueue_dma source(%dma_start3A_124 : memref<2048xi32, #tpu.memory_space<vmem>>) target(%dma_start3A_121 : memref<2048xi32, #tpu.memory_space<vmem_shared>>) target_semaphore(%arg12 : memref<!tpu.dma_semaphore, #tpu.memory_space<semaphore_mem>>)
    %dma_wait3A_125 = arith.constant 0 : i32
    %dma_wait3A_126 = arith.constant 0 : i32
    %dma_wait3A_127 = arith.constant 0 : i32
    %dma_wait3A_128 = tpu.memref_slice %arg6[%dma_wait3A_125, %dma_wait3A_127] : memref<2x2048xi32, #tpu.memory_space<vmem>> -> memref<1x2048xi32, #tpu.memory_space<vmem>>
    %dma_wait3A_129 = tpu.memref_squeeze %dma_wait3A_128 : memref<1x2048xi32, #tpu.memory_space<vmem>> -> memref<2048xi32, #tpu.memory_space<vmem>>
    %dma_wait3A_130 = arith.constant 0 : i32
    %dma_wait3A_131 = tpu.memref_slice %arg10[%dma_wait3A_126, %arg1, %dma_wait3A_130] : memref<2x16x2048xi32, #tpu.memory_space<vmem_shared>> -> memref<1x1x2048xi32, #tpu.memory_space<vmem_shared>>
    %dma_wait3A_132 = tpu.memref_squeeze %dma_wait3A_131 : memref<1x1x2048xi32, #tpu.memory_space<vmem_shared>> -> memref<2048xi32, #tpu.memory_space<vmem_shared>>
    %dma_wait3A_133 = arith.constant 0 : i32
    %dma_wait3A_134 = tpu.memref_slice %arg10[%dma_wait3A_126, %arg1, %dma_wait3A_133] : memref<2x16x2048xi32, #tpu.memory_space<vmem_shared>> -> memref<1x1x2048xi32, #tpu.memory_space<vmem_shared>>
    %dma_wait3A_135 = tpu.memref_squeeze %dma_wait3A_134 : memref<1x1x2048xi32, #tpu.memory_space<vmem_shared>> -> memref<2048xi32, #tpu.memory_space<vmem_shared>>
    %dma_wait3A_136 = arith.constant 0 : i32
    %dma_wait3A_137 = tpu.memref_slice %arg6[%dma_wait3A_125, %dma_wait3A_136] : memref<2x2048xi32, #tpu.memory_space<vmem>> -> memref<1x2048xi32, #tpu.memory_space<vmem>>
    %dma_wait3A_138 = tpu.memref_squeeze %dma_wait3A_137 : memref<1x2048xi32, #tpu.memory_space<vmem>> -> memref<2048xi32, #tpu.memory_space<vmem>>
    tpu.wait_dma2 semaphore(%arg12 : memref<!tpu.dma_semaphore, #tpu.memory_space<semaphore_mem>>) src(%dma_wait3A_138 : memref<2048xi32, #tpu.memory_space<vmem>>) dst(%dma_wait3A_135 : memref<2048xi32, #tpu.memory_space<vmem_shared>>)
    %dma_wait3A_139 = arith.constant 1 : i32
    %dma_wait3A_140 = arith.constant 1 : i32
    %dma_wait3A_141 = arith.constant 0 : i32
    %dma_wait3A_142 = tpu.memref_slice %arg6[%dma_wait3A_139, %dma_wait3A_141] : memref<2x2048xi32, #tpu.memory_space<vmem>> -> memref<1x2048xi32, #tpu.memory_space<vmem>>
    %dma_wait3A_143 = tpu.memref_squeeze %dma_wait3A_142 : memref<1x2048xi32, #tpu.memory_space<vmem>> -> memref<2048xi32, #tpu.memory_space<vmem>>
    %dma_wait3A_144 = arith.constant 0 : i32
    %dma_wait3A_145 = tpu.memref_slice %arg10[%dma_wait3A_140, %arg1, %dma_wait3A_144] : memref<2x16x2048xi32, #tpu.memory_space<vmem_shared>> -> memref<1x1x2048xi32, #tpu.memory_space<vmem_shared>>
    %dma_wait3A_146 = tpu.memref_squeeze %dma_wait3A_145 : memref<1x1x2048xi32, #tpu.memory_space<vmem_shared>> -> memref<2048xi32, #tpu.memory_space<vmem_shared>>
    %dma_wait3A_147 = arith.constant 0 : i32
    %dma_wait3A_148 = tpu.memref_slice %arg10[%dma_wait3A_140, %arg1, %dma_wait3A_147] : memref<2x16x2048xi32, #tpu.memory_space<vmem_shared>> -> memref<1x1x2048xi32, #tpu.memory_space<vmem_shared>>
    %dma_wait3A_149 = tpu.memref_squeeze %dma_wait3A_148 : memref<1x1x2048xi32, #tpu.memory_space<vmem_shared>> -> memref<2048xi32, #tpu.memory_space<vmem_shared>>
    %dma_wait3A_150 = arith.constant 0 : i32
    %dma_wait3A_151 = tpu.memref_slice %arg6[%dma_wait3A_139, %dma_wait3A_150] : memref<2x2048xi32, #tpu.memory_space<vmem>> -> memref<1x2048xi32, #tpu.memory_space<vmem>>
    %dma_wait3A_152 = tpu.memref_squeeze %dma_wait3A_151 : memref<1x2048xi32, #tpu.memory_space<vmem>> -> memref<2048xi32, #tpu.memory_space<vmem>>
    tpu.wait_dma2 semaphore(%arg12 : memref<!tpu.dma_semaphore, #tpu.memory_space<semaphore_mem>>) src(%dma_wait3A_152 : memref<2048xi32, #tpu.memory_space<vmem>>) dst(%dma_wait3A_149 : memref<2048xi32, #tpu.memory_space<vmem_shared>>)
    %barrier3A = arith.constant 0 : index
    tpu.barrier barrier_id(%barrier3A)
    %mul3A_153 = arith.constant 128 : i32
    %mul3A_154 = arith.muli %arg1, %mul3A_153 : i32
    %run_scoped3A = arith.constant 0 : i32
    %run_scoped3A_155 = arith.constant 0 : i32
    "tpu.region"() ({
      %run_scoped3A_2130 = tpu.sem_alloc : memref<!tpu.dma_semaphore, #tpu.memory_space<semaphore_mem>>
      %dma_start3A_2131 = arith.constant 0 : i32
      %dma_start3A_2132 = arith.constant 0 : i32
      %dma_start3A_2133 = tpu.memref_slice %arg7[%run_scoped3A_155, %dma_start3A_2131, %dma_start3A_2132] : memref<2x16x128xi32, #tpu.memory_space<vmem>> -> memref<1x16x128xi32, #tpu.memory_space<vmem>>
      %dma_start3A_2134 = tpu.memref_squeeze %dma_start3A_2133 : memref<1x16x128xi32, #tpu.memory_space<vmem>> -> memref<16x128xi32, #tpu.memory_space<vmem>>
      %dma_start3A_2135 = arith.constant 0 : i32
      %dma_start3A_2136 = tpu.memref_slice %arg10[%run_scoped3A, %dma_start3A_2135, %mul3A_154] : memref<2x16x2048xi32, #tpu.memory_space<vmem_shared>> -> memref<1x16x128xi32, #tpu.memory_space<vmem_shared>>
      %dma_start3A_2137 = tpu.memref_squeeze %dma_start3A_2136 : memref<1x16x128xi32, #tpu.memory_space<vmem_shared>> -> memref<16x128xi32, #tpu.memory_space<vmem_shared>>
      %dma_start3A_2138 = arith.constant 0 : i32
      %dma_start3A_2139 = arith.constant 0 : i32
      %dma_start3A_2140 = tpu.memref_slice %arg7[%run_scoped3A_155, %dma_start3A_2138, %dma_start3A_2139] : memref<2x16x128xi32, #tpu.memory_space<vmem>> -> memref<1x16x128xi32, #tpu.memory_space<vmem>>
      %dma_start3A_2141 = tpu.memref_squeeze %dma_start3A_2140 : memref<1x16x128xi32, #tpu.memory_space<vmem>> -> memref<16x128xi32, #tpu.memory_space<vmem>>
      %dma_start3A_2142 = arith.constant 0 : i32
      %dma_start3A_2143 = tpu.memref_slice %arg10[%run_scoped3A, %dma_start3A_2142, %mul3A_154] : memref<2x16x2048xi32, #tpu.memory_space<vmem_shared>> -> memref<1x16x128xi32, #tpu.memory_space<vmem_shared>>
      %dma_start3A_2144 = tpu.memref_squeeze %dma_start3A_2143 : memref<1x16x128xi32, #tpu.memory_space<vmem_shared>> -> memref<16x128xi32, #tpu.memory_space<vmem_shared>>
      tpu.enqueue_dma source(%dma_start3A_2144 : memref<16x128xi32, #tpu.memory_space<vmem_shared>>) target(%dma_start3A_2141 : memref<16x128xi32, #tpu.memory_space<vmem>>) target_semaphore(%run_scoped3A_2130 : memref<!tpu.dma_semaphore, #tpu.memory_space<semaphore_mem>>)
      %dma_wait3A_2145 = arith.constant 0 : i32
      %dma_wait3A_2146 = arith.constant 0 : i32
      %dma_wait3A_2147 = tpu.memref_slice %arg7[%run_scoped3A_155, %dma_wait3A_2145, %dma_wait3A_2146] : memref<2x16x128xi32, #tpu.memory_space<vmem>> -> memref<1x16x128xi32, #tpu.memory_space<vmem>>
      %dma_wait3A_2148 = tpu.memref_squeeze %dma_wait3A_2147 : memref<1x16x128xi32, #tpu.memory_space<vmem>> -> memref<16x128xi32, #tpu.memory_space<vmem>>
      %dma_wait3A_2149 = arith.constant 0 : i32
      %dma_wait3A_2150 = tpu.memref_slice %arg10[%run_scoped3A, %dma_wait3A_2149, %mul3A_154] : memref<2x16x2048xi32, #tpu.memory_space<vmem_shared>> -> memref<1x16x128xi32, #tpu.memory_space<vmem_shared>>
      %dma_wait3A_2151 = tpu.memref_squeeze %dma_wait3A_2150 : memref<1x16x128xi32, #tpu.memory_space<vmem_shared>> -> memref<16x128xi32, #tpu.memory_space<vmem_shared>>
      %dma_wait3A_2152 = arith.constant 0 : i32
      %dma_wait3A_2153 = arith.constant 0 : i32
      %dma_wait3A_2154 = tpu.memref_slice %arg7[%run_scoped3A_155, %dma_wait3A_2152, %dma_wait3A_2153] : memref<2x16x128xi32, #tpu.memory_space<vmem>> -> memref<1x16x128xi32, #tpu.memory_space<vmem>>
      %dma_wait3A_2155 = tpu.memref_squeeze %dma_wait3A_2154 : memref<1x16x128xi32, #tpu.memory_space<vmem>> -> memref<16x128xi32, #tpu.memory_space<vmem>>
      %dma_wait3A_2156 = arith.constant 0 : i32
      %dma_wait3A_2157 = tpu.memref_slice %arg10[%run_scoped3A, %dma_wait3A_2156, %mul3A_154] : memref<2x16x2048xi32, #tpu.memory_space<vmem_shared>> -> memref<1x16x128xi32, #tpu.memory_space<vmem_shared>>
      %dma_wait3A_2158 = tpu.memref_squeeze %dma_wait3A_2157 : memref<1x16x128xi32, #tpu.memory_space<vmem_shared>> -> memref<16x128xi32, #tpu.memory_space<vmem_shared>>
      tpu.wait_dma2 semaphore(%run_scoped3A_2130 : memref<!tpu.dma_semaphore, #tpu.memory_space<semaphore_mem>>) src(%dma_wait3A_2158 : memref<16x128xi32, #tpu.memory_space<vmem_shared>>) dst(%dma_wait3A_2155 : memref<16x128xi32, #tpu.memory_space<vmem>>)
      tpu.yield
    }) : () -> ()
    %mul3A_156 = arith.constant 128 : i32
    %mul3A_157 = arith.muli %arg1, %mul3A_156 : i32
    %run_scoped3A_158 = arith.constant 1 : i32
    %run_scoped3A_159 = arith.constant 1 : i32
    "tpu.region"() ({
      %run_scoped3A_2130 = tpu.sem_alloc : memref<!tpu.dma_semaphore, #tpu.memory_space<semaphore_mem>>
      %dma_start3A_2131 = arith.constant 0 : i32
      %dma_start3A_2132 = arith.constant 0 : i32
      %dma_start3A_2133 = tpu.memref_slice %arg7[%run_scoped3A_159, %dma_start3A_2131, %dma_start3A_2132] : memref<2x16x128xi32, #tpu.memory_space<vmem>> -> memref<1x16x128xi32, #tpu.memory_space<vmem>>
      %dma_start3A_2134 = tpu.memref_squeeze %dma_start3A_2133 : memref<1x16x128xi32, #tpu.memory_space<vmem>> -> memref<16x128xi32, #tpu.memory_space<vmem>>
      %dma_start3A_2135 = arith.constant 0 : i32
      %dma_start3A_2136 = tpu.memref_slice %arg10[%run_scoped3A_158, %dma_start3A_2135, %mul3A_157] : memref<2x16x2048xi32, #tpu.memory_space<vmem_shared>> -> memref<1x16x128xi32, #tpu.memory_space<vmem_shared>>
      %dma_start3A_2137 = tpu.memref_squeeze %dma_start3A_2136 : memref<1x16x128xi32, #tpu.memory_space<vmem_shared>> -> memref<16x128xi32, #tpu.memory_space<vmem_shared>>
      %dma_start3A_2138 = arith.constant 0 : i32
      %dma_start3A_2139 = arith.constant 0 : i32
      %dma_start3A_2140 = tpu.memref_slice %arg7[%run_scoped3A_159, %dma_start3A_2138, %dma_start3A_2139] : memref<2x16x128xi32, #tpu.memory_space<vmem>> -> memref<1x16x128xi32, #tpu.memory_space<vmem>>
      %dma_start3A_2141 = tpu.memref_squeeze %dma_start3A_2140 : memref<1x16x128xi32, #tpu.memory_space<vmem>> -> memref<16x128xi32, #tpu.memory_space<vmem>>
      %dma_start3A_2142 = arith.constant 0 : i32
      %dma_start3A_2143 = tpu.memref_slice %arg10[%run_scoped3A_158, %dma_start3A_2142, %mul3A_157] : memref<2x16x2048xi32, #tpu.memory_space<vmem_shared>> -> memref<1x16x128xi32, #tpu.memory_space<vmem_shared>>
      %dma_start3A_2144 = tpu.memref_squeeze %dma_start3A_2143 : memref<1x16x128xi32, #tpu.memory_space<vmem_shared>> -> memref<16x128xi32, #tpu.memory_space<vmem_shared>>
      tpu.enqueue_dma source(%dma_start3A_2144 : memref<16x128xi32, #tpu.memory_space<vmem_shared>>) target(%dma_start3A_2141 : memref<16x128xi32, #tpu.memory_space<vmem>>) target_semaphore(%run_scoped3A_2130 : memref<!tpu.dma_semaphore, #tpu.memory_space<semaphore_mem>>)
      %dma_wait3A_2145 = arith.constant 0 : i32
      %dma_wait3A_2146 = arith.constant 0 : i32
      %dma_wait3A_2147 = tpu.memref_slice %arg7[%run_scoped3A_159, %dma_wait3A_2145, %dma_wait3A_2146] : memref<2x16x128xi32, #tpu.memory_space<vmem>> -> memref<1x16x128xi32, #tpu.memory_space<vmem>>
      %dma_wait3A_2148 = tpu.memref_squeeze %dma_wait3A_2147 : memref<1x16x128xi32, #tpu.memory_space<vmem>> -> memref<16x128xi32, #tpu.memory_space<vmem>>
      %dma_wait3A_2149 = arith.constant 0 : i32
      %dma_wait3A_2150 = tpu.memref_slice %arg10[%run_scoped3A_158, %dma_wait3A_2149, %mul3A_157] : memref<2x16x2048xi32, #tpu.memory_space<vmem_shared>> -> memref<1x16x128xi32, #tpu.memory_space<vmem_shared>>
      %dma_wait3A_2151 = tpu.memref_squeeze %dma_wait3A_2150 : memref<1x16x128xi32, #tpu.memory_space<vmem_shared>> -> memref<16x128xi32, #tpu.memory_space<vmem_shared>>
      %dma_wait3A_2152 = arith.constant 0 : i32
      %dma_wait3A_2153 = arith.constant 0 : i32
      %dma_wait3A_2154 = tpu.memref_slice %arg7[%run_scoped3A_159, %dma_wait3A_2152, %dma_wait3A_2153] : memref<2x16x128xi32, #tpu.memory_space<vmem>> -> memref<1x16x128xi32, #tpu.memory_space<vmem>>
      %dma_wait3A_2155 = tpu.memref_squeeze %dma_wait3A_2154 : memref<1x16x128xi32, #tpu.memory_space<vmem>> -> memref<16x128xi32, #tpu.memory_space<vmem>>
      %dma_wait3A_2156 = arith.constant 0 : i32
      %dma_wait3A_2157 = tpu.memref_slice %arg10[%run_scoped3A_158, %dma_wait3A_2156, %mul3A_157] : memref<2x16x2048xi32, #tpu.memory_space<vmem_shared>> -> memref<1x16x128xi32, #tpu.memory_space<vmem_shared>>
      %dma_wait3A_2158 = tpu.memref_squeeze %dma_wait3A_2157 : memref<1x16x128xi32, #tpu.memory_space<vmem_shared>> -> memref<16x128xi32, #tpu.memory_space<vmem_shared>>
      tpu.wait_dma2 semaphore(%run_scoped3A_2130 : memref<!tpu.dma_semaphore, #tpu.memory_space<semaphore_mem>>) src(%dma_wait3A_2158 : memref<16x128xi32, #tpu.memory_space<vmem_shared>>) dst(%dma_wait3A_2155 : memref<16x128xi32, #tpu.memory_space<vmem>>)
      tpu.yield
    }) : () -> ()
    %get3A = arith.constant 0 : i32
    %get3A_160 = arith.constant 0 : i32
    %get3A_161 = arith.index_cast %get3A : i32 to index
    %get3A_162 = arith.index_cast %get3A_160 : i32 to index
    %get3A_163 = arith.constant 0 : index
    %get3A_164 = tpu.vector_load %arg7[%get3A_161, %get3A_162, %get3A_163] {strides = array<i32>} : memref<2x16x128xi32, #tpu.memory_space<vmem>>, vector<16xi32>,
    %get3A_165 = arith.constant 0 : i32
    %get3A_166 = arith.constant 1 : i32
    %get3A_167 = arith.index_cast %get3A_165 : i32 to index
    %get3A_168 = arith.index_cast %get3A_166 : i32 to index
    %get3A_169 = arith.constant 0 : index
    %get3A_170 = tpu.vector_load %arg7[%get3A_167, %get3A_168, %get3A_169] {strides = array<i32>} : memref<2x16x128xi32, #tpu.memory_space<vmem>>, vector<16xi32>,
    %max3A = arith.maxsi %get3A_164, %get3A_170 : vector<16xi32>
    %get3A_171 = arith.constant 0 : i32
    %get3A_172 = arith.constant 2 : i32
    %get3A_173 = arith.index_cast %get3A_171 : i32 to index
    %get3A_174 = arith.index_cast %get3A_172 : i32 to index
    %get3A_175 = arith.constant 0 : index
    %get3A_176 = tpu.vector_load %arg7[%get3A_173, %get3A_174, %get3A_175] {strides = array<i32>} : memref<2x16x128xi32, #tpu.memory_space<vmem>>, vector<16xi32>,
    %max3A_177 = arith.maxsi %max3A, %get3A_176 : vector<16xi32>
    %get3A_178 = arith.constant 0 : i32
    %get3A_179 = arith.constant 3 : i32
    %get3A_180 = arith.index_cast %get3A_178 : i32 to index
    %get3A_181 = arith.index_cast %get3A_179 : i32 to index
    %get3A_182 = arith.constant 0 : index
    %get3A_183 = tpu.vector_load %arg7[%get3A_180, %get3A_181, %get3A_182] {strides = array<i32>} : memref<2x16x128xi32, #tpu.memory_space<vmem>>, vector<16xi32>,
    %max3A_184 = arith.maxsi %max3A_177, %get3A_183 : vector<16xi32>
    %get3A_185 = arith.constant 0 : i32
    %get3A_186 = arith.constant 4 : i32
    %get3A_187 = arith.index_cast %get3A_185 : i32 to index
    %get3A_188 = arith.index_cast %get3A_186 : i32 to index
    %get3A_189 = arith.constant 0 : index
    %get3A_190 = tpu.vector_load %arg7[%get3A_187, %get3A_188, %get3A_189] {strides = array<i32>} : memref<2x16x128xi32, #tpu.memory_space<vmem>>, vector<16xi32>,
    %max3A_191 = arith.maxsi %max3A_184, %get3A_190 : vector<16xi32>
    %get3A_192 = arith.constant 0 : i32
    %get3A_193 = arith.constant 5 : i32
    %get3A_194 = arith.index_cast %get3A_192 : i32 to index
    %get3A_195 = arith.index_cast %get3A_193 : i32 to index
    %get3A_196 = arith.constant 0 : index
    %get3A_197 = tpu.vector_load %arg7[%get3A_194, %get3A_195, %get3A_196] {strides = array<i32>} : memref<2x16x128xi32, #tpu.memory_space<vmem>>, vector<16xi32>,
    %max3A_198 = arith.maxsi %max3A_191, %get3A_197 : vector<16xi32>
    %get3A_199 = arith.constant 0 : i32
    %get3A_200 = arith.constant 6 : i32
    %get3A_201 = arith.index_cast %get3A_199 : i32 to index
    %get3A_202 = arith.index_cast %get3A_200 : i32 to index
    %get3A_203 = arith.constant 0 : index
    %get3A_204 = tpu.vector_load %arg7[%get3A_201, %get3A_202, %get3A_203] {strides = array<i32>} : memref<2x16x128xi32, #tpu.memory_space<vmem>>, vector<16xi32>,
    %max3A_205 = arith.maxsi %max3A_198, %get3A_204 : vector<16xi32>
    %get3A_206 = arith.constant 0 : i32
    %get3A_207 = arith.constant 7 : i32
    %get3A_208 = arith.index_cast %get3A_206 : i32 to index
    %get3A_209 = arith.index_cast %get3A_207 : i32 to index
    %get3A_210 = arith.constant 0 : index
    %get3A_211 = tpu.vector_load %arg7[%get3A_208, %get3A_209, %get3A_210] {strides = array<i32>} : memref<2x16x128xi32, #tpu.memory_space<vmem>>, vector<16xi32>,
    %max3A_212 = arith.maxsi %max3A_205, %get3A_211 : vector<16xi32>
    %get3A_213 = arith.constant 0 : i32
    %get3A_214 = arith.constant 8 : i32
    %get3A_215 = arith.index_cast %get3A_213 : i32 to index
    %get3A_216 = arith.index_cast %get3A_214 : i32 to index
    %get3A_217 = arith.constant 0 : index
    %get3A_218 = tpu.vector_load %arg7[%get3A_215, %get3A_216, %get3A_217] {strides = array<i32>} : memref<2x16x128xi32, #tpu.memory_space<vmem>>, vector<16xi32>,
    %max3A_219 = arith.maxsi %max3A_212, %get3A_218 : vector<16xi32>
    %get3A_220 = arith.constant 0 : i32
    %get3A_221 = arith.constant 9 : i32
    %get3A_222 = arith.index_cast %get3A_220 : i32 to index
    %get3A_223 = arith.index_cast %get3A_221 : i32 to index
    %get3A_224 = arith.constant 0 : index
    %get3A_225 = tpu.vector_load %arg7[%get3A_222, %get3A_223, %get3A_224] {strides = array<i32>} : memref<2x16x128xi32, #tpu.memory_space<vmem>>, vector<16xi32>,
    %max3A_226 = arith.maxsi %max3A_219, %get3A_225 : vector<16xi32>
    %get3A_227 = arith.constant 0 : i32
    %get3A_228 = arith.constant 10 : i32
    %get3A_229 = arith.index_cast %get3A_227 : i32 to index
    %get3A_230 = arith.index_cast %get3A_228 : i32 to index
    %get3A_231 = arith.constant 0 : index
    %get3A_232 = tpu.vector_load %arg7[%get3A_229, %get3A_230, %get3A_231] {strides = array<i32>} : memref<2x16x128xi32, #tpu.memory_space<vmem>>, vector<16xi32>,
    %max3A_233 = arith.maxsi %max3A_226, %get3A_232 : vector<16xi32>
    %get3A_234 = arith.constant 0 : i32
    %get3A_235 = arith.constant 11 : i32
    %get3A_236 = arith.index_cast %get3A_234 : i32 to index
    %get3A_237 = arith.index_cast %get3A_235 : i32 to index
    %get3A_238 = arith.constant 0 : index
    %get3A_239 = tpu.vector_load %arg7[%get3A_236, %get3A_237, %get3A_238] {strides = array<i32>} : memref<2x16x128xi32, #tpu.memory_space<vmem>>, vector<16xi32>,
    %max3A_240 = arith.maxsi %max3A_233, %get3A_239 : vector<16xi32>
    %get3A_241 = arith.constant 0 : i32
    %get3A_242 = arith.constant 12 : i32
    %get3A_243 = arith.index_cast %get3A_241 : i32 to index
    %get3A_244 = arith.index_cast %get3A_242 : i32 to index
    %get3A_245 = arith.constant 0 : index
    %get3A_246 = tpu.vector_load %arg7[%get3A_243, %get3A_244, %get3A_245] {strides = array<i32>} : memref<2x16x128xi32, #tpu.memory_space<vmem>>, vector<16xi32>,
    %max3A_247 = arith.maxsi %max3A_240, %get3A_246 : vector<16xi32>
    %get3A_248 = arith.constant 0 : i32
    %get3A_249 = arith.constant 13 : i32
    %get3A_250 = arith.index_cast %get3A_248 : i32 to index
    %get3A_251 = arith.index_cast %get3A_249 : i32 to index
    %get3A_252 = arith.constant 0 : index
    %get3A_253 = tpu.vector_load %arg7[%get3A_250, %get3A_251, %get3A_252] {strides = array<i32>} : memref<2x16x128xi32, #tpu.memory_space<vmem>>, vector<16xi32>,
    %max3A_254 = arith.maxsi %max3A_247, %get3A_253 : vector<16xi32>
    %get3A_255 = arith.constant 0 : i32
    %get3A_256 = arith.constant 14 : i32
    %get3A_257 = arith.index_cast %get3A_255 : i32 to index
    %get3A_258 = arith.index_cast %get3A_256 : i32 to index
    %get3A_259 = arith.constant 0 : index
    %get3A_260 = tpu.vector_load %arg7[%get3A_257, %get3A_258, %get3A_259] {strides = array<i32>} : memref<2x16x128xi32, #tpu.memory_space<vmem>>, vector<16xi32>,
    %max3A_261 = arith.maxsi %max3A_254, %get3A_260 : vector<16xi32>
    %get3A_262 = arith.constant 0 : i32
    %get3A_263 = arith.constant 15 : i32
    %get3A_264 = arith.index_cast %get3A_262 : i32 to index
    %get3A_265 = arith.index_cast %get3A_263 : i32 to index
    %get3A_266 = arith.constant 0 : index
    %get3A_267 = tpu.vector_load %arg7[%get3A_264, %get3A_265, %get3A_266] {strides = array<i32>} : memref<2x16x128xi32, #tpu.memory_space<vmem>>, vector<16xi32>,
    %max3A_268 = arith.maxsi %max3A_261, %get3A_267 : vector<16xi32>
    %sub3A = arith.constant 1 : i32
    %sub3A_269 = vector.broadcast %sub3A : i32 to vector<16xi32>
    %sub3A_270 = arith.subi %max3A_268, %sub3A_269 : vector<16xi32>
    %swap3A = arith.constant 0 : i32
    %swap3A_271 = arith.index_cast %swap3A : i32 to index
    %swap3A_272 = arith.constant 0 : index
    %swap3A_273 = tpu.vector_load %arg8[%swap3A_271, %swap3A_272] {strides = array<i32>} : memref<2x128xi32, #tpu.memory_space<vmem>>, vector<16xi32>,
    tpu.vector_store %arg8[%swap3A_271, %swap3A_272], %sub3A_270 {strides = array<i32>} : memref<2x128xi32, #tpu.memory_space<vmem>>, vector<16xi32>,
    %get3A_274 = arith.constant 0 : i32
    %get3A_275 = arith.constant 0 : i32
    %get3A_276 = arith.index_cast %get3A_274 : i32 to index
    %get3A_277 = arith.index_cast %get3A_275 : i32 to index
    %get3A_278 = arith.constant 16 : index
    %get3A_279 = tpu.vector_load %arg7[%get3A_276, %get3A_277, %get3A_278] {strides = array<i32>} : memref<2x16x128xi32, #tpu.memory_space<vmem>>, vector<16xi32>,
    %get3A_280 = arith.constant 0 : i32
    %get3A_281 = arith.constant 1 : i32
    %get3A_282 = arith.index_cast %get3A_280 : i32 to index
    %get3A_283 = arith.index_cast %get3A_281 : i32 to index
    %get3A_284 = arith.constant 16 : index
    %get3A_285 = tpu.vector_load %arg7[%get3A_282, %get3A_283, %get3A_284] {strides = array<i32>} : memref<2x16x128xi32, #tpu.memory_space<vmem>>, vector<16xi32>,
    %max3A_286 = arith.maxsi %get3A_279, %get3A_285 : vector<16xi32>
    %get3A_287 = arith.constant 0 : i32
    %get3A_288 = arith.constant 2 : i32
    %get3A_289 = arith.index_cast %get3A_287 : i32 to index
    %get3A_290 = arith.index_cast %get3A_288 : i32 to index
    %get3A_291 = arith.constant 16 : index
    %get3A_292 = tpu.vector_load %arg7[%get3A_289, %get3A_290, %get3A_291] {strides = array<i32>} : memref<2x16x128xi32, #tpu.memory_space<vmem>>, vector<16xi32>,
    %max3A_293 = arith.maxsi %max3A_286, %get3A_292 : vector<16xi32>
    %get3A_294 = arith.constant 0 : i32
    %get3A_295 = arith.constant 3 : i32
    %get3A_296 = arith.index_cast %get3A_294 : i32 to index
    %get3A_297 = arith.index_cast %get3A_295 : i32 to index
    %get3A_298 = arith.constant 16 : index
    %get3A_299 = tpu.vector_load %arg7[%get3A_296, %get3A_297, %get3A_298] {strides = array<i32>} : memref<2x16x128xi32, #tpu.memory_space<vmem>>, vector<16xi32>,
    %max3A_300 = arith.maxsi %max3A_293, %get3A_299 : vector<16xi32>
    %get3A_301 = arith.constant 0 : i32
    %get3A_302 = arith.constant 4 : i32
    %get3A_303 = arith.index_cast %get3A_301 : i32 to index
    %get3A_304 = arith.index_cast %get3A_302 : i32 to index
    %get3A_305 = arith.constant 16 : index
    %get3A_306 = tpu.vector_load %arg7[%get3A_303, %get3A_304, %get3A_305] {strides = array<i32>} : memref<2x16x128xi32, #tpu.memory_space<vmem>>, vector<16xi32>,
    %max3A_307 = arith.maxsi %max3A_300, %get3A_306 : vector<16xi32>
    %get3A_308 = arith.constant 0 : i32
    %get3A_309 = arith.constant 5 : i32
    %get3A_310 = arith.index_cast %get3A_308 : i32 to index
    %get3A_311 = arith.index_cast %get3A_309 : i32 to index
    %get3A_312 = arith.constant 16 : index
    %get3A_313 = tpu.vector_load %arg7[%get3A_310, %get3A_311, %get3A_312] {strides = array<i32>} : memref<2x16x128xi32, #tpu.memory_space<vmem>>, vector<16xi32>,
    %max3A_314 = arith.maxsi %max3A_307, %get3A_313 : vector<16xi32>
    %get3A_315 = arith.constant 0 : i32
    %get3A_316 = arith.constant 6 : i32
    %get3A_317 = arith.index_cast %get3A_315 : i32 to index
    %get3A_318 = arith.index_cast %get3A_316 : i32 to index
    %get3A_319 = arith.constant 16 : index
    %get3A_320 = tpu.vector_load %arg7[%get3A_317, %get3A_318, %get3A_319] {strides = array<i32>} : memref<2x16x128xi32, #tpu.memory_space<vmem>>, vector<16xi32>,
    %max3A_321 = arith.maxsi %max3A_314, %get3A_320 : vector<16xi32>
    %get3A_322 = arith.constant 0 : i32
    %get3A_323 = arith.constant 7 : i32
    %get3A_324 = arith.index_cast %get3A_322 : i32 to index
    %get3A_325 = arith.index_cast %get3A_323 : i32 to index
    %get3A_326 = arith.constant 16 : index
    %get3A_327 = tpu.vector_load %arg7[%get3A_324, %get3A_325, %get3A_326] {strides = array<i32>} : memref<2x16x128xi32, #tpu.memory_space<vmem>>, vector<16xi32>,
    %max3A_328 = arith.maxsi %max3A_321, %get3A_327 : vector<16xi32>
    %get3A_329 = arith.constant 0 : i32
    %get3A_330 = arith.constant 8 : i32
    %get3A_331 = arith.index_cast %get3A_329 : i32 to index
    %get3A_332 = arith.index_cast %get3A_330 : i32 to index
    %get3A_333 = arith.constant 16 : index
    %get3A_334 = tpu.vector_load %arg7[%get3A_331, %get3A_332, %get3A_333] {strides = array<i32>} : memref<2x16x128xi32, #tpu.memory_space<vmem>>, vector<16xi32>,
    %max3A_335 = arith.maxsi %max3A_328, %get3A_334 : vector<16xi32>
    %get3A_336 = arith.constant 0 : i32
    %get3A_337 = arith.constant 9 : i32
    %get3A_338 = arith.index_cast %get3A_336 : i32 to index
    %get3A_339 = arith.index_cast %get3A_337 : i32 to index
    %get3A_340 = arith.constant 16 : index
    %get3A_341 = tpu.vector_load %arg7[%get3A_338, %get3A_339, %get3A_340] {strides = array<i32>} : memref<2x16x128xi32, #tpu.memory_space<vmem>>, vector<16xi32>,
    %max3A_342 = arith.maxsi %max3A_335, %get3A_341 : vector<16xi32>
    %get3A_343 = arith.constant 0 : i32
    %get3A_344 = arith.constant 10 : i32
    %get3A_345 = arith.index_cast %get3A_343 : i32 to index
    %get3A_346 = arith.index_cast %get3A_344 : i32 to index
    %get3A_347 = arith.constant 16 : index
    %get3A_348 = tpu.vector_load %arg7[%get3A_345, %get3A_346, %get3A_347] {strides = array<i32>} : memref<2x16x128xi32, #tpu.memory_space<vmem>>, vector<16xi32>,
    %max3A_349 = arith.maxsi %max3A_342, %get3A_348 : vector<16xi32>
    %get3A_350 = arith.constant 0 : i32
    %get3A_351 = arith.constant 11 : i32
    %get3A_352 = arith.index_cast %get3A_350 : i32 to index
    %get3A_353 = arith.index_cast %get3A_351 : i32 to index
    %get3A_354 = arith.constant 16 : index
    %get3A_355 = tpu.vector_load %arg7[%get3A_352, %get3A_353, %get3A_354] {strides = array<i32>} : memref<2x16x128xi32, #tpu.memory_space<vmem>>, vector<16xi32>,
    %max3A_356 = arith.maxsi %max3A_349, %get3A_355 : vector<16xi32>
    %get3A_357 = arith.constant 0 : i32
    %get3A_358 = arith.constant 12 : i32
    %get3A_359 = arith.index_cast %get3A_357 : i32 to index
    %get3A_360 = arith.index_cast %get3A_358 : i32 to index
    %get3A_361 = arith.constant 16 : index
    %get3A_362 = tpu.vector_load %arg7[%get3A_359, %get3A_360, %get3A_361] {strides = array<i32>} : memref<2x16x128xi32, #tpu.memory_space<vmem>>, vector<16xi32>,
    %max3A_363 = arith.maxsi %max3A_356, %get3A_362 : vector<16xi32>
    %get3A_364 = arith.constant 0 : i32
    %get3A_365 = arith.constant 13 : i32
    %get3A_366 = arith.index_cast %get3A_364 : i32 to index
    %get3A_367 = arith.index_cast %get3A_365 : i32 to index
    %get3A_368 = arith.constant 16 : index
    %get3A_369 = tpu.vector_load %arg7[%get3A_366, %get3A_367, %get3A_368] {strides = array<i32>} : memref<2x16x128xi32, #tpu.memory_space<vmem>>, vector<16xi32>,
    %max3A_370 = arith.maxsi %max3A_363, %get3A_369 : vector<16xi32>
    %get3A_371 = arith.constant 0 : i32
    %get3A_372 = arith.constant 14 : i32
    %get3A_373 = arith.index_cast %get3A_371 : i32 to index
    %get3A_374 = arith.index_cast %get3A_372 : i32 to index
    %get3A_375 = arith.constant 16 : index
    %get3A_376 = tpu.vector_load %arg7[%get3A_373, %get3A_374, %get3A_375] {strides = array<i32>} : memref<2x16x128xi32, #tpu.memory_space<vmem>>, vector<16xi32>,
    %max3A_377 = arith.maxsi %max3A_370, %get3A_376 : vector<16xi32>
    %get3A_378 = arith.constant 0 : i32
    %get3A_379 = arith.constant 15 : i32
    %get3A_380 = arith.index_cast %get3A_378 : i32 to index
    %get3A_381 = arith.index_cast %get3A_379 : i32 to index
    %get3A_382 = arith.constant 16 : index
    %get3A_383 = tpu.vector_load %arg7[%get3A_380, %get3A_381, %get3A_382] {strides = array<i32>} : memref<2x16x128xi32, #tpu.memory_space<vmem>>, vector<16xi32>,
    %max3A_384 = arith.maxsi %max3A_377, %get3A_383 : vector<16xi32>
    %sub3A_385 = arith.constant 1 : i32
    %sub3A_386 = vector.broadcast %sub3A_385 : i32 to vector<16xi32>
    %sub3A_387 = arith.subi %max3A_384, %sub3A_386 : vector<16xi32>
    %swap3A_388 = arith.constant 0 : i32
    %swap3A_389 = arith.index_cast %swap3A_388 : i32 to index
    %swap3A_390 = arith.constant 16 : index
    %swap3A_391 = tpu.vector_load %arg8[%swap3A_389, %swap3A_390] {strides = array<i32>} : memref<2x128xi32, #tpu.memory_space<vmem>>, vector<16xi32>,
    tpu.vector_store %arg8[%swap3A_389, %swap3A_390], %sub3A_387 {strides = array<i32>} : memref<2x128xi32, #tpu.memory_space<vmem>>, vector<16xi32>,
    %get3A_392 = arith.constant 0 : i32
    %get3A_393 = arith.constant 0 : i32
    %get3A_394 = arith.index_cast %get3A_392 : i32 to index
    %get3A_395 = arith.index_cast %get3A_393 : i32 to index
    %get3A_396 = arith.constant 32 : index
    %get3A_397 = tpu.vector_load %arg7[%get3A_394, %get3A_395, %get3A_396] {strides = array<i32>} : memref<2x16x128xi32, #tpu.memory_space<vmem>>, vector<16xi32>,
    %get3A_398 = arith.constant 0 : i32
    %get3A_399 = arith.constant 1 : i32
    %get3A_400 = arith.index_cast %get3A_398 : i32 to index
    %get3A_401 = arith.index_cast %get3A_399 : i32 to index
    %get3A_402 = arith.constant 32 : index
    %get3A_403 = tpu.vector_load %arg7[%get3A_400, %get3A_401, %get3A_402] {strides = array<i32>} : memref<2x16x128xi32, #tpu.memory_space<vmem>>, vector<16xi32>,
    %max3A_404 = arith.maxsi %get3A_397, %get3A_403 : vector<16xi32>
    %get3A_405 = arith.constant 0 : i32
    %get3A_406 = arith.constant 2 : i32
    %get3A_407 = arith.index_cast %get3A_405 : i32 to index
    %get3A_408 = arith.index_cast %get3A_406 : i32 to index
    %get3A_409 = arith.constant 32 : index
    %get3A_410 = tpu.vector_load %arg7[%get3A_407, %get3A_408, %get3A_409] {strides = array<i32>} : memref<2x16x128xi32, #tpu.memory_space<vmem>>, vector<16xi32>,
    %max3A_411 = arith.maxsi %max3A_404, %get3A_410 : vector<16xi32>
    %get3A_412 = arith.constant 0 : i32
    %get3A_413 = arith.constant 3 : i32
    %get3A_414 = arith.index_cast %get3A_412 : i32 to index
    %get3A_415 = arith.index_cast %get3A_413 : i32 to index
    %get3A_416 = arith.constant 32 : index
    %get3A_417 = tpu.vector_load %arg7[%get3A_414, %get3A_415, %get3A_416] {strides = array<i32>} : memref<2x16x128xi32, #tpu.memory_space<vmem>>, vector<16xi32>,
    %max3A_418 = arith.maxsi %max3A_411, %get3A_417 : vector<16xi32>
    %get3A_419 = arith.constant 0 : i32
    %get3A_420 = arith.constant 4 : i32
    %get3A_421 = arith.index_cast %get3A_419 : i32 to index
    %get3A_422 = arith.index_cast %get3A_420 : i32 to index
    %get3A_423 = arith.constant 32 : index
    %get3A_424 = tpu.vector_load %arg7[%get3A_421, %get3A_422, %get3A_423] {strides = array<i32>} : memref<2x16x128xi32, #tpu.memory_space<vmem>>, vector<16xi32>,
    %max3A_425 = arith.maxsi %max3A_418, %get3A_424 : vector<16xi32>
    %get3A_426 = arith.constant 0 : i32
    %get3A_427 = arith.constant 5 : i32
    %get3A_428 = arith.index_cast %get3A_426 : i32 to index
    %get3A_429 = arith.index_cast %get3A_427 : i32 to index
    %get3A_430 = arith.constant 32 : index
    %get3A_431 = tpu.vector_load %arg7[%get3A_428, %get3A_429, %get3A_430] {strides = array<i32>} : memref<2x16x128xi32, #tpu.memory_space<vmem>>, vector<16xi32>,
    %max3A_432 = arith.maxsi %max3A_425, %get3A_431 : vector<16xi32>
    %get3A_433 = arith.constant 0 : i32
    %get3A_434 = arith.constant 6 : i32
    %get3A_435 = arith.index_cast %get3A_433 : i32 to index
    %get3A_436 = arith.index_cast %get3A_434 : i32 to index
    %get3A_437 = arith.constant 32 : index
    %get3A_438 = tpu.vector_load %arg7[%get3A_435, %get3A_436, %get3A_437] {strides = array<i32>} : memref<2x16x128xi32, #tpu.memory_space<vmem>>, vector<16xi32>,
    %max3A_439 = arith.maxsi %max3A_432, %get3A_438 : vector<16xi32>
    %get3A_440 = arith.constant 0 : i32
    %get3A_441 = arith.constant 7 : i32
    %get3A_442 = arith.index_cast %get3A_440 : i32 to index
    %get3A_443 = arith.index_cast %get3A_441 : i32 to index
    %get3A_444 = arith.constant 32 : index
    %get3A_445 = tpu.vector_load %arg7[%get3A_442, %get3A_443, %get3A_444] {strides = array<i32>} : memref<2x16x128xi32, #tpu.memory_space<vmem>>, vector<16xi32>,
    %max3A_446 = arith.maxsi %max3A_439, %get3A_445 : vector<16xi32>
    %get3A_447 = arith.constant 0 : i32
    %get3A_448 = arith.constant 8 : i32
    %get3A_449 = arith.index_cast %get3A_447 : i32 to index
    %get3A_450 = arith.index_cast %get3A_448 : i32 to index
    %get3A_451 = arith.constant 32 : index
    %get3A_452 = tpu.vector_load %arg7[%get3A_449, %get3A_450, %get3A_451] {strides = array<i32>} : memref<2x16x128xi32, #tpu.memory_space<vmem>>, vector<16xi32>,
    %max3A_453 = arith.maxsi %max3A_446, %get3A_452 : vector<16xi32>
    %get3A_454 = arith.constant 0 : i32
    %get3A_455 = arith.constant 9 : i32
    %get3A_456 = arith.index_cast %get3A_454 : i32 to index
    %get3A_457 = arith.index_cast %get3A_455 : i32 to index
    %get3A_458 = arith.constant 32 : index
    %get3A_459 = tpu.vector_load %arg7[%get3A_456, %get3A_457, %get3A_458] {strides = array<i32>} : memref<2x16x128xi32, #tpu.memory_space<vmem>>, vector<16xi32>,
    %max3A_460 = arith.maxsi %max3A_453, %get3A_459 : vector<16xi32>
    %get3A_461 = arith.constant 0 : i32
    %get3A_462 = arith.constant 10 : i32
    %get3A_463 = arith.index_cast %get3A_461 : i32 to index
    %get3A_464 = arith.index_cast %get3A_462 : i32 to index
    %get3A_465 = arith.constant 32 : index
    %get3A_466 = tpu.vector_load %arg7[%get3A_463, %get3A_464, %get3A_465] {strides = array<i32>} : memref<2x16x128xi32, #tpu.memory_space<vmem>>, vector<16xi32>,
    %max3A_467 = arith.maxsi %max3A_460, %get3A_466 : vector<16xi32>
    %get3A_468 = arith.constant 0 : i32
    %get3A_469 = arith.constant 11 : i32
    %get3A_470 = arith.index_cast %get3A_468 : i32 to index
    %get3A_471 = arith.index_cast %get3A_469 : i32 to index
    %get3A_472 = arith.constant 32 : index
    %get3A_473 = tpu.vector_load %arg7[%get3A_470, %get3A_471, %get3A_472] {strides = array<i32>} : memref<2x16x128xi32, #tpu.memory_space<vmem>>, vector<16xi32>,
    %max3A_474 = arith.maxsi %max3A_467, %get3A_473 : vector<16xi32>
    %get3A_475 = arith.constant 0 : i32
    %get3A_476 = arith.constant 12 : i32
    %get3A_477 = arith.index_cast %get3A_475 : i32 to index
    %get3A_478 = arith.index_cast %get3A_476 : i32 to index
    %get3A_479 = arith.constant 32 : index
    %get3A_480 = tpu.vector_load %arg7[%get3A_477, %get3A_478, %get3A_479] {strides = array<i32>} : memref<2x16x128xi32, #tpu.memory_space<vmem>>, vector<16xi32>,
    %max3A_481 = arith.maxsi %max3A_474, %get3A_480 : vector<16xi32>
    %get3A_482 = arith.constant 0 : i32
    %get3A_483 = arith.constant 13 : i32
    %get3A_484 = arith.index_cast %get3A_482 : i32 to index
    %get3A_485 = arith.index_cast %get3A_483 : i32 to index
    %get3A_486 = arith.constant 32 : index
    %get3A_487 = tpu.vector_load %arg7[%get3A_484, %get3A_485, %get3A_486] {strides = array<i32>} : memref<2x16x128xi32, #tpu.memory_space<vmem>>, vector<16xi32>,
    %max3A_488 = arith.maxsi %max3A_481, %get3A_487 : vector<16xi32>
    %get3A_489 = arith.constant 0 : i32
    %get3A_490 = arith.constant 14 : i32
    %get3A_491 = arith.index_cast %get3A_489 : i32 to index
    %get3A_492 = arith.index_cast %get3A_490 : i32 to index
    %get3A_493 = arith.constant 32 : index
    %get3A_494 = tpu.vector_load %arg7[%get3A_491, %get3A_492, %get3A_493] {strides = array<i32>} : memref<2x16x128xi32, #tpu.memory_space<vmem>>, vector<16xi32>,
    %max3A_495 = arith.maxsi %max3A_488, %get3A_494 : vector<16xi32>
    %get3A_496 = arith.constant 0 : i32
    %get3A_497 = arith.constant 15 : i32
    %get3A_498 = arith.index_cast %get3A_496 : i32 to index
    %get3A_499 = arith.index_cast %get3A_497 : i32 to index
    %get3A_500 = arith.constant 32 : index
    %get3A_501 = tpu.vector_load %arg7[%get3A_498, %get3A_499, %get3A_500] {strides = array<i32>} : memref<2x16x128xi32, #tpu.memory_space<vmem>>, vector<16xi32>,
    %max3A_502 = arith.maxsi %max3A_495, %get3A_501 : vector<16xi32>
    %sub3A_503 = arith.constant 1 : i32
    %sub3A_504 = vector.broadcast %sub3A_503 : i32 to vector<16xi32>
    %sub3A_505 = arith.subi %max3A_502, %sub3A_504 : vector<16xi32>
    %swap3A_506 = arith.constant 0 : i32
    %swap3A_507 = arith.index_cast %swap3A_506 : i32 to index
    %swap3A_508 = arith.constant 32 : index
    %swap3A_509 = tpu.vector_load %arg8[%swap3A_507, %swap3A_508] {strides = array<i32>} : memref<2x128xi32, #tpu.memory_space<vmem>>, vector<16xi32>,
    tpu.vector_store %arg8[%swap3A_507, %swap3A_508], %sub3A_505 {strides = array<i32>} : memref<2x128xi32, #tpu.memory_space<vmem>>, vector<16xi32>,
    %get3A_510 = arith.constant 0 : i32
    %get3A_511 = arith.constant 0 : i32
    %get3A_512 = arith.index_cast %get3A_510 : i32 to index
    %get3A_513 = arith.index_cast %get3A_511 : i32 to index
    %get3A_514 = arith.constant 48 : index
    %get3A_515 = tpu.vector_load %arg7[%get3A_512, %get3A_513, %get3A_514] {strides = array<i32>} : memref<2x16x128xi32, #tpu.memory_space<vmem>>, vector<16xi32>,
    %get3A_516 = arith.constant 0 : i32
    %get3A_517 = arith.constant 1 : i32
    %get3A_518 = arith.index_cast %get3A_516 : i32 to index
    %get3A_519 = arith.index_cast %get3A_517 : i32 to index
    %get3A_520 = arith.constant 48 : index
    %get3A_521 = tpu.vector_load %arg7[%get3A_518, %get3A_519, %get3A_520] {strides = array<i32>} : memref<2x16x128xi32, #tpu.memory_space<vmem>>, vector<16xi32>,
    %max3A_522 = arith.maxsi %get3A_515, %get3A_521 : vector<16xi32>
    %get3A_523 = arith.constant 0 : i32
    %get3A_524 = arith.constant 2 : i32
    %get3A_525 = arith.index_cast %get3A_523 : i32 to index
    %get3A_526 = arith.index_cast %get3A_524 : i32 to index
    %get3A_527 = arith.constant 48 : index
    %get3A_528 = tpu.vector_load %arg7[%get3A_525, %get3A_526, %get3A_527] {strides = array<i32>} : memref<2x16x128xi32, #tpu.memory_space<vmem>>, vector<16xi32>,
    %max3A_529 = arith.maxsi %max3A_522, %get3A_528 : vector<16xi32>
    %get3A_530 = arith.constant 0 : i32
    %get3A_531 = arith.constant 3 : i32
    %get3A_532 = arith.index_cast %get3A_530 : i32 to index
    %get3A_533 = arith.index_cast %get3A_531 : i32 to index
    %get3A_534 = arith.constant 48 : index
    %get3A_535 = tpu.vector_load %arg7[%get3A_532, %get3A_533, %get3A_534] {strides = array<i32>} : memref<2x16x128xi32, #tpu.memory_space<vmem>>, vector<16xi32>,
    %max3A_536 = arith.maxsi %max3A_529, %get3A_535 : vector<16xi32>
    %get3A_537 = arith.constant 0 : i32
    %get3A_538 = arith.constant 4 : i32
    %get3A_539 = arith.index_cast %get3A_537 : i32 to index
    %get3A_540 = arith.index_cast %get3A_538 : i32 to index
    %get3A_541 = arith.constant 48 : index
    %get3A_542 = tpu.vector_load %arg7[%get3A_539, %get3A_540, %get3A_541] {strides = array<i32>} : memref<2x16x128xi32, #tpu.memory_space<vmem>>, vector<16xi32>,
    %max3A_543 = arith.maxsi %max3A_536, %get3A_542 : vector<16xi32>
    %get3A_544 = arith.constant 0 : i32
    %get3A_545 = arith.constant 5 : i32
    %get3A_546 = arith.index_cast %get3A_544 : i32 to index
    %get3A_547 = arith.index_cast %get3A_545 : i32 to index
    %get3A_548 = arith.constant 48 : index
    %get3A_549 = tpu.vector_load %arg7[%get3A_546, %get3A_547, %get3A_548] {strides = array<i32>} : memref<2x16x128xi32, #tpu.memory_space<vmem>>, vector<16xi32>,
    %max3A_550 = arith.maxsi %max3A_543, %get3A_549 : vector<16xi32>
    %get3A_551 = arith.constant 0 : i32
    %get3A_552 = arith.constant 6 : i32
    %get3A_553 = arith.index_cast %get3A_551 : i32 to index
    %get3A_554 = arith.index_cast %get3A_552 : i32 to index
    %get3A_555 = arith.constant 48 : index
    %get3A_556 = tpu.vector_load %arg7[%get3A_553, %get3A_554, %get3A_555] {strides = array<i32>} : memref<2x16x128xi32, #tpu.memory_space<vmem>>, vector<16xi32>,
    %max3A_557 = arith.maxsi %max3A_550, %get3A_556 : vector<16xi32>
    %get3A_558 = arith.constant 0 : i32
    %get3A_559 = arith.constant 7 : i32
    %get3A_560 = arith.index_cast %get3A_558 : i32 to index
    %get3A_561 = arith.index_cast %get3A_559 : i32 to index
    %get3A_562 = arith.constant 48 : index
    %get3A_563 = tpu.vector_load %arg7[%get3A_560, %get3A_561, %get3A_562] {strides = array<i32>} : memref<2x16x128xi32, #tpu.memory_space<vmem>>, vector<16xi32>,
    %max3A_564 = arith.maxsi %max3A_557, %get3A_563 : vector<16xi32>
    %get3A_565 = arith.constant 0 : i32
    %get3A_566 = arith.constant 8 : i32
    %get3A_567 = arith.index_cast %get3A_565 : i32 to index
    %get3A_568 = arith.index_cast %get3A_566 : i32 to index
    %get3A_569 = arith.constant 48 : index
    %get3A_570 = tpu.vector_load %arg7[%get3A_567, %get3A_568, %get3A_569] {strides = array<i32>} : memref<2x16x128xi32, #tpu.memory_space<vmem>>, vector<16xi32>,
    %max3A_571 = arith.maxsi %max3A_564, %get3A_570 : vector<16xi32>
    %get3A_572 = arith.constant 0 : i32
    %get3A_573 = arith.constant 9 : i32
    %get3A_574 = arith.index_cast %get3A_572 : i32 to index
    %get3A_575 = arith.index_cast %get3A_573 : i32 to index
    %get3A_576 = arith.constant 48 : index
    %get3A_577 = tpu.vector_load %arg7[%get3A_574, %get3A_575, %get3A_576] {strides = array<i32>} : memref<2x16x128xi32, #tpu.memory_space<vmem>>, vector<16xi32>,
    %max3A_578 = arith.maxsi %max3A_571, %get3A_577 : vector<16xi32>
    %get3A_579 = arith.constant 0 : i32
    %get3A_580 = arith.constant 10 : i32
    %get3A_581 = arith.index_cast %get3A_579 : i32 to index
    %get3A_582 = arith.index_cast %get3A_580 : i32 to index
    %get3A_583 = arith.constant 48 : index
    %get3A_584 = tpu.vector_load %arg7[%get3A_581, %get3A_582, %get3A_583] {strides = array<i32>} : memref<2x16x128xi32, #tpu.memory_space<vmem>>, vector<16xi32>,
    %max3A_585 = arith.maxsi %max3A_578, %get3A_584 : vector<16xi32>
    %get3A_586 = arith.constant 0 : i32
    %get3A_587 = arith.constant 11 : i32
    %get3A_588 = arith.index_cast %get3A_586 : i32 to index
    %get3A_589 = arith.index_cast %get3A_587 : i32 to index
    %get3A_590 = arith.constant 48 : index
    %get3A_591 = tpu.vector_load %arg7[%get3A_588, %get3A_589, %get3A_590] {strides = array<i32>} : memref<2x16x128xi32, #tpu.memory_space<vmem>>, vector<16xi32>,
    %max3A_592 = arith.maxsi %max3A_585, %get3A_591 : vector<16xi32>
    %get3A_593 = arith.constant 0 : i32
    %get3A_594 = arith.constant 12 : i32
    %get3A_595 = arith.index_cast %get3A_593 : i32 to index
    %get3A_596 = arith.index_cast %get3A_594 : i32 to index
    %get3A_597 = arith.constant 48 : index
    %get3A_598 = tpu.vector_load %arg7[%get3A_595, %get3A_596, %get3A_597] {strides = array<i32>} : memref<2x16x128xi32, #tpu.memory_space<vmem>>, vector<16xi32>,
    %max3A_599 = arith.maxsi %max3A_592, %get3A_598 : vector<16xi32>
    %get3A_600 = arith.constant 0 : i32
    %get3A_601 = arith.constant 13 : i32
    %get3A_602 = arith.index_cast %get3A_600 : i32 to index
    %get3A_603 = arith.index_cast %get3A_601 : i32 to index
    %get3A_604 = arith.constant 48 : index
    %get3A_605 = tpu.vector_load %arg7[%get3A_602, %get3A_603, %get3A_604] {strides = array<i32>} : memref<2x16x128xi32, #tpu.memory_space<vmem>>, vector<16xi32>,
    %max3A_606 = arith.maxsi %max3A_599, %get3A_605 : vector<16xi32>
    %get3A_607 = arith.constant 0 : i32
    %get3A_608 = arith.constant 14 : i32
    %get3A_609 = arith.index_cast %get3A_607 : i32 to index
    %get3A_610 = arith.index_cast %get3A_608 : i32 to index
    %get3A_611 = arith.constant 48 : index
    %get3A_612 = tpu.vector_load %arg7[%get3A_609, %get3A_610, %get3A_611] {strides = array<i32>} : memref<2x16x128xi32, #tpu.memory_space<vmem>>, vector<16xi32>,
    %max3A_613 = arith.maxsi %max3A_606, %get3A_612 : vector<16xi32>
    %get3A_614 = arith.constant 0 : i32
    %get3A_615 = arith.constant 15 : i32
    %get3A_616 = arith.index_cast %get3A_614 : i32 to index
    %get3A_617 = arith.index_cast %get3A_615 : i32 to index
    %get3A_618 = arith.constant 48 : index
    %get3A_619 = tpu.vector_load %arg7[%get3A_616, %get3A_617, %get3A_618] {strides = array<i32>} : memref<2x16x128xi32, #tpu.memory_space<vmem>>, vector<16xi32>,
    %max3A_620 = arith.maxsi %max3A_613, %get3A_619 : vector<16xi32>
    %sub3A_621 = arith.constant 1 : i32
    %sub3A_622 = vector.broadcast %sub3A_621 : i32 to vector<16xi32>
    %sub3A_623 = arith.subi %max3A_620, %sub3A_622 : vector<16xi32>
    %swap3A_624 = arith.constant 0 : i32
    %swap3A_625 = arith.index_cast %swap3A_624 : i32 to index
    %swap3A_626 = arith.constant 48 : index
    %swap3A_627 = tpu.vector_load %arg8[%swap3A_625, %swap3A_626] {strides = array<i32>} : memref<2x128xi32, #tpu.memory_space<vmem>>, vector<16xi32>,
    tpu.vector_store %arg8[%swap3A_625, %swap3A_626], %sub3A_623 {strides = array<i32>} : memref<2x128xi32, #tpu.memory_space<vmem>>, vector<16xi32>,
    %get3A_628 = arith.constant 0 : i32
    %get3A_629 = arith.constant 0 : i32
    %get3A_630 = arith.index_cast %get3A_628 : i32 to index
    %get3A_631 = arith.index_cast %get3A_629 : i32 to index
    %get3A_632 = arith.constant 64 : index
    %get3A_633 = tpu.vector_load %arg7[%get3A_630, %get3A_631, %get3A_632] {strides = array<i32>} : memref<2x16x128xi32, #tpu.memory_space<vmem>>, vector<16xi32>,
    %get3A_634 = arith.constant 0 : i32
    %get3A_635 = arith.constant 1 : i32
    %get3A_636 = arith.index_cast %get3A_634 : i32 to index
    %get3A_637 = arith.index_cast %get3A_635 : i32 to index
    %get3A_638 = arith.constant 64 : index
    %get3A_639 = tpu.vector_load %arg7[%get3A_636, %get3A_637, %get3A_638] {strides = array<i32>} : memref<2x16x128xi32, #tpu.memory_space<vmem>>, vector<16xi32>,
    %max3A_640 = arith.maxsi %get3A_633, %get3A_639 : vector<16xi32>
    %get3A_641 = arith.constant 0 : i32
    %get3A_642 = arith.constant 2 : i32
    %get3A_643 = arith.index_cast %get3A_641 : i32 to index
    %get3A_644 = arith.index_cast %get3A_642 : i32 to index
    %get3A_645 = arith.constant 64 : index
    %get3A_646 = tpu.vector_load %arg7[%get3A_643, %get3A_644, %get3A_645] {strides = array<i32>} : memref<2x16x128xi32, #tpu.memory_space<vmem>>, vector<16xi32>,
    %max3A_647 = arith.maxsi %max3A_640, %get3A_646 : vector<16xi32>
    %get3A_648 = arith.constant 0 : i32
    %get3A_649 = arith.constant 3 : i32
    %get3A_650 = arith.index_cast %get3A_648 : i32 to index
    %get3A_651 = arith.index_cast %get3A_649 : i32 to index
    %get3A_652 = arith.constant 64 : index
    %get3A_653 = tpu.vector_load %arg7[%get3A_650, %get3A_651, %get3A_652] {strides = array<i32>} : memref<2x16x128xi32, #tpu.memory_space<vmem>>, vector<16xi32>,
    %max3A_654 = arith.maxsi %max3A_647, %get3A_653 : vector<16xi32>
    %get3A_655 = arith.constant 0 : i32
    %get3A_656 = arith.constant 4 : i32
    %get3A_657 = arith.index_cast %get3A_655 : i32 to index
    %get3A_658 = arith.index_cast %get3A_656 : i32 to index
    %get3A_659 = arith.constant 64 : index
    %get3A_660 = tpu.vector_load %arg7[%get3A_657, %get3A_658, %get3A_659] {strides = array<i32>} : memref<2x16x128xi32, #tpu.memory_space<vmem>>, vector<16xi32>,
    %max3A_661 = arith.maxsi %max3A_654, %get3A_660 : vector<16xi32>
    %get3A_662 = arith.constant 0 : i32
    %get3A_663 = arith.constant 5 : i32
    %get3A_664 = arith.index_cast %get3A_662 : i32 to index
    %get3A_665 = arith.index_cast %get3A_663 : i32 to index
    %get3A_666 = arith.constant 64 : index
    %get3A_667 = tpu.vector_load %arg7[%get3A_664, %get3A_665, %get3A_666] {strides = array<i32>} : memref<2x16x128xi32, #tpu.memory_space<vmem>>, vector<16xi32>,
    %max3A_668 = arith.maxsi %max3A_661, %get3A_667 : vector<16xi32>
    %get3A_669 = arith.constant 0 : i32
    %get3A_670 = arith.constant 6 : i32
    %get3A_671 = arith.index_cast %get3A_669 : i32 to index
    %get3A_672 = arith.index_cast %get3A_670 : i32 to index
    %get3A_673 = arith.constant 64 : index
    %get3A_674 = tpu.vector_load %arg7[%get3A_671, %get3A_672, %get3A_673] {strides = array<i32>} : memref<2x16x128xi32, #tpu.memory_space<vmem>>, vector<16xi32>,
    %max3A_675 = arith.maxsi %max3A_668, %get3A_674 : vector<16xi32>
    %get3A_676 = arith.constant 0 : i32
    %get3A_677 = arith.constant 7 : i32
    %get3A_678 = arith.index_cast %get3A_676 : i32 to index
    %get3A_679 = arith.index_cast %get3A_677 : i32 to index
    %get3A_680 = arith.constant 64 : index
    %get3A_681 = tpu.vector_load %arg7[%get3A_678, %get3A_679, %get3A_680] {strides = array<i32>} : memref<2x16x128xi32, #tpu.memory_space<vmem>>, vector<16xi32>,
    %max3A_682 = arith.maxsi %max3A_675, %get3A_681 : vector<16xi32>
    %get3A_683 = arith.constant 0 : i32
    %get3A_684 = arith.constant 8 : i32
    %get3A_685 = arith.index_cast %get3A_683 : i32 to index
    %get3A_686 = arith.index_cast %get3A_684 : i32 to index
    %get3A_687 = arith.constant 64 : index
    %get3A_688 = tpu.vector_load %arg7[%get3A_685, %get3A_686, %get3A_687] {strides = array<i32>} : memref<2x16x128xi32, #tpu.memory_space<vmem>>, vector<16xi32>,
    %max3A_689 = arith.maxsi %max3A_682, %get3A_688 : vector<16xi32>
    %get3A_690 = arith.constant 0 : i32
    %get3A_691 = arith.constant 9 : i32
    %get3A_692 = arith.index_cast %get3A_690 : i32 to index
    %get3A_693 = arith.index_cast %get3A_691 : i32 to index
    %get3A_694 = arith.constant 64 : index
    %get3A_695 = tpu.vector_load %arg7[%get3A_692, %get3A_693, %get3A_694] {strides = array<i32>} : memref<2x16x128xi32, #tpu.memory_space<vmem>>, vector<16xi32>,
    %max3A_696 = arith.maxsi %max3A_689, %get3A_695 : vector<16xi32>
    %get3A_697 = arith.constant 0 : i32
    %get3A_698 = arith.constant 10 : i32
    %get3A_699 = arith.index_cast %get3A_697 : i32 to index
    %get3A_700 = arith.index_cast %get3A_698 : i32 to index
    %get3A_701 = arith.constant 64 : index
    %get3A_702 = tpu.vector_load %arg7[%get3A_699, %get3A_700, %get3A_701] {strides = array<i32>} : memref<2x16x128xi32, #tpu.memory_space<vmem>>, vector<16xi32>,
    %max3A_703 = arith.maxsi %max3A_696, %get3A_702 : vector<16xi32>
    %get3A_704 = arith.constant 0 : i32
    %get3A_705 = arith.constant 11 : i32
    %get3A_706 = arith.index_cast %get3A_704 : i32 to index
    %get3A_707 = arith.index_cast %get3A_705 : i32 to index
    %get3A_708 = arith.constant 64 : index
    %get3A_709 = tpu.vector_load %arg7[%get3A_706, %get3A_707, %get3A_708] {strides = array<i32>} : memref<2x16x128xi32, #tpu.memory_space<vmem>>, vector<16xi32>,
    %max3A_710 = arith.maxsi %max3A_703, %get3A_709 : vector<16xi32>
    %get3A_711 = arith.constant 0 : i32
    %get3A_712 = arith.constant 12 : i32
    %get3A_713 = arith.index_cast %get3A_711 : i32 to index
    %get3A_714 = arith.index_cast %get3A_712 : i32 to index
    %get3A_715 = arith.constant 64 : index
    %get3A_716 = tpu.vector_load %arg7[%get3A_713, %get3A_714, %get3A_715] {strides = array<i32>} : memref<2x16x128xi32, #tpu.memory_space<vmem>>, vector<16xi32>,
    %max3A_717 = arith.maxsi %max3A_710, %get3A_716 : vector<16xi32>
    %get3A_718 = arith.constant 0 : i32
    %get3A_719 = arith.constant 13 : i32
    %get3A_720 = arith.index_cast %get3A_718 : i32 to index
    %get3A_721 = arith.index_cast %get3A_719 : i32 to index
    %get3A_722 = arith.constant 64 : index
    %get3A_723 = tpu.vector_load %arg7[%get3A_720, %get3A_721, %get3A_722] {strides = array<i32>} : memref<2x16x128xi32, #tpu.memory_space<vmem>>, vector<16xi32>,
    %max3A_724 = arith.maxsi %max3A_717, %get3A_723 : vector<16xi32>
    %get3A_725 = arith.constant 0 : i32
    %get3A_726 = arith.constant 14 : i32
    %get3A_727 = arith.index_cast %get3A_725 : i32 to index
    %get3A_728 = arith.index_cast %get3A_726 : i32 to index
    %get3A_729 = arith.constant 64 : index
    %get3A_730 = tpu.vector_load %arg7[%get3A_727, %get3A_728, %get3A_729] {strides = array<i32>} : memref<2x16x128xi32, #tpu.memory_space<vmem>>, vector<16xi32>,
    %max3A_731 = arith.maxsi %max3A_724, %get3A_730 : vector<16xi32>
    %get3A_732 = arith.constant 0 : i32
    %get3A_733 = arith.constant 15 : i32
    %get3A_734 = arith.index_cast %get3A_732 : i32 to index
    %get3A_735 = arith.index_cast %get3A_733 : i32 to index
    %get3A_736 = arith.constant 64 : index
    %get3A_737 = tpu.vector_load %arg7[%get3A_734, %get3A_735, %get3A_736] {strides = array<i32>} : memref<2x16x128xi32, #tpu.memory_space<vmem>>, vector<16xi32>,
    %max3A_738 = arith.maxsi %max3A_731, %get3A_737 : vector<16xi32>
    %sub3A_739 = arith.constant 1 : i32
    %sub3A_740 = vector.broadcast %sub3A_739 : i32 to vector<16xi32>
    %sub3A_741 = arith.subi %max3A_738, %sub3A_740 : vector<16xi32>
    %swap3A_742 = arith.constant 0 : i32
    %swap3A_743 = arith.index_cast %swap3A_742 : i32 to index
    %swap3A_744 = arith.constant 64 : index
    %swap3A_745 = tpu.vector_load %arg8[%swap3A_743, %swap3A_744] {strides = array<i32>} : memref<2x128xi32, #tpu.memory_space<vmem>>, vector<16xi32>,
    tpu.vector_store %arg8[%swap3A_743, %swap3A_744], %sub3A_741 {strides = array<i32>} : memref<2x128xi32, #tpu.memory_space<vmem>>, vector<16xi32>,
    %get3A_746 = arith.constant 0 : i32
    %get3A_747 = arith.constant 0 : i32
    %get3A_748 = arith.index_cast %get3A_746 : i32 to index
    %get3A_749 = arith.index_cast %get3A_747 : i32 to index
    %get3A_750 = arith.constant 80 : index
    %get3A_751 = tpu.vector_load %arg7[%get3A_748, %get3A_749, %get3A_750] {strides = array<i32>} : memref<2x16x128xi32, #tpu.memory_space<vmem>>, vector<16xi32>,
    %get3A_752 = arith.constant 0 : i32
    %get3A_753 = arith.constant 1 : i32
    %get3A_754 = arith.index_cast %get3A_752 : i32 to index
    %get3A_755 = arith.index_cast %get3A_753 : i32 to index
    %get3A_756 = arith.constant 80 : index
    %get3A_757 = tpu.vector_load %arg7[%get3A_754, %get3A_755, %get3A_756] {strides = array<i32>} : memref<2x16x128xi32, #tpu.memory_space<vmem>>, vector<16xi32>,
    %max3A_758 = arith.maxsi %get3A_751, %get3A_757 : vector<16xi32>
    %get3A_759 = arith.constant 0 : i32
    %get3A_760 = arith.constant 2 : i32
    %get3A_761 = arith.index_cast %get3A_759 : i32 to index
    %get3A_762 = arith.index_cast %get3A_760 : i32 to index
    %get3A_763 = arith.constant 80 : index
    %get3A_764 = tpu.vector_load %arg7[%get3A_761, %get3A_762, %get3A_763] {strides = array<i32>} : memref<2x16x128xi32, #tpu.memory_space<vmem>>, vector<16xi32>,
    %max3A_765 = arith.maxsi %max3A_758, %get3A_764 : vector<16xi32>
    %get3A_766 = arith.constant 0 : i32
    %get3A_767 = arith.constant 3 : i32
    %get3A_768 = arith.index_cast %get3A_766 : i32 to index
    %get3A_769 = arith.index_cast %get3A_767 : i32 to index
    %get3A_770 = arith.constant 80 : index
    %get3A_771 = tpu.vector_load %arg7[%get3A_768, %get3A_769, %get3A_770] {strides = array<i32>} : memref<2x16x128xi32, #tpu.memory_space<vmem>>, vector<16xi32>,
    %max3A_772 = arith.maxsi %max3A_765, %get3A_771 : vector<16xi32>
    %get3A_773 = arith.constant 0 : i32
    %get3A_774 = arith.constant 4 : i32
    %get3A_775 = arith.index_cast %get3A_773 : i32 to index
    %get3A_776 = arith.index_cast %get3A_774 : i32 to index
    %get3A_777 = arith.constant 80 : index
    %get3A_778 = tpu.vector_load %arg7[%get3A_775, %get3A_776, %get3A_777] {strides = array<i32>} : memref<2x16x128xi32, #tpu.memory_space<vmem>>, vector<16xi32>,
    %max3A_779 = arith.maxsi %max3A_772, %get3A_778 : vector<16xi32>
    %get3A_780 = arith.constant 0 : i32
    %get3A_781 = arith.constant 5 : i32
    %get3A_782 = arith.index_cast %get3A_780 : i32 to index
    %get3A_783 = arith.index_cast %get3A_781 : i32 to index
    %get3A_784 = arith.constant 80 : index
    %get3A_785 = tpu.vector_load %arg7[%get3A_782, %get3A_783, %get3A_784] {strides = array<i32>} : memref<2x16x128xi32, #tpu.memory_space<vmem>>, vector<16xi32>,
    %max3A_786 = arith.maxsi %max3A_779, %get3A_785 : vector<16xi32>
    %get3A_787 = arith.constant 0 : i32
    %get3A_788 = arith.constant 6 : i32
    %get3A_789 = arith.index_cast %get3A_787 : i32 to index
    %get3A_790 = arith.index_cast %get3A_788 : i32 to index
    %get3A_791 = arith.constant 80 : index
    %get3A_792 = tpu.vector_load %arg7[%get3A_789, %get3A_790, %get3A_791] {strides = array<i32>} : memref<2x16x128xi32, #tpu.memory_space<vmem>>, vector<16xi32>,
    %max3A_793 = arith.maxsi %max3A_786, %get3A_792 : vector<16xi32>
    %get3A_794 = arith.constant 0 : i32
    %get3A_795 = arith.constant 7 : i32
    %get3A_796 = arith.index_cast %get3A_794 : i32 to index
    %get3A_797 = arith.index_cast %get3A_795 : i32 to index
    %get3A_798 = arith.constant 80 : index
    %get3A_799 = tpu.vector_load %arg7[%get3A_796, %get3A_797, %get3A_798] {strides = array<i32>} : memref<2x16x128xi32, #tpu.memory_space<vmem>>, vector<16xi32>,
    %max3A_800 = arith.maxsi %max3A_793, %get3A_799 : vector<16xi32>
    %get3A_801 = arith.constant 0 : i32
    %get3A_802 = arith.constant 8 : i32
    %get3A_803 = arith.index_cast %get3A_801 : i32 to index
    %get3A_804 = arith.index_cast %get3A_802 : i32 to index
    %get3A_805 = arith.constant 80 : index
    %get3A_806 = tpu.vector_load %arg7[%get3A_803, %get3A_804, %get3A_805] {strides = array<i32>} : memref<2x16x128xi32, #tpu.memory_space<vmem>>, vector<16xi32>,
    %max3A_807 = arith.maxsi %max3A_800, %get3A_806 : vector<16xi32>
    %get3A_808 = arith.constant 0 : i32
    %get3A_809 = arith.constant 9 : i32
    %get3A_810 = arith.index_cast %get3A_808 : i32 to index
    %get3A_811 = arith.index_cast %get3A_809 : i32 to index
    %get3A_812 = arith.constant 80 : index
    %get3A_813 = tpu.vector_load %arg7[%get3A_810, %get3A_811, %get3A_812] {strides = array<i32>} : memref<2x16x128xi32, #tpu.memory_space<vmem>>, vector<16xi32>,
    %max3A_814 = arith.maxsi %max3A_807, %get3A_813 : vector<16xi32>
    %get3A_815 = arith.constant 0 : i32
    %get3A_816 = arith.constant 10 : i32
    %get3A_817 = arith.index_cast %get3A_815 : i32 to index
    %get3A_818 = arith.index_cast %get3A_816 : i32 to index
    %get3A_819 = arith.constant 80 : index
    %get3A_820 = tpu.vector_load %arg7[%get3A_817, %get3A_818, %get3A_819] {strides = array<i32>} : memref<2x16x128xi32, #tpu.memory_space<vmem>>, vector<16xi32>,
    %max3A_821 = arith.maxsi %max3A_814, %get3A_820 : vector<16xi32>
    %get3A_822 = arith.constant 0 : i32
    %get3A_823 = arith.constant 11 : i32
    %get3A_824 = arith.index_cast %get3A_822 : i32 to index
    %get3A_825 = arith.index_cast %get3A_823 : i32 to index
    %get3A_826 = arith.constant 80 : index
    %get3A_827 = tpu.vector_load %arg7[%get3A_824, %get3A_825, %get3A_826] {strides = array<i32>} : memref<2x16x128xi32, #tpu.memory_space<vmem>>, vector<16xi32>,
    %max3A_828 = arith.maxsi %max3A_821, %get3A_827 : vector<16xi32>
    %get3A_829 = arith.constant 0 : i32
    %get3A_830 = arith.constant 12 : i32
    %get3A_831 = arith.index_cast %get3A_829 : i32 to index
    %get3A_832 = arith.index_cast %get3A_830 : i32 to index
    %get3A_833 = arith.constant 80 : index
    %get3A_834 = tpu.vector_load %arg7[%get3A_831, %get3A_832, %get3A_833] {strides = array<i32>} : memref<2x16x128xi32, #tpu.memory_space<vmem>>, vector<16xi32>,
    %max3A_835 = arith.maxsi %max3A_828, %get3A_834 : vector<16xi32>
    %get3A_836 = arith.constant 0 : i32
    %get3A_837 = arith.constant 13 : i32
    %get3A_838 = arith.index_cast %get3A_836 : i32 to index
    %get3A_839 = arith.index_cast %get3A_837 : i32 to index
    %get3A_840 = arith.constant 80 : index
    %get3A_841 = tpu.vector_load %arg7[%get3A_838, %get3A_839, %get3A_840] {strides = array<i32>} : memref<2x16x128xi32, #tpu.memory_space<vmem>>, vector<16xi32>,
    %max3A_842 = arith.maxsi %max3A_835, %get3A_841 : vector<16xi32>
    %get3A_843 = arith.constant 0 : i32
    %get3A_844 = arith.constant 14 : i32
    %get3A_845 = arith.index_cast %get3A_843 : i32 to index
    %get3A_846 = arith.index_cast %get3A_844 : i32 to index
    %get3A_847 = arith.constant 80 : index
    %get3A_848 = tpu.vector_load %arg7[%get3A_845, %get3A_846, %get3A_847] {strides = array<i32>} : memref<2x16x128xi32, #tpu.memory_space<vmem>>, vector<16xi32>,
    %max3A_849 = arith.maxsi %max3A_842, %get3A_848 : vector<16xi32>
    %get3A_850 = arith.constant 0 : i32
    %get3A_851 = arith.constant 15 : i32
    %get3A_852 = arith.index_cast %get3A_850 : i32 to index
    %get3A_853 = arith.index_cast %get3A_851 : i32 to index
    %get3A_854 = arith.constant 80 : index
    %get3A_855 = tpu.vector_load %arg7[%get3A_852, %get3A_853, %get3A_854] {strides = array<i32>} : memref<2x16x128xi32, #tpu.memory_space<vmem>>, vector<16xi32>,
    %max3A_856 = arith.maxsi %max3A_849, %get3A_855 : vector<16xi32>
    %sub3A_857 = arith.constant 1 : i32
    %sub3A_858 = vector.broadcast %sub3A_857 : i32 to vector<16xi32>
    %sub3A_859 = arith.subi %max3A_856, %sub3A_858 : vector<16xi32>
    %swap3A_860 = arith.constant 0 : i32
    %swap3A_861 = arith.index_cast %swap3A_860 : i32 to index
    %swap3A_862 = arith.constant 80 : index
    %swap3A_863 = tpu.vector_load %arg8[%swap3A_861, %swap3A_862] {strides = array<i32>} : memref<2x128xi32, #tpu.memory_space<vmem>>, vector<16xi32>,
    tpu.vector_store %arg8[%swap3A_861, %swap3A_862], %sub3A_859 {strides = array<i32>} : memref<2x128xi32, #tpu.memory_space<vmem>>, vector<16xi32>,
    %get3A_864 = arith.constant 0 : i32
    %get3A_865 = arith.constant 0 : i32
    %get3A_866 = arith.index_cast %get3A_864 : i32 to index
    %get3A_867 = arith.index_cast %get3A_865 : i32 to index
    %get3A_868 = arith.constant 96 : index
    %get3A_869 = tpu.vector_load %arg7[%get3A_866, %get3A_867, %get3A_868] {strides = array<i32>} : memref<2x16x128xi32, #tpu.memory_space<vmem>>, vector<16xi32>,
    %get3A_870 = arith.constant 0 : i32
    %get3A_871 = arith.constant 1 : i32
    %get3A_872 = arith.index_cast %get3A_870 : i32 to index
    %get3A_873 = arith.index_cast %get3A_871 : i32 to index
    %get3A_874 = arith.constant 96 : index
    %get3A_875 = tpu.vector_load %arg7[%get3A_872, %get3A_873, %get3A_874] {strides = array<i32>} : memref<2x16x128xi32, #tpu.memory_space<vmem>>, vector<16xi32>,
    %max3A_876 = arith.maxsi %get3A_869, %get3A_875 : vector<16xi32>
    %get3A_877 = arith.constant 0 : i32
    %get3A_878 = arith.constant 2 : i32
    %get3A_879 = arith.index_cast %get3A_877 : i32 to index
    %get3A_880 = arith.index_cast %get3A_878 : i32 to index
    %get3A_881 = arith.constant 96 : index
    %get3A_882 = tpu.vector_load %arg7[%get3A_879, %get3A_880, %get3A_881] {strides = array<i32>} : memref<2x16x128xi32, #tpu.memory_space<vmem>>, vector<16xi32>,
    %max3A_883 = arith.maxsi %max3A_876, %get3A_882 : vector<16xi32>
    %get3A_884 = arith.constant 0 : i32
    %get3A_885 = arith.constant 3 : i32
    %get3A_886 = arith.index_cast %get3A_884 : i32 to index
    %get3A_887 = arith.index_cast %get3A_885 : i32 to index
    %get3A_888 = arith.constant 96 : index
    %get3A_889 = tpu.vector_load %arg7[%get3A_886, %get3A_887, %get3A_888] {strides = array<i32>} : memref<2x16x128xi32, #tpu.memory_space<vmem>>, vector<16xi32>,
    %max3A_890 = arith.maxsi %max3A_883, %get3A_889 : vector<16xi32>
    %get3A_891 = arith.constant 0 : i32
    %get3A_892 = arith.constant 4 : i32
    %get3A_893 = arith.index_cast %get3A_891 : i32 to index
    %get3A_894 = arith.index_cast %get3A_892 : i32 to index
    %get3A_895 = arith.constant 96 : index
    %get3A_896 = tpu.vector_load %arg7[%get3A_893, %get3A_894, %get3A_895] {strides = array<i32>} : memref<2x16x128xi32, #tpu.memory_space<vmem>>, vector<16xi32>,
    %max3A_897 = arith.maxsi %max3A_890, %get3A_896 : vector<16xi32>
    %get3A_898 = arith.constant 0 : i32
    %get3A_899 = arith.constant 5 : i32
    %get3A_900 = arith.index_cast %get3A_898 : i32 to index
    %get3A_901 = arith.index_cast %get3A_899 : i32 to index
    %get3A_902 = arith.constant 96 : index
    %get3A_903 = tpu.vector_load %arg7[%get3A_900, %get3A_901, %get3A_902] {strides = array<i32>} : memref<2x16x128xi32, #tpu.memory_space<vmem>>, vector<16xi32>,
    %max3A_904 = arith.maxsi %max3A_897, %get3A_903 : vector<16xi32>
    %get3A_905 = arith.constant 0 : i32
    %get3A_906 = arith.constant 6 : i32
    %get3A_907 = arith.index_cast %get3A_905 : i32 to index
    %get3A_908 = arith.index_cast %get3A_906 : i32 to index
    %get3A_909 = arith.constant 96 : index
    %get3A_910 = tpu.vector_load %arg7[%get3A_907, %get3A_908, %get3A_909] {strides = array<i32>} : memref<2x16x128xi32, #tpu.memory_space<vmem>>, vector<16xi32>,
    %max3A_911 = arith.maxsi %max3A_904, %get3A_910 : vector<16xi32>
    %get3A_912 = arith.constant 0 : i32
    %get3A_913 = arith.constant 7 : i32
    %get3A_914 = arith.index_cast %get3A_912 : i32 to index
    %get3A_915 = arith.index_cast %get3A_913 : i32 to index
    %get3A_916 = arith.constant 96 : index
    %get3A_917 = tpu.vector_load %arg7[%get3A_914, %get3A_915, %get3A_916] {strides = array<i32>} : memref<2x16x128xi32, #tpu.memory_space<vmem>>, vector<16xi32>,
    %max3A_918 = arith.maxsi %max3A_911, %get3A_917 : vector<16xi32>
    %get3A_919 = arith.constant 0 : i32
    %get3A_920 = arith.constant 8 : i32
    %get3A_921 = arith.index_cast %get3A_919 : i32 to index
    %get3A_922 = arith.index_cast %get3A_920 : i32 to index
    %get3A_923 = arith.constant 96 : index
    %get3A_924 = tpu.vector_load %arg7[%get3A_921, %get3A_922, %get3A_923] {strides = array<i32>} : memref<2x16x128xi32, #tpu.memory_space<vmem>>, vector<16xi32>,
    %max3A_925 = arith.maxsi %max3A_918, %get3A_924 : vector<16xi32>
    %get3A_926 = arith.constant 0 : i32
    %get3A_927 = arith.constant 9 : i32
    %get3A_928 = arith.index_cast %get3A_926 : i32 to index
    %get3A_929 = arith.index_cast %get3A_927 : i32 to index
    %get3A_930 = arith.constant 96 : index
    %get3A_931 = tpu.vector_load %arg7[%get3A_928, %get3A_929, %get3A_930] {strides = array<i32>} : memref<2x16x128xi32, #tpu.memory_space<vmem>>, vector<16xi32>,
    %max3A_932 = arith.maxsi %max3A_925, %get3A_931 : vector<16xi32>
    %get3A_933 = arith.constant 0 : i32
    %get3A_934 = arith.constant 10 : i32
    %get3A_935 = arith.index_cast %get3A_933 : i32 to index
    %get3A_936 = arith.index_cast %get3A_934 : i32 to index
    %get3A_937 = arith.constant 96 : index
    %get3A_938 = tpu.vector_load %arg7[%get3A_935, %get3A_936, %get3A_937] {strides = array<i32>} : memref<2x16x128xi32, #tpu.memory_space<vmem>>, vector<16xi32>,
    %max3A_939 = arith.maxsi %max3A_932, %get3A_938 : vector<16xi32>
    %get3A_940 = arith.constant 0 : i32
    %get3A_941 = arith.constant 11 : i32
    %get3A_942 = arith.index_cast %get3A_940 : i32 to index
    %get3A_943 = arith.index_cast %get3A_941 : i32 to index
    %get3A_944 = arith.constant 96 : index
    %get3A_945 = tpu.vector_load %arg7[%get3A_942, %get3A_943, %get3A_944] {strides = array<i32>} : memref<2x16x128xi32, #tpu.memory_space<vmem>>, vector<16xi32>,
    %max3A_946 = arith.maxsi %max3A_939, %get3A_945 : vector<16xi32>
    %get3A_947 = arith.constant 0 : i32
    %get3A_948 = arith.constant 12 : i32
    %get3A_949 = arith.index_cast %get3A_947 : i32 to index
    %get3A_950 = arith.index_cast %get3A_948 : i32 to index
    %get3A_951 = arith.constant 96 : index
    %get3A_952 = tpu.vector_load %arg7[%get3A_949, %get3A_950, %get3A_951] {strides = array<i32>} : memref<2x16x128xi32, #tpu.memory_space<vmem>>, vector<16xi32>,
    %max3A_953 = arith.maxsi %max3A_946, %get3A_952 : vector<16xi32>
    %get3A_954 = arith.constant 0 : i32
    %get3A_955 = arith.constant 13 : i32
    %get3A_956 = arith.index_cast %get3A_954 : i32 to index
    %get3A_957 = arith.index_cast %get3A_955 : i32 to index
    %get3A_958 = arith.constant 96 : index
    %get3A_959 = tpu.vector_load %arg7[%get3A_956, %get3A_957, %get3A_958] {strides = array<i32>} : memref<2x16x128xi32, #tpu.memory_space<vmem>>, vector<16xi32>,
    %max3A_960 = arith.maxsi %max3A_953, %get3A_959 : vector<16xi32>
    %get3A_961 = arith.constant 0 : i32
    %get3A_962 = arith.constant 14 : i32
    %get3A_963 = arith.index_cast %get3A_961 : i32 to index
    %get3A_964 = arith.index_cast %get3A_962 : i32 to index
    %get3A_965 = arith.constant 96 : index
    %get3A_966 = tpu.vector_load %arg7[%get3A_963, %get3A_964, %get3A_965] {strides = array<i32>} : memref<2x16x128xi32, #tpu.memory_space<vmem>>, vector<16xi32>,
    %max3A_967 = arith.maxsi %max3A_960, %get3A_966 : vector<16xi32>
    %get3A_968 = arith.constant 0 : i32
    %get3A_969 = arith.constant 15 : i32
    %get3A_970 = arith.index_cast %get3A_968 : i32 to index
    %get3A_971 = arith.index_cast %get3A_969 : i32 to index
    %get3A_972 = arith.constant 96 : index
    %get3A_973 = tpu.vector_load %arg7[%get3A_970, %get3A_971, %get3A_972] {strides = array<i32>} : memref<2x16x128xi32, #tpu.memory_space<vmem>>, vector<16xi32>,
    %max3A_974 = arith.maxsi %max3A_967, %get3A_973 : vector<16xi32>
    %sub3A_975 = arith.constant 1 : i32
    %sub3A_976 = vector.broadcast %sub3A_975 : i32 to vector<16xi32>
    %sub3A_977 = arith.subi %max3A_974, %sub3A_976 : vector<16xi32>
    %swap3A_978 = arith.constant 0 : i32
    %swap3A_979 = arith.index_cast %swap3A_978 : i32 to index
    %swap3A_980 = arith.constant 96 : index
    %swap3A_981 = tpu.vector_load %arg8[%swap3A_979, %swap3A_980] {strides = array<i32>} : memref<2x128xi32, #tpu.memory_space<vmem>>, vector<16xi32>,
    tpu.vector_store %arg8[%swap3A_979, %swap3A_980], %sub3A_977 {strides = array<i32>} : memref<2x128xi32, #tpu.memory_space<vmem>>, vector<16xi32>,
    %get3A_982 = arith.constant 0 : i32
    %get3A_983 = arith.constant 0 : i32
    %get3A_984 = arith.index_cast %get3A_982 : i32 to index
    %get3A_985 = arith.index_cast %get3A_983 : i32 to index
    %get3A_986 = arith.constant 112 : index
    %get3A_987 = tpu.vector_load %arg7[%get3A_984, %get3A_985, %get3A_986] {strides = array<i32>} : memref<2x16x128xi32, #tpu.memory_space<vmem>>, vector<16xi32>,
    %get3A_988 = arith.constant 0 : i32
    %get3A_989 = arith.constant 1 : i32
    %get3A_990 = arith.index_cast %get3A_988 : i32 to index
    %get3A_991 = arith.index_cast %get3A_989 : i32 to index
    %get3A_992 = arith.constant 112 : index
    %get3A_993 = tpu.vector_load %arg7[%get3A_990, %get3A_991, %get3A_992] {strides = array<i32>} : memref<2x16x128xi32, #tpu.memory_space<vmem>>, vector<16xi32>,
    %max3A_994 = arith.maxsi %get3A_987, %get3A_993 : vector<16xi32>
    %get3A_995 = arith.constant 0 : i32
    %get3A_996 = arith.constant 2 : i32
    %get3A_997 = arith.index_cast %get3A_995 : i32 to index
    %get3A_998 = arith.index_cast %get3A_996 : i32 to index
    %get3A_999 = arith.constant 112 : index
    %get3A_1000 = tpu.vector_load %arg7[%get3A_997, %get3A_998, %get3A_999] {strides = array<i32>} : memref<2x16x128xi32, #tpu.memory_space<vmem>>, vector<16xi32>,
    %max3A_1001 = arith.maxsi %max3A_994, %get3A_1000 : vector<16xi32>
    %get3A_1002 = arith.constant 0 : i32
    %get3A_1003 = arith.constant 3 : i32
    %get3A_1004 = arith.index_cast %get3A_1002 : i32 to index
    %get3A_1005 = arith.index_cast %get3A_1003 : i32 to index
    %get3A_1006 = arith.constant 112 : index
    %get3A_1007 = tpu.vector_load %arg7[%get3A_1004, %get3A_1005, %get3A_1006] {strides = array<i32>} : memref<2x16x128xi32, #tpu.memory_space<vmem>>, vector<16xi32>,
    %max3A_1008 = arith.maxsi %max3A_1001, %get3A_1007 : vector<16xi32>
    %get3A_1009 = arith.constant 0 : i32
    %get3A_1010 = arith.constant 4 : i32
    %get3A_1011 = arith.index_cast %get3A_1009 : i32 to index
    %get3A_1012 = arith.index_cast %get3A_1010 : i32 to index
    %get3A_1013 = arith.constant 112 : index
    %get3A_1014 = tpu.vector_load %arg7[%get3A_1011, %get3A_1012, %get3A_1013] {strides = array<i32>} : memref<2x16x128xi32, #tpu.memory_space<vmem>>, vector<16xi32>,
    %max3A_1015 = arith.maxsi %max3A_1008, %get3A_1014 : vector<16xi32>
    %get3A_1016 = arith.constant 0 : i32
    %get3A_1017 = arith.constant 5 : i32
    %get3A_1018 = arith.index_cast %get3A_1016 : i32 to index
    %get3A_1019 = arith.index_cast %get3A_1017 : i32 to index
    %get3A_1020 = arith.constant 112 : index
    %get3A_1021 = tpu.vector_load %arg7[%get3A_1018, %get3A_1019, %get3A_1020] {strides = array<i32>} : memref<2x16x128xi32, #tpu.memory_space<vmem>>, vector<16xi32>,
    %max3A_1022 = arith.maxsi %max3A_1015, %get3A_1021 : vector<16xi32>
    %get3A_1023 = arith.constant 0 : i32
    %get3A_1024 = arith.constant 6 : i32
    %get3A_1025 = arith.index_cast %get3A_1023 : i32 to index
    %get3A_1026 = arith.index_cast %get3A_1024 : i32 to index
    %get3A_1027 = arith.constant 112 : index
    %get3A_1028 = tpu.vector_load %arg7[%get3A_1025, %get3A_1026, %get3A_1027] {strides = array<i32>} : memref<2x16x128xi32, #tpu.memory_space<vmem>>, vector<16xi32>,
    %max3A_1029 = arith.maxsi %max3A_1022, %get3A_1028 : vector<16xi32>
    %get3A_1030 = arith.constant 0 : i32
    %get3A_1031 = arith.constant 7 : i32
    %get3A_1032 = arith.index_cast %get3A_1030 : i32 to index
    %get3A_1033 = arith.index_cast %get3A_1031 : i32 to index
    %get3A_1034 = arith.constant 112 : index
    %get3A_1035 = tpu.vector_load %arg7[%get3A_1032, %get3A_1033, %get3A_1034] {strides = array<i32>} : memref<2x16x128xi32, #tpu.memory_space<vmem>>, vector<16xi32>,
    %max3A_1036 = arith.maxsi %max3A_1029, %get3A_1035 : vector<16xi32>
    %get3A_1037 = arith.constant 0 : i32
    %get3A_1038 = arith.constant 8 : i32
    %get3A_1039 = arith.index_cast %get3A_1037 : i32 to index
    %get3A_1040 = arith.index_cast %get3A_1038 : i32 to index
    %get3A_1041 = arith.constant 112 : index
    %get3A_1042 = tpu.vector_load %arg7[%get3A_1039, %get3A_1040, %get3A_1041] {strides = array<i32>} : memref<2x16x128xi32, #tpu.memory_space<vmem>>, vector<16xi32>,
    %max3A_1043 = arith.maxsi %max3A_1036, %get3A_1042 : vector<16xi32>
    %get3A_1044 = arith.constant 0 : i32
    %get3A_1045 = arith.constant 9 : i32
    %get3A_1046 = arith.index_cast %get3A_1044 : i32 to index
    %get3A_1047 = arith.index_cast %get3A_1045 : i32 to index
    %get3A_1048 = arith.constant 112 : index
    %get3A_1049 = tpu.vector_load %arg7[%get3A_1046, %get3A_1047, %get3A_1048] {strides = array<i32>} : memref<2x16x128xi32, #tpu.memory_space<vmem>>, vector<16xi32>,
    %max3A_1050 = arith.maxsi %max3A_1043, %get3A_1049 : vector<16xi32>
    %get3A_1051 = arith.constant 0 : i32
    %get3A_1052 = arith.constant 10 : i32
    %get3A_1053 = arith.index_cast %get3A_1051 : i32 to index
    %get3A_1054 = arith.index_cast %get3A_1052 : i32 to index
    %get3A_1055 = arith.constant 112 : index
    %get3A_1056 = tpu.vector_load %arg7[%get3A_1053, %get3A_1054, %get3A_1055] {strides = array<i32>} : memref<2x16x128xi32, #tpu.memory_space<vmem>>, vector<16xi32>,
    %max3A_1057 = arith.maxsi %max3A_1050, %get3A_1056 : vector<16xi32>
    %get3A_1058 = arith.constant 0 : i32
    %get3A_1059 = arith.constant 11 : i32
    %get3A_1060 = arith.index_cast %get3A_1058 : i32 to index
    %get3A_1061 = arith.index_cast %get3A_1059 : i32 to index
    %get3A_1062 = arith.constant 112 : index
    %get3A_1063 = tpu.vector_load %arg7[%get3A_1060, %get3A_1061, %get3A_1062] {strides = array<i32>} : memref<2x16x128xi32, #tpu.memory_space<vmem>>, vector<16xi32>,
    %max3A_1064 = arith.maxsi %max3A_1057, %get3A_1063 : vector<16xi32>
    %get3A_1065 = arith.constant 0 : i32
    %get3A_1066 = arith.constant 12 : i32
    %get3A_1067 = arith.index_cast %get3A_1065 : i32 to index
    %get3A_1068 = arith.index_cast %get3A_1066 : i32 to index
    %get3A_1069 = arith.constant 112 : index
    %get3A_1070 = tpu.vector_load %arg7[%get3A_1067, %get3A_1068, %get3A_1069] {strides = array<i32>} : memref<2x16x128xi32, #tpu.memory_space<vmem>>, vector<16xi32>,
    %max3A_1071 = arith.maxsi %max3A_1064, %get3A_1070 : vector<16xi32>
    %get3A_1072 = arith.constant 0 : i32
    %get3A_1073 = arith.constant 13 : i32
    %get3A_1074 = arith.index_cast %get3A_1072 : i32 to index
    %get3A_1075 = arith.index_cast %get3A_1073 : i32 to index
    %get3A_1076 = arith.constant 112 : index
    %get3A_1077 = tpu.vector_load %arg7[%get3A_1074, %get3A_1075, %get3A_1076] {strides = array<i32>} : memref<2x16x128xi32, #tpu.memory_space<vmem>>, vector<16xi32>,
    %max3A_1078 = arith.maxsi %max3A_1071, %get3A_1077 : vector<16xi32>
    %get3A_1079 = arith.constant 0 : i32
    %get3A_1080 = arith.constant 14 : i32
    %get3A_1081 = arith.index_cast %get3A_1079 : i32 to index
    %get3A_1082 = arith.index_cast %get3A_1080 : i32 to index
    %get3A_1083 = arith.constant 112 : index
    %get3A_1084 = tpu.vector_load %arg7[%get3A_1081, %get3A_1082, %get3A_1083] {strides = array<i32>} : memref<2x16x128xi32, #tpu.memory_space<vmem>>, vector<16xi32>,
    %max3A_1085 = arith.maxsi %max3A_1078, %get3A_1084 : vector<16xi32>
    %get3A_1086 = arith.constant 0 : i32
    %get3A_1087 = arith.constant 15 : i32
    %get3A_1088 = arith.index_cast %get3A_1086 : i32 to index
    %get3A_1089 = arith.index_cast %get3A_1087 : i32 to index
    %get3A_1090 = arith.constant 112 : index
    %get3A_1091 = tpu.vector_load %arg7[%get3A_1088, %get3A_1089, %get3A_1090] {strides = array<i32>} : memref<2x16x128xi32, #tpu.memory_space<vmem>>, vector<16xi32>,
    %max3A_1092 = arith.maxsi %max3A_1085, %get3A_1091 : vector<16xi32>
    %sub3A_1093 = arith.constant 1 : i32
    %sub3A_1094 = vector.broadcast %sub3A_1093 : i32 to vector<16xi32>
    %sub3A_1095 = arith.subi %max3A_1092, %sub3A_1094 : vector<16xi32>
    %swap3A_1096 = arith.constant 0 : i32
    %swap3A_1097 = arith.index_cast %swap3A_1096 : i32 to index
    %swap3A_1098 = arith.constant 112 : index
    %swap3A_1099 = tpu.vector_load %arg8[%swap3A_1097, %swap3A_1098] {strides = array<i32>} : memref<2x128xi32, #tpu.memory_space<vmem>>, vector<16xi32>,
    tpu.vector_store %arg8[%swap3A_1097, %swap3A_1098], %sub3A_1095 {strides = array<i32>} : memref<2x128xi32, #tpu.memory_space<vmem>>, vector<16xi32>,
    %mul3A_1100 = arith.constant 2 : i32
    %mul3A_1101 = arith.muli %arg0, %mul3A_1100 : i32
    %add3A_1102 = arith.constant 0 : i32
    %add3A_1103 = arith.addi %mul3A_1101, %add3A_1102 : i32
    %dma_start3A_1104 = arith.constant 0 : i32
    %dma_start3A_1105 = arith.constant 0 : i32
    %dma_start3A_1106 = arith.constant 0 : i32
    %dma_start3A_1107 = arith.constant 0 : i32
    %dma_start3A_1108 = tpu.memref_slice %arg9[%dma_start3A_1105, %dma_start3A_1106, %dma_start3A_1107] : memref<2x128x16xf32, #tpu.memory_space<vmem>> -> memref<1x128x16xf32, #tpu.memory_space<vmem>>
    %dma_start3A_1109 = tpu.memref_squeeze %dma_start3A_1108 : memref<1x128x16xf32, #tpu.memory_space<vmem>> -> memref<128x16xf32, #tpu.memory_space<vmem>>
    %dma_start3A_1110 = arith.constant 0 : i32
    %dma_start3A_1111 = tpu.memref_slice %arg8[%dma_start3A_1104, %dma_start3A_1110] : memref<2x128xi32, #tpu.memory_space<vmem>> -> memref<1x128xi32, #tpu.memory_space<vmem>>
    %dma_start3A_1112 = tpu.memref_squeeze %dma_start3A_1111 : memref<1x128xi32, #tpu.memory_space<vmem>> -> memref<128xi32, #tpu.memory_space<vmem>>
    %dma_start3A_1113 = arith.constant 0 : i32
    %dma_start3A_1114 = arith.constant 0 : i32
    %dma_start3A_1115 = tpu.memref_slice %arg2[%add3A_1103, %dma_start3A_1113, %dma_start3A_1114] : memref<4x20480x16xf32, #tpu.memory_space<hbm>> -> memref<1x20480x16xf32, #tpu.memory_space<hbm>>
    %dma_start3A_1116 = tpu.memref_squeeze %dma_start3A_1115 : memref<1x20480x16xf32, #tpu.memory_space<hbm>> -> memref<20480x16xf32, #tpu.memory_space<hbm>>
    %dma_start3A_1117 = arith.constant 0 : i32
    %dma_start3A_1118 = arith.constant 0 : i32
    %dma_start3A_1119 = tpu.memref_slice %dma_start3A_1116[%dma_start3A_1117, %dma_start3A_1118] : memref<20480x16xf32, #tpu.memory_space<hbm>> -> memref<20480x16xf32, #tpu.memory_space<hbm>>
    tpu.enqueue_indirect_dma source(%dma_start3A_1119 : memref<20480x16xf32, #tpu.memory_space<hbm>>) target(%dma_start3A_1109 : memref<128x16xf32, #tpu.memory_space<vmem>>) offsets(%dma_start3A_1112 : memref<128xi32, #tpu.memory_space<vmem>>) semaphore(%arg13 : memref<!tpu.dma_semaphore, #tpu.memory_space<semaphore_mem>>)
    %get3A_1120 = arith.constant 1 : i32
    %get3A_1121 = arith.constant 0 : i32
    %get3A_1122 = arith.index_cast %get3A_1120 : i32 to index
    %get3A_1123 = arith.index_cast %get3A_1121 : i32 to index
    %get3A_1124 = arith.constant 0 : index
    %get3A_1125 = tpu.vector_load %arg7[%get3A_1122, %get3A_1123, %get3A_1124] {strides = array<i32>} : memref<2x16x128xi32, #tpu.memory_space<vmem>>, vector<16xi32>,
    %get3A_1126 = arith.constant 1 : i32
    %get3A_1127 = arith.constant 1 : i32
    %get3A_1128 = arith.index_cast %get3A_1126 : i32 to index
    %get3A_1129 = arith.index_cast %get3A_1127 : i32 to index
    %get3A_1130 = arith.constant 0 : index
    %get3A_1131 = tpu.vector_load %arg7[%get3A_1128, %get3A_1129, %get3A_1130] {strides = array<i32>} : memref<2x16x128xi32, #tpu.memory_space<vmem>>, vector<16xi32>,
    %max3A_1132 = arith.maxsi %get3A_1125, %get3A_1131 : vector<16xi32>
    %get3A_1133 = arith.constant 1 : i32
    %get3A_1134 = arith.constant 2 : i32
    %get3A_1135 = arith.index_cast %get3A_1133 : i32 to index
    %get3A_1136 = arith.index_cast %get3A_1134 : i32 to index
    %get3A_1137 = arith.constant 0 : index
    %get3A_1138 = tpu.vector_load %arg7[%get3A_1135, %get3A_1136, %get3A_1137] {strides = array<i32>} : memref<2x16x128xi32, #tpu.memory_space<vmem>>, vector<16xi32>,
    %max3A_1139 = arith.maxsi %max3A_1132, %get3A_1138 : vector<16xi32>
    %get3A_1140 = arith.constant 1 : i32
    %get3A_1141 = arith.constant 3 : i32
    %get3A_1142 = arith.index_cast %get3A_1140 : i32 to index
    %get3A_1143 = arith.index_cast %get3A_1141 : i32 to index
    %get3A_1144 = arith.constant 0 : index
    %get3A_1145 = tpu.vector_load %arg7[%get3A_1142, %get3A_1143, %get3A_1144] {strides = array<i32>} : memref<2x16x128xi32, #tpu.memory_space<vmem>>, vector<16xi32>,
    %max3A_1146 = arith.maxsi %max3A_1139, %get3A_1145 : vector<16xi32>
    %get3A_1147 = arith.constant 1 : i32
    %get3A_1148 = arith.constant 4 : i32
    %get3A_1149 = arith.index_cast %get3A_1147 : i32 to index
    %get3A_1150 = arith.index_cast %get3A_1148 : i32 to index
    %get3A_1151 = arith.constant 0 : index
    %get3A_1152 = tpu.vector_load %arg7[%get3A_1149, %get3A_1150, %get3A_1151] {strides = array<i32>} : memref<2x16x128xi32, #tpu.memory_space<vmem>>, vector<16xi32>,
    %max3A_1153 = arith.maxsi %max3A_1146, %get3A_1152 : vector<16xi32>
    %get3A_1154 = arith.constant 1 : i32
    %get3A_1155 = arith.constant 5 : i32
    %get3A_1156 = arith.index_cast %get3A_1154 : i32 to index
    %get3A_1157 = arith.index_cast %get3A_1155 : i32 to index
    %get3A_1158 = arith.constant 0 : index
    %get3A_1159 = tpu.vector_load %arg7[%get3A_1156, %get3A_1157, %get3A_1158] {strides = array<i32>} : memref<2x16x128xi32, #tpu.memory_space<vmem>>, vector<16xi32>,
    %max3A_1160 = arith.maxsi %max3A_1153, %get3A_1159 : vector<16xi32>
    %get3A_1161 = arith.constant 1 : i32
    %get3A_1162 = arith.constant 6 : i32
    %get3A_1163 = arith.index_cast %get3A_1161 : i32 to index
    %get3A_1164 = arith.index_cast %get3A_1162 : i32 to index
    %get3A_1165 = arith.constant 0 : index
    %get3A_1166 = tpu.vector_load %arg7[%get3A_1163, %get3A_1164, %get3A_1165] {strides = array<i32>} : memref<2x16x128xi32, #tpu.memory_space<vmem>>, vector<16xi32>,
    %max3A_1167 = arith.maxsi %max3A_1160, %get3A_1166 : vector<16xi32>
    %get3A_1168 = arith.constant 1 : i32
    %get3A_1169 = arith.constant 7 : i32
    %get3A_1170 = arith.index_cast %get3A_1168 : i32 to index
    %get3A_1171 = arith.index_cast %get3A_1169 : i32 to index
    %get3A_1172 = arith.constant 0 : index
    %get3A_1173 = tpu.vector_load %arg7[%get3A_1170, %get3A_1171, %get3A_1172] {strides = array<i32>} : memref<2x16x128xi32, #tpu.memory_space<vmem>>, vector<16xi32>,
    %max3A_1174 = arith.maxsi %max3A_1167, %get3A_1173 : vector<16xi32>
    %get3A_1175 = arith.constant 1 : i32
    %get3A_1176 = arith.constant 8 : i32
    %get3A_1177 = arith.index_cast %get3A_1175 : i32 to index
    %get3A_1178 = arith.index_cast %get3A_1176 : i32 to index
    %get3A_1179 = arith.constant 0 : index
    %get3A_1180 = tpu.vector_load %arg7[%get3A_1177, %get3A_1178, %get3A_1179] {strides = array<i32>} : memref<2x16x128xi32, #tpu.memory_space<vmem>>, vector<16xi32>,
    %max3A_1181 = arith.maxsi %max3A_1174, %get3A_1180 : vector<16xi32>
    %get3A_1182 = arith.constant 1 : i32
    %get3A_1183 = arith.constant 9 : i32
    %get3A_1184 = arith.index_cast %get3A_1182 : i32 to index
    %get3A_1185 = arith.index_cast %get3A_1183 : i32 to index
    %get3A_1186 = arith.constant 0 : index
    %get3A_1187 = tpu.vector_load %arg7[%get3A_1184, %get3A_1185, %get3A_1186] {strides = array<i32>} : memref<2x16x128xi32, #tpu.memory_space<vmem>>, vector<16xi32>,
    %max3A_1188 = arith.maxsi %max3A_1181, %get3A_1187 : vector<16xi32>
    %get3A_1189 = arith.constant 1 : i32
    %get3A_1190 = arith.constant 10 : i32
    %get3A_1191 = arith.index_cast %get3A_1189 : i32 to index
    %get3A_1192 = arith.index_cast %get3A_1190 : i32 to index
    %get3A_1193 = arith.constant 0 : index
    %get3A_1194 = tpu.vector_load %arg7[%get3A_1191, %get3A_1192, %get3A_1193] {strides = array<i32>} : memref<2x16x128xi32, #tpu.memory_space<vmem>>, vector<16xi32>,
    %max3A_1195 = arith.maxsi %max3A_1188, %get3A_1194 : vector<16xi32>
    %get3A_1196 = arith.constant 1 : i32
    %get3A_1197 = arith.constant 11 : i32
    %get3A_1198 = arith.index_cast %get3A_1196 : i32 to index
    %get3A_1199 = arith.index_cast %get3A_1197 : i32 to index
    %get3A_1200 = arith.constant 0 : index
    %get3A_1201 = tpu.vector_load %arg7[%get3A_1198, %get3A_1199, %get3A_1200] {strides = array<i32>} : memref<2x16x128xi32, #tpu.memory_space<vmem>>, vector<16xi32>,
    %max3A_1202 = arith.maxsi %max3A_1195, %get3A_1201 : vector<16xi32>
    %get3A_1203 = arith.constant 1 : i32
    %get3A_1204 = arith.constant 12 : i32
    %get3A_1205 = arith.index_cast %get3A_1203 : i32 to index
    %get3A_1206 = arith.index_cast %get3A_1204 : i32 to index
    %get3A_1207 = arith.constant 0 : index
    %get3A_1208 = tpu.vector_load %arg7[%get3A_1205, %get3A_1206, %get3A_1207] {strides = array<i32>} : memref<2x16x128xi32, #tpu.memory_space<vmem>>, vector<16xi32>,
    %max3A_1209 = arith.maxsi %max3A_1202, %get3A_1208 : vector<16xi32>
    %get3A_1210 = arith.constant 1 : i32
    %get3A_1211 = arith.constant 13 : i32
    %get3A_1212 = arith.index_cast %get3A_1210 : i32 to index
    %get3A_1213 = arith.index_cast %get3A_1211 : i32 to index
    %get3A_1214 = arith.constant 0 : index
    %get3A_1215 = tpu.vector_load %arg7[%get3A_1212, %get3A_1213, %get3A_1214] {strides = array<i32>} : memref<2x16x128xi32, #tpu.memory_space<vmem>>, vector<16xi32>,
    %max3A_1216 = arith.maxsi %max3A_1209, %get3A_1215 : vector<16xi32>
    %get3A_1217 = arith.constant 1 : i32
    %get3A_1218 = arith.constant 14 : i32
    %get3A_1219 = arith.index_cast %get3A_1217 : i32 to index
    %get3A_1220 = arith.index_cast %get3A_1218 : i32 to index
    %get3A_1221 = arith.constant 0 : index
    %get3A_1222 = tpu.vector_load %arg7[%get3A_1219, %get3A_1220, %get3A_1221] {strides = array<i32>} : memref<2x16x128xi32, #tpu.memory_space<vmem>>, vector<16xi32>,
    %max3A_1223 = arith.maxsi %max3A_1216, %get3A_1222 : vector<16xi32>
    %get3A_1224 = arith.constant 1 : i32
    %get3A_1225 = arith.constant 15 : i32
    %get3A_1226 = arith.index_cast %get3A_1224 : i32 to index
    %get3A_1227 = arith.index_cast %get3A_1225 : i32 to index
    %get3A_1228 = arith.constant 0 : index
    %get3A_1229 = tpu.vector_load %arg7[%get3A_1226, %get3A_1227, %get3A_1228] {strides = array<i32>} : memref<2x16x128xi32, #tpu.memory_space<vmem>>, vector<16xi32>,
    %max3A_1230 = arith.maxsi %max3A_1223, %get3A_1229 : vector<16xi32>
    %sub3A_1231 = arith.constant 1 : i32
    %sub3A_1232 = vector.broadcast %sub3A_1231 : i32 to vector<16xi32>
    %sub3A_1233 = arith.subi %max3A_1230, %sub3A_1232 : vector<16xi32>
    %swap3A_1234 = arith.constant 1 : i32
    %swap3A_1235 = arith.index_cast %swap3A_1234 : i32 to index
    %swap3A_1236 = arith.constant 0 : index
    %swap3A_1237 = tpu.vector_load %arg8[%swap3A_1235, %swap3A_1236] {strides = array<i32>} : memref<2x128xi32, #tpu.memory_space<vmem>>, vector<16xi32>,
    tpu.vector_store %arg8[%swap3A_1235, %swap3A_1236], %sub3A_1233 {strides = array<i32>} : memref<2x128xi32, #tpu.memory_space<vmem>>, vector<16xi32>,
    %get3A_1238 = arith.constant 1 : i32
    %get3A_1239 = arith.constant 0 : i32
    %get3A_1240 = arith.index_cast %get3A_1238 : i32 to index
    %get3A_1241 = arith.index_cast %get3A_1239 : i32 to index
    %get3A_1242 = arith.constant 16 : index
    %get3A_1243 = tpu.vector_load %arg7[%get3A_1240, %get3A_1241, %get3A_1242] {strides = array<i32>} : memref<2x16x128xi32, #tpu.memory_space<vmem>>, vector<16xi32>,
    %get3A_1244 = arith.constant 1 : i32
    %get3A_1245 = arith.constant 1 : i32
    %get3A_1246 = arith.index_cast %get3A_1244 : i32 to index
    %get3A_1247 = arith.index_cast %get3A_1245 : i32 to index
    %get3A_1248 = arith.constant 16 : index
    %get3A_1249 = tpu.vector_load %arg7[%get3A_1246, %get3A_1247, %get3A_1248] {strides = array<i32>} : memref<2x16x128xi32, #tpu.memory_space<vmem>>, vector<16xi32>,
    %max3A_1250 = arith.maxsi %get3A_1243, %get3A_1249 : vector<16xi32>
    %get3A_1251 = arith.constant 1 : i32
    %get3A_1252 = arith.constant 2 : i32
    %get3A_1253 = arith.index_cast %get3A_1251 : i32 to index
    %get3A_1254 = arith.index_cast %get3A_1252 : i32 to index
    %get3A_1255 = arith.constant 16 : index
    %get3A_1256 = tpu.vector_load %arg7[%get3A_1253, %get3A_1254, %get3A_1255] {strides = array<i32>} : memref<2x16x128xi32, #tpu.memory_space<vmem>>, vector<16xi32>,
    %max3A_1257 = arith.maxsi %max3A_1250, %get3A_1256 : vector<16xi32>
    %get3A_1258 = arith.constant 1 : i32
    %get3A_1259 = arith.constant 3 : i32
    %get3A_1260 = arith.index_cast %get3A_1258 : i32 to index
    %get3A_1261 = arith.index_cast %get3A_1259 : i32 to index
    %get3A_1262 = arith.constant 16 : index
    %get3A_1263 = tpu.vector_load %arg7[%get3A_1260, %get3A_1261, %get3A_1262] {strides = array<i32>} : memref<2x16x128xi32, #tpu.memory_space<vmem>>, vector<16xi32>,
    %max3A_1264 = arith.maxsi %max3A_1257, %get3A_1263 : vector<16xi32>
    %get3A_1265 = arith.constant 1 : i32
    %get3A_1266 = arith.constant 4 : i32
    %get3A_1267 = arith.index_cast %get3A_1265 : i32 to index
    %get3A_1268 = arith.index_cast %get3A_1266 : i32 to index
    %get3A_1269 = arith.constant 16 : index
    %get3A_1270 = tpu.vector_load %arg7[%get3A_1267, %get3A_1268, %get3A_1269] {strides = array<i32>} : memref<2x16x128xi32, #tpu.memory_space<vmem>>, vector<16xi32>,
    %max3A_1271 = arith.maxsi %max3A_1264, %get3A_1270 : vector<16xi32>
    %get3A_1272 = arith.constant 1 : i32
    %get3A_1273 = arith.constant 5 : i32
    %get3A_1274 = arith.index_cast %get3A_1272 : i32 to index
    %get3A_1275 = arith.index_cast %get3A_1273 : i32 to index
    %get3A_1276 = arith.constant 16 : index
    %get3A_1277 = tpu.vector_load %arg7[%get3A_1274, %get3A_1275, %get3A_1276] {strides = array<i32>} : memref<2x16x128xi32, #tpu.memory_space<vmem>>, vector<16xi32>,
    %max3A_1278 = arith.maxsi %max3A_1271, %get3A_1277 : vector<16xi32>
    %get3A_1279 = arith.constant 1 : i32
    %get3A_1280 = arith.constant 6 : i32
    %get3A_1281 = arith.index_cast %get3A_1279 : i32 to index
    %get3A_1282 = arith.index_cast %get3A_1280 : i32 to index
    %get3A_1283 = arith.constant 16 : index
    %get3A_1284 = tpu.vector_load %arg7[%get3A_1281, %get3A_1282, %get3A_1283] {strides = array<i32>} : memref<2x16x128xi32, #tpu.memory_space<vmem>>, vector<16xi32>,
    %max3A_1285 = arith.maxsi %max3A_1278, %get3A_1284 : vector<16xi32>
    %get3A_1286 = arith.constant 1 : i32
    %get3A_1287 = arith.constant 7 : i32
    %get3A_1288 = arith.index_cast %get3A_1286 : i32 to index
    %get3A_1289 = arith.index_cast %get3A_1287 : i32 to index
    %get3A_1290 = arith.constant 16 : index
    %get3A_1291 = tpu.vector_load %arg7[%get3A_1288, %get3A_1289, %get3A_1290] {strides = array<i32>} : memref<2x16x128xi32, #tpu.memory_space<vmem>>, vector<16xi32>,
    %max3A_1292 = arith.maxsi %max3A_1285, %get3A_1291 : vector<16xi32>
    %get3A_1293 = arith.constant 1 : i32
    %get3A_1294 = arith.constant 8 : i32
    %get3A_1295 = arith.index_cast %get3A_1293 : i32 to index
    %get3A_1296 = arith.index_cast %get3A_1294 : i32 to index
    %get3A_1297 = arith.constant 16 : index
    %get3A_1298 = tpu.vector_load %arg7[%get3A_1295, %get3A_1296, %get3A_1297] {strides = array<i32>} : memref<2x16x128xi32, #tpu.memory_space<vmem>>, vector<16xi32>,
    %max3A_1299 = arith.maxsi %max3A_1292, %get3A_1298 : vector<16xi32>
    %get3A_1300 = arith.constant 1 : i32
    %get3A_1301 = arith.constant 9 : i32
    %get3A_1302 = arith.index_cast %get3A_1300 : i32 to index
    %get3A_1303 = arith.index_cast %get3A_1301 : i32 to index
    %get3A_1304 = arith.constant 16 : index
    %get3A_1305 = tpu.vector_load %arg7[%get3A_1302, %get3A_1303, %get3A_1304] {strides = array<i32>} : memref<2x16x128xi32, #tpu.memory_space<vmem>>, vector<16xi32>,
    %max3A_1306 = arith.maxsi %max3A_1299, %get3A_1305 : vector<16xi32>
    %get3A_1307 = arith.constant 1 : i32
    %get3A_1308 = arith.constant 10 : i32
    %get3A_1309 = arith.index_cast %get3A_1307 : i32 to index
    %get3A_1310 = arith.index_cast %get3A_1308 : i32 to index
    %get3A_1311 = arith.constant 16 : index
    %get3A_1312 = tpu.vector_load %arg7[%get3A_1309, %get3A_1310, %get3A_1311] {strides = array<i32>} : memref<2x16x128xi32, #tpu.memory_space<vmem>>, vector<16xi32>,
    %max3A_1313 = arith.maxsi %max3A_1306, %get3A_1312 : vector<16xi32>
    %get3A_1314 = arith.constant 1 : i32
    %get3A_1315 = arith.constant 11 : i32
    %get3A_1316 = arith.index_cast %get3A_1314 : i32 to index
    %get3A_1317 = arith.index_cast %get3A_1315 : i32 to index
    %get3A_1318 = arith.constant 16 : index
    %get3A_1319 = tpu.vector_load %arg7[%get3A_1316, %get3A_1317, %get3A_1318] {strides = array<i32>} : memref<2x16x128xi32, #tpu.memory_space<vmem>>, vector<16xi32>,
    %max3A_1320 = arith.maxsi %max3A_1313, %get3A_1319 : vector<16xi32>
    %get3A_1321 = arith.constant 1 : i32
    %get3A_1322 = arith.constant 12 : i32
    %get3A_1323 = arith.index_cast %get3A_1321 : i32 to index
    %get3A_1324 = arith.index_cast %get3A_1322 : i32 to index
    %get3A_1325 = arith.constant 16 : index
    %get3A_1326 = tpu.vector_load %arg7[%get3A_1323, %get3A_1324, %get3A_1325] {strides = array<i32>} : memref<2x16x128xi32, #tpu.memory_space<vmem>>, vector<16xi32>,
    %max3A_1327 = arith.maxsi %max3A_1320, %get3A_1326 : vector<16xi32>
    %get3A_1328 = arith.constant 1 : i32
    %get3A_1329 = arith.constant 13 : i32
    %get3A_1330 = arith.index_cast %get3A_1328 : i32 to index
    %get3A_1331 = arith.index_cast %get3A_1329 : i32 to index
    %get3A_1332 = arith.constant 16 : index
    %get3A_1333 = tpu.vector_load %arg7[%get3A_1330, %get3A_1331, %get3A_1332] {strides = array<i32>} : memref<2x16x128xi32, #tpu.memory_space<vmem>>, vector<16xi32>,
    %max3A_1334 = arith.maxsi %max3A_1327, %get3A_1333 : vector<16xi32>
    %get3A_1335 = arith.constant 1 : i32
    %get3A_1336 = arith.constant 14 : i32
    %get3A_1337 = arith.index_cast %get3A_1335 : i32 to index
    %get3A_1338 = arith.index_cast %get3A_1336 : i32 to index
    %get3A_1339 = arith.constant 16 : index
    %get3A_1340 = tpu.vector_load %arg7[%get3A_1337, %get3A_1338, %get3A_1339] {strides = array<i32>} : memref<2x16x128xi32, #tpu.memory_space<vmem>>, vector<16xi32>,
    %max3A_1341 = arith.maxsi %max3A_1334, %get3A_1340 : vector<16xi32>
    %get3A_1342 = arith.constant 1 : i32
    %get3A_1343 = arith.constant 15 : i32
    %get3A_1344 = arith.index_cast %get3A_1342 : i32 to index
    %get3A_1345 = arith.index_cast %get3A_1343 : i32 to index
    %get3A_1346 = arith.constant 16 : index
    %get3A_1347 = tpu.vector_load %arg7[%get3A_1344, %get3A_1345, %get3A_1346] {strides = array<i32>} : memref<2x16x128xi32, #tpu.memory_space<vmem>>, vector<16xi32>,
    %max3A_1348 = arith.maxsi %max3A_1341, %get3A_1347 : vector<16xi32>
    %sub3A_1349 = arith.constant 1 : i32
    %sub3A_1350 = vector.broadcast %sub3A_1349 : i32 to vector<16xi32>
    %sub3A_1351 = arith.subi %max3A_1348, %sub3A_1350 : vector<16xi32>
    %swap3A_1352 = arith.constant 1 : i32
    %swap3A_1353 = arith.index_cast %swap3A_1352 : i32 to index
    %swap3A_1354 = arith.constant 16 : index
    %swap3A_1355 = tpu.vector_load %arg8[%swap3A_1353, %swap3A_1354] {strides = array<i32>} : memref<2x128xi32, #tpu.memory_space<vmem>>, vector<16xi32>,
    tpu.vector_store %arg8[%swap3A_1353, %swap3A_1354], %sub3A_1351 {strides = array<i32>} : memref<2x128xi32, #tpu.memory_space<vmem>>, vector<16xi32>,
    %get3A_1356 = arith.constant 1 : i32
    %get3A_1357 = arith.constant 0 : i32
    %get3A_1358 = arith.index_cast %get3A_1356 : i32 to index
    %get3A_1359 = arith.index_cast %get3A_1357 : i32 to index
    %get3A_1360 = arith.constant 32 : index
    %get3A_1361 = tpu.vector_load %arg7[%get3A_1358, %get3A_1359, %get3A_1360] {strides = array<i32>} : memref<2x16x128xi32, #tpu.memory_space<vmem>>, vector<16xi32>,
    %get3A_1362 = arith.constant 1 : i32
    %get3A_1363 = arith.constant 1 : i32
    %get3A_1364 = arith.index_cast %get3A_1362 : i32 to index
    %get3A_1365 = arith.index_cast %get3A_1363 : i32 to index
    %get3A_1366 = arith.constant 32 : index
    %get3A_1367 = tpu.vector_load %arg7[%get3A_1364, %get3A_1365, %get3A_1366] {strides = array<i32>} : memref<2x16x128xi32, #tpu.memory_space<vmem>>, vector<16xi32>,
    %max3A_1368 = arith.maxsi %get3A_1361, %get3A_1367 : vector<16xi32>
    %get3A_1369 = arith.constant 1 : i32
    %get3A_1370 = arith.constant 2 : i32
    %get3A_1371 = arith.index_cast %get3A_1369 : i32 to index
    %get3A_1372 = arith.index_cast %get3A_1370 : i32 to index
    %get3A_1373 = arith.constant 32 : index
    %get3A_1374 = tpu.vector_load %arg7[%get3A_1371, %get3A_1372, %get3A_1373] {strides = array<i32>} : memref<2x16x128xi32, #tpu.memory_space<vmem>>, vector<16xi32>,
    %max3A_1375 = arith.maxsi %max3A_1368, %get3A_1374 : vector<16xi32>
    %get3A_1376 = arith.constant 1 : i32
    %get3A_1377 = arith.constant 3 : i32
    %get3A_1378 = arith.index_cast %get3A_1376 : i32 to index
    %get3A_1379 = arith.index_cast %get3A_1377 : i32 to index
    %get3A_1380 = arith.constant 32 : index
    %get3A_1381 = tpu.vector_load %arg7[%get3A_1378, %get3A_1379, %get3A_1380] {strides = array<i32>} : memref<2x16x128xi32, #tpu.memory_space<vmem>>, vector<16xi32>,
    %max3A_1382 = arith.maxsi %max3A_1375, %get3A_1381 : vector<16xi32>
    %get3A_1383 = arith.constant 1 : i32
    %get3A_1384 = arith.constant 4 : i32
    %get3A_1385 = arith.index_cast %get3A_1383 : i32 to index
    %get3A_1386 = arith.index_cast %get3A_1384 : i32 to index
    %get3A_1387 = arith.constant 32 : index
    %get3A_1388 = tpu.vector_load %arg7[%get3A_1385, %get3A_1386, %get3A_1387] {strides = array<i32>} : memref<2x16x128xi32, #tpu.memory_space<vmem>>, vector<16xi32>,
    %max3A_1389 = arith.maxsi %max3A_1382, %get3A_1388 : vector<16xi32>
    %get3A_1390 = arith.constant 1 : i32
    %get3A_1391 = arith.constant 5 : i32
    %get3A_1392 = arith.index_cast %get3A_1390 : i32 to index
    %get3A_1393 = arith.index_cast %get3A_1391 : i32 to index
    %get3A_1394 = arith.constant 32 : index
    %get3A_1395 = tpu.vector_load %arg7[%get3A_1392, %get3A_1393, %get3A_1394] {strides = array<i32>} : memref<2x16x128xi32, #tpu.memory_space<vmem>>, vector<16xi32>,
    %max3A_1396 = arith.maxsi %max3A_1389, %get3A_1395 : vector<16xi32>
    %get3A_1397 = arith.constant 1 : i32
    %get3A_1398 = arith.constant 6 : i32
    %get3A_1399 = arith.index_cast %get3A_1397 : i32 to index
    %get3A_1400 = arith.index_cast %get3A_1398 : i32 to index
    %get3A_1401 = arith.constant 32 : index
    %get3A_1402 = tpu.vector_load %arg7[%get3A_1399, %get3A_1400, %get3A_1401] {strides = array<i32>} : memref<2x16x128xi32, #tpu.memory_space<vmem>>, vector<16xi32>,
    %max3A_1403 = arith.maxsi %max3A_1396, %get3A_1402 : vector<16xi32>
    %get3A_1404 = arith.constant 1 : i32
    %get3A_1405 = arith.constant 7 : i32
    %get3A_1406 = arith.index_cast %get3A_1404 : i32 to index
    %get3A_1407 = arith.index_cast %get3A_1405 : i32 to index
    %get3A_1408 = arith.constant 32 : index
    %get3A_1409 = tpu.vector_load %arg7[%get3A_1406, %get3A_1407, %get3A_1408] {strides = array<i32>} : memref<2x16x128xi32, #tpu.memory_space<vmem>>, vector<16xi32>,
    %max3A_1410 = arith.maxsi %max3A_1403, %get3A_1409 : vector<16xi32>
    %get3A_1411 = arith.constant 1 : i32
    %get3A_1412 = arith.constant 8 : i32
    %get3A_1413 = arith.index_cast %get3A_1411 : i32 to index
    %get3A_1414 = arith.index_cast %get3A_1412 : i32 to index
    %get3A_1415 = arith.constant 32 : index
    %get3A_1416 = tpu.vector_load %arg7[%get3A_1413, %get3A_1414, %get3A_1415] {strides = array<i32>} : memref<2x16x128xi32, #tpu.memory_space<vmem>>, vector<16xi32>,
    %max3A_1417 = arith.maxsi %max3A_1410, %get3A_1416 : vector<16xi32>
    %get3A_1418 = arith.constant 1 : i32
    %get3A_1419 = arith.constant 9 : i32
    %get3A_1420 = arith.index_cast %get3A_1418 : i32 to index
    %get3A_1421 = arith.index_cast %get3A_1419 : i32 to index
    %get3A_1422 = arith.constant 32 : index
    %get3A_1423 = tpu.vector_load %arg7[%get3A_1420, %get3A_1421, %get3A_1422] {strides = array<i32>} : memref<2x16x128xi32, #tpu.memory_space<vmem>>, vector<16xi32>,
    %max3A_1424 = arith.maxsi %max3A_1417, %get3A_1423 : vector<16xi32>
    %get3A_1425 = arith.constant 1 : i32
    %get3A_1426 = arith.constant 10 : i32
    %get3A_1427 = arith.index_cast %get3A_1425 : i32 to index
    %get3A_1428 = arith.index_cast %get3A_1426 : i32 to index
    %get3A_1429 = arith.constant 32 : index
    %get3A_1430 = tpu.vector_load %arg7[%get3A_1427, %get3A_1428, %get3A_1429] {strides = array<i32>} : memref<2x16x128xi32, #tpu.memory_space<vmem>>, vector<16xi32>,
    %max3A_1431 = arith.maxsi %max3A_1424, %get3A_1430 : vector<16xi32>
    %get3A_1432 = arith.constant 1 : i32
    %get3A_1433 = arith.constant 11 : i32
    %get3A_1434 = arith.index_cast %get3A_1432 : i32 to index
    %get3A_1435 = arith.index_cast %get3A_1433 : i32 to index
    %get3A_1436 = arith.constant 32 : index
    %get3A_1437 = tpu.vector_load %arg7[%get3A_1434, %get3A_1435, %get3A_1436] {strides = array<i32>} : memref<2x16x128xi32, #tpu.memory_space<vmem>>, vector<16xi32>,
    %max3A_1438 = arith.maxsi %max3A_1431, %get3A_1437 : vector<16xi32>
    %get3A_1439 = arith.constant 1 : i32
    %get3A_1440 = arith.constant 12 : i32
    %get3A_1441 = arith.index_cast %get3A_1439 : i32 to index
    %get3A_1442 = arith.index_cast %get3A_1440 : i32 to index
    %get3A_1443 = arith.constant 32 : index
    %get3A_1444 = tpu.vector_load %arg7[%get3A_1441, %get3A_1442, %get3A_1443] {strides = array<i32>} : memref<2x16x128xi32, #tpu.memory_space<vmem>>, vector<16xi32>,
    %max3A_1445 = arith.maxsi %max3A_1438, %get3A_1444 : vector<16xi32>
    %get3A_1446 = arith.constant 1 : i32
    %get3A_1447 = arith.constant 13 : i32
    %get3A_1448 = arith.index_cast %get3A_1446 : i32 to index
    %get3A_1449 = arith.index_cast %get3A_1447 : i32 to index
    %get3A_1450 = arith.constant 32 : index
    %get3A_1451 = tpu.vector_load %arg7[%get3A_1448, %get3A_1449, %get3A_1450] {strides = array<i32>} : memref<2x16x128xi32, #tpu.memory_space<vmem>>, vector<16xi32>,
    %max3A_1452 = arith.maxsi %max3A_1445, %get3A_1451 : vector<16xi32>
    %get3A_1453 = arith.constant 1 : i32
    %get3A_1454 = arith.constant 14 : i32
    %get3A_1455 = arith.index_cast %get3A_1453 : i32 to index
    %get3A_1456 = arith.index_cast %get3A_1454 : i32 to index
    %get3A_1457 = arith.constant 32 : index
    %get3A_1458 = tpu.vector_load %arg7[%get3A_1455, %get3A_1456, %get3A_1457] {strides = array<i32>} : memref<2x16x128xi32, #tpu.memory_space<vmem>>, vector<16xi32>,
    %max3A_1459 = arith.maxsi %max3A_1452, %get3A_1458 : vector<16xi32>
    %get3A_1460 = arith.constant 1 : i32
    %get3A_1461 = arith.constant 15 : i32
    %get3A_1462 = arith.index_cast %get3A_1460 : i32 to index
    %get3A_1463 = arith.index_cast %get3A_1461 : i32 to index
    %get3A_1464 = arith.constant 32 : index
    %get3A_1465 = tpu.vector_load %arg7[%get3A_1462, %get3A_1463, %get3A_1464] {strides = array<i32>} : memref<2x16x128xi32, #tpu.memory_space<vmem>>, vector<16xi32>,
    %max3A_1466 = arith.maxsi %max3A_1459, %get3A_1465 : vector<16xi32>
    %sub3A_1467 = arith.constant 1 : i32
    %sub3A_1468 = vector.broadcast %sub3A_1467 : i32 to vector<16xi32>
    %sub3A_1469 = arith.subi %max3A_1466, %sub3A_1468 : vector<16xi32>
    %swap3A_1470 = arith.constant 1 : i32
    %swap3A_1471 = arith.index_cast %swap3A_1470 : i32 to index
    %swap3A_1472 = arith.constant 32 : index
    %swap3A_1473 = tpu.vector_load %arg8[%swap3A_1471, %swap3A_1472] {strides = array<i32>} : memref<2x128xi32, #tpu.memory_space<vmem>>, vector<16xi32>,
    tpu.vector_store %arg8[%swap3A_1471, %swap3A_1472], %sub3A_1469 {strides = array<i32>} : memref<2x128xi32, #tpu.memory_space<vmem>>, vector<16xi32>,
    %get3A_1474 = arith.constant 1 : i32
    %get3A_1475 = arith.constant 0 : i32
    %get3A_1476 = arith.index_cast %get3A_1474 : i32 to index
    %get3A_1477 = arith.index_cast %get3A_1475 : i32 to index
    %get3A_1478 = arith.constant 48 : index
    %get3A_1479 = tpu.vector_load %arg7[%get3A_1476, %get3A_1477, %get3A_1478] {strides = array<i32>} : memref<2x16x128xi32, #tpu.memory_space<vmem>>, vector<16xi32>,
    %get3A_1480 = arith.constant 1 : i32
    %get3A_1481 = arith.constant 1 : i32
    %get3A_1482 = arith.index_cast %get3A_1480 : i32 to index
    %get3A_1483 = arith.index_cast %get3A_1481 : i32 to index
    %get3A_1484 = arith.constant 48 : index
    %get3A_1485 = tpu.vector_load %arg7[%get3A_1482, %get3A_1483, %get3A_1484] {strides = array<i32>} : memref<2x16x128xi32, #tpu.memory_space<vmem>>, vector<16xi32>,
    %max3A_1486 = arith.maxsi %get3A_1479, %get3A_1485 : vector<16xi32>
    %get3A_1487 = arith.constant 1 : i32
    %get3A_1488 = arith.constant 2 : i32
    %get3A_1489 = arith.index_cast %get3A_1487 : i32 to index
    %get3A_1490 = arith.index_cast %get3A_1488 : i32 to index
    %get3A_1491 = arith.constant 48 : index
    %get3A_1492 = tpu.vector_load %arg7[%get3A_1489, %get3A_1490, %get3A_1491] {strides = array<i32>} : memref<2x16x128xi32, #tpu.memory_space<vmem>>, vector<16xi32>,
    %max3A_1493 = arith.maxsi %max3A_1486, %get3A_1492 : vector<16xi32>
    %get3A_1494 = arith.constant 1 : i32
    %get3A_1495 = arith.constant 3 : i32
    %get3A_1496 = arith.index_cast %get3A_1494 : i32 to index
    %get3A_1497 = arith.index_cast %get3A_1495 : i32 to index
    %get3A_1498 = arith.constant 48 : index
    %get3A_1499 = tpu.vector_load %arg7[%get3A_1496, %get3A_1497, %get3A_1498] {strides = array<i32>} : memref<2x16x128xi32, #tpu.memory_space<vmem>>, vector<16xi32>,
    %max3A_1500 = arith.maxsi %max3A_1493, %get3A_1499 : vector<16xi32>
    %get3A_1501 = arith.constant 1 : i32
    %get3A_1502 = arith.constant 4 : i32
    %get3A_1503 = arith.index_cast %get3A_1501 : i32 to index
    %get3A_1504 = arith.index_cast %get3A_1502 : i32 to index
    %get3A_1505 = arith.constant 48 : index
    %get3A_1506 = tpu.vector_load %arg7[%get3A_1503, %get3A_1504, %get3A_1505] {strides = array<i32>} : memref<2x16x128xi32, #tpu.memory_space<vmem>>, vector<16xi32>,
    %max3A_1507 = arith.maxsi %max3A_1500, %get3A_1506 : vector<16xi32>
    %get3A_1508 = arith.constant 1 : i32
    %get3A_1509 = arith.constant 5 : i32
    %get3A_1510 = arith.index_cast %get3A_1508 : i32 to index
    %get3A_1511 = arith.index_cast %get3A_1509 : i32 to index
    %get3A_1512 = arith.constant 48 : index
    %get3A_1513 = tpu.vector_load %arg7[%get3A_1510, %get3A_1511, %get3A_1512] {strides = array<i32>} : memref<2x16x128xi32, #tpu.memory_space<vmem>>, vector<16xi32>,
    %max3A_1514 = arith.maxsi %max3A_1507, %get3A_1513 : vector<16xi32>
    %get3A_1515 = arith.constant 1 : i32
    %get3A_1516 = arith.constant 6 : i32
    %get3A_1517 = arith.index_cast %get3A_1515 : i32 to index
    %get3A_1518 = arith.index_cast %get3A_1516 : i32 to index
    %get3A_1519 = arith.constant 48 : index
    %get3A_1520 = tpu.vector_load %arg7[%get3A_1517, %get3A_1518, %get3A_1519] {strides = array<i32>} : memref<2x16x128xi32, #tpu.memory_space<vmem>>, vector<16xi32>,
    %max3A_1521 = arith.maxsi %max3A_1514, %get3A_1520 : vector<16xi32>
    %get3A_1522 = arith.constant 1 : i32
    %get3A_1523 = arith.constant 7 : i32
    %get3A_1524 = arith.index_cast %get3A_1522 : i32 to index
    %get3A_1525 = arith.index_cast %get3A_1523 : i32 to index
    %get3A_1526 = arith.constant 48 : index
    %get3A_1527 = tpu.vector_load %arg7[%get3A_1524, %get3A_1525, %get3A_1526] {strides = array<i32>} : memref<2x16x128xi32, #tpu.memory_space<vmem>>, vector<16xi32>,
    %max3A_1528 = arith.maxsi %max3A_1521, %get3A_1527 : vector<16xi32>
    %get3A_1529 = arith.constant 1 : i32
    %get3A_1530 = arith.constant 8 : i32
    %get3A_1531 = arith.index_cast %get3A_1529 : i32 to index
    %get3A_1532 = arith.index_cast %get3A_1530 : i32 to index
    %get3A_1533 = arith.constant 48 : index
    %get3A_1534 = tpu.vector_load %arg7[%get3A_1531, %get3A_1532, %get3A_1533] {strides = array<i32>} : memref<2x16x128xi32, #tpu.memory_space<vmem>>, vector<16xi32>,
    %max3A_1535 = arith.maxsi %max3A_1528, %get3A_1534 : vector<16xi32>
    %get3A_1536 = arith.constant 1 : i32
    %get3A_1537 = arith.constant 9 : i32
    %get3A_1538 = arith.index_cast %get3A_1536 : i32 to index
    %get3A_1539 = arith.index_cast %get3A_1537 : i32 to index
    %get3A_1540 = arith.constant 48 : index
    %get3A_1541 = tpu.vector_load %arg7[%get3A_1538, %get3A_1539, %get3A_1540] {strides = array<i32>} : memref<2x16x128xi32, #tpu.memory_space<vmem>>, vector<16xi32>,
    %max3A_1542 = arith.maxsi %max3A_1535, %get3A_1541 : vector<16xi32>
    %get3A_1543 = arith.constant 1 : i32
    %get3A_1544 = arith.constant 10 : i32
    %get3A_1545 = arith.index_cast %get3A_1543 : i32 to index
    %get3A_1546 = arith.index_cast %get3A_1544 : i32 to index
    %get3A_1547 = arith.constant 48 : index
    %get3A_1548 = tpu.vector_load %arg7[%get3A_1545, %get3A_1546, %get3A_1547] {strides = array<i32>} : memref<2x16x128xi32, #tpu.memory_space<vmem>>, vector<16xi32>,
    %max3A_1549 = arith.maxsi %max3A_1542, %get3A_1548 : vector<16xi32>
    %get3A_1550 = arith.constant 1 : i32
    %get3A_1551 = arith.constant 11 : i32
    %get3A_1552 = arith.index_cast %get3A_1550 : i32 to index
    %get3A_1553 = arith.index_cast %get3A_1551 : i32 to index
    %get3A_1554 = arith.constant 48 : index
    %get3A_1555 = tpu.vector_load %arg7[%get3A_1552, %get3A_1553, %get3A_1554] {strides = array<i32>} : memref<2x16x128xi32, #tpu.memory_space<vmem>>, vector<16xi32>,
    %max3A_1556 = arith.maxsi %max3A_1549, %get3A_1555 : vector<16xi32>
    %get3A_1557 = arith.constant 1 : i32
    %get3A_1558 = arith.constant 12 : i32
    %get3A_1559 = arith.index_cast %get3A_1557 : i32 to index
    %get3A_1560 = arith.index_cast %get3A_1558 : i32 to index
    %get3A_1561 = arith.constant 48 : index
    %get3A_1562 = tpu.vector_load %arg7[%get3A_1559, %get3A_1560, %get3A_1561] {strides = array<i32>} : memref<2x16x128xi32, #tpu.memory_space<vmem>>, vector<16xi32>,
    %max3A_1563 = arith.maxsi %max3A_1556, %get3A_1562 : vector<16xi32>
    %get3A_1564 = arith.constant 1 : i32
    %get3A_1565 = arith.constant 13 : i32
    %get3A_1566 = arith.index_cast %get3A_1564 : i32 to index
    %get3A_1567 = arith.index_cast %get3A_1565 : i32 to index
    %get3A_1568 = arith.constant 48 : index
    %get3A_1569 = tpu.vector_load %arg7[%get3A_1566, %get3A_1567, %get3A_1568] {strides = array<i32>} : memref<2x16x128xi32, #tpu.memory_space<vmem>>, vector<16xi32>,
    %max3A_1570 = arith.maxsi %max3A_1563, %get3A_1569 : vector<16xi32>
    %get3A_1571 = arith.constant 1 : i32
    %get3A_1572 = arith.constant 14 : i32
    %get3A_1573 = arith.index_cast %get3A_1571 : i32 to index
    %get3A_1574 = arith.index_cast %get3A_1572 : i32 to index
    %get3A_1575 = arith.constant 48 : index
    %get3A_1576 = tpu.vector_load %arg7[%get3A_1573, %get3A_1574, %get3A_1575] {strides = array<i32>} : memref<2x16x128xi32, #tpu.memory_space<vmem>>, vector<16xi32>,
    %max3A_1577 = arith.maxsi %max3A_1570, %get3A_1576 : vector<16xi32>
    %get3A_1578 = arith.constant 1 : i32
    %get3A_1579 = arith.constant 15 : i32
    %get3A_1580 = arith.index_cast %get3A_1578 : i32 to index
    %get3A_1581 = arith.index_cast %get3A_1579 : i32 to index
    %get3A_1582 = arith.constant 48 : index
    %get3A_1583 = tpu.vector_load %arg7[%get3A_1580, %get3A_1581, %get3A_1582] {strides = array<i32>} : memref<2x16x128xi32, #tpu.memory_space<vmem>>, vector<16xi32>,
    %max3A_1584 = arith.maxsi %max3A_1577, %get3A_1583 : vector<16xi32>
    %sub3A_1585 = arith.constant 1 : i32
    %sub3A_1586 = vector.broadcast %sub3A_1585 : i32 to vector<16xi32>
    %sub3A_1587 = arith.subi %max3A_1584, %sub3A_1586 : vector<16xi32>
    %swap3A_1588 = arith.constant 1 : i32
    %swap3A_1589 = arith.index_cast %swap3A_1588 : i32 to index
    %swap3A_1590 = arith.constant 48 : index
    %swap3A_1591 = tpu.vector_load %arg8[%swap3A_1589, %swap3A_1590] {strides = array<i32>} : memref<2x128xi32, #tpu.memory_space<vmem>>, vector<16xi32>,
    tpu.vector_store %arg8[%swap3A_1589, %swap3A_1590], %sub3A_1587 {strides = array<i32>} : memref<2x128xi32, #tpu.memory_space<vmem>>, vector<16xi32>,
    %get3A_1592 = arith.constant 1 : i32
    %get3A_1593 = arith.constant 0 : i32
    %get3A_1594 = arith.index_cast %get3A_1592 : i32 to index
    %get3A_1595 = arith.index_cast %get3A_1593 : i32 to index
    %get3A_1596 = arith.constant 64 : index
    %get3A_1597 = tpu.vector_load %arg7[%get3A_1594, %get3A_1595, %get3A_1596] {strides = array<i32>} : memref<2x16x128xi32, #tpu.memory_space<vmem>>, vector<16xi32>,
    %get3A_1598 = arith.constant 1 : i32
    %get3A_1599 = arith.constant 1 : i32
    %get3A_1600 = arith.index_cast %get3A_1598 : i32 to index
    %get3A_1601 = arith.index_cast %get3A_1599 : i32 to index
    %get3A_1602 = arith.constant 64 : index
    %get3A_1603 = tpu.vector_load %arg7[%get3A_1600, %get3A_1601, %get3A_1602] {strides = array<i32>} : memref<2x16x128xi32, #tpu.memory_space<vmem>>, vector<16xi32>,
    %max3A_1604 = arith.maxsi %get3A_1597, %get3A_1603 : vector<16xi32>
    %get3A_1605 = arith.constant 1 : i32
    %get3A_1606 = arith.constant 2 : i32
    %get3A_1607 = arith.index_cast %get3A_1605 : i32 to index
    %get3A_1608 = arith.index_cast %get3A_1606 : i32 to index
    %get3A_1609 = arith.constant 64 : index
    %get3A_1610 = tpu.vector_load %arg7[%get3A_1607, %get3A_1608, %get3A_1609] {strides = array<i32>} : memref<2x16x128xi32, #tpu.memory_space<vmem>>, vector<16xi32>,
    %max3A_1611 = arith.maxsi %max3A_1604, %get3A_1610 : vector<16xi32>
    %get3A_1612 = arith.constant 1 : i32
    %get3A_1613 = arith.constant 3 : i32
    %get3A_1614 = arith.index_cast %get3A_1612 : i32 to index
    %get3A_1615 = arith.index_cast %get3A_1613 : i32 to index
    %get3A_1616 = arith.constant 64 : index
    %get3A_1617 = tpu.vector_load %arg7[%get3A_1614, %get3A_1615, %get3A_1616] {strides = array<i32>} : memref<2x16x128xi32, #tpu.memory_space<vmem>>, vector<16xi32>,
    %max3A_1618 = arith.maxsi %max3A_1611, %get3A_1617 : vector<16xi32>
    %get3A_1619 = arith.constant 1 : i32
    %get3A_1620 = arith.constant 4 : i32
    %get3A_1621 = arith.index_cast %get3A_1619 : i32 to index
    %get3A_1622 = arith.index_cast %get3A_1620 : i32 to index
    %get3A_1623 = arith.constant 64 : index
    %get3A_1624 = tpu.vector_load %arg7[%get3A_1621, %get3A_1622, %get3A_1623] {strides = array<i32>} : memref<2x16x128xi32, #tpu.memory_space<vmem>>, vector<16xi32>,
    %max3A_1625 = arith.maxsi %max3A_1618, %get3A_1624 : vector<16xi32>
    %get3A_1626 = arith.constant 1 : i32
    %get3A_1627 = arith.constant 5 : i32
    %get3A_1628 = arith.index_cast %get3A_1626 : i32 to index
    %get3A_1629 = arith.index_cast %get3A_1627 : i32 to index
    %get3A_1630 = arith.constant 64 : index
    %get3A_1631 = tpu.vector_load %arg7[%get3A_1628, %get3A_1629, %get3A_1630] {strides = array<i32>} : memref<2x16x128xi32, #tpu.memory_space<vmem>>, vector<16xi32>,
    %max3A_1632 = arith.maxsi %max3A_1625, %get3A_1631 : vector<16xi32>
    %get3A_1633 = arith.constant 1 : i32
    %get3A_1634 = arith.constant 6 : i32
    %get3A_1635 = arith.index_cast %get3A_1633 : i32 to index
    %get3A_1636 = arith.index_cast %get3A_1634 : i32 to index
    %get3A_1637 = arith.constant 64 : index
    %get3A_1638 = tpu.vector_load %arg7[%get3A_1635, %get3A_1636, %get3A_1637] {strides = array<i32>} : memref<2x16x128xi32, #tpu.memory_space<vmem>>, vector<16xi32>,
    %max3A_1639 = arith.maxsi %max3A_1632, %get3A_1638 : vector<16xi32>
    %get3A_1640 = arith.constant 1 : i32
    %get3A_1641 = arith.constant 7 : i32
    %get3A_1642 = arith.index_cast %get3A_1640 : i32 to index
    %get3A_1643 = arith.index_cast %get3A_1641 : i32 to index
    %get3A_1644 = arith.constant 64 : index
    %get3A_1645 = tpu.vector_load %arg7[%get3A_1642, %get3A_1643, %get3A_1644] {strides = array<i32>} : memref<2x16x128xi32, #tpu.memory_space<vmem>>, vector<16xi32>,
    %max3A_1646 = arith.maxsi %max3A_1639, %get3A_1645 : vector<16xi32>
    %get3A_1647 = arith.constant 1 : i32
    %get3A_1648 = arith.constant 8 : i32
    %get3A_1649 = arith.index_cast %get3A_1647 : i32 to index
    %get3A_1650 = arith.index_cast %get3A_1648 : i32 to index
    %get3A_1651 = arith.constant 64 : index
    %get3A_1652 = tpu.vector_load %arg7[%get3A_1649, %get3A_1650, %get3A_1651] {strides = array<i32>} : memref<2x16x128xi32, #tpu.memory_space<vmem>>, vector<16xi32>,
    %max3A_1653 = arith.maxsi %max3A_1646, %get3A_1652 : vector<16xi32>
    %get3A_1654 = arith.constant 1 : i32
    %get3A_1655 = arith.constant 9 : i32
    %get3A_1656 = arith.index_cast %get3A_1654 : i32 to index
    %get3A_1657 = arith.index_cast %get3A_1655 : i32 to index
    %get3A_1658 = arith.constant 64 : index
    %get3A_1659 = tpu.vector_load %arg7[%get3A_1656, %get3A_1657, %get3A_1658] {strides = array<i32>} : memref<2x16x128xi32, #tpu.memory_space<vmem>>, vector<16xi32>,
    %max3A_1660 = arith.maxsi %max3A_1653, %get3A_1659 : vector<16xi32>
    %get3A_1661 = arith.constant 1 : i32
    %get3A_1662 = arith.constant 10 : i32
    %get3A_1663 = arith.index_cast %get3A_1661 : i32 to index
    %get3A_1664 = arith.index_cast %get3A_1662 : i32 to index
    %get3A_1665 = arith.constant 64 : index
    %get3A_1666 = tpu.vector_load %arg7[%get3A_1663, %get3A_1664, %get3A_1665] {strides = array<i32>} : memref<2x16x128xi32, #tpu.memory_space<vmem>>, vector<16xi32>,
    %max3A_1667 = arith.maxsi %max3A_1660, %get3A_1666 : vector<16xi32>
    %get3A_1668 = arith.constant 1 : i32
    %get3A_1669 = arith.constant 11 : i32
    %get3A_1670 = arith.index_cast %get3A_1668 : i32 to index
    %get3A_1671 = arith.index_cast %get3A_1669 : i32 to index
    %get3A_1672 = arith.constant 64 : index
    %get3A_1673 = tpu.vector_load %arg7[%get3A_1670, %get3A_1671, %get3A_1672] {strides = array<i32>} : memref<2x16x128xi32, #tpu.memory_space<vmem>>, vector<16xi32>,
    %max3A_1674 = arith.maxsi %max3A_1667, %get3A_1673 : vector<16xi32>
    %get3A_1675 = arith.constant 1 : i32
    %get3A_1676 = arith.constant 12 : i32
    %get3A_1677 = arith.index_cast %get3A_1675 : i32 to index
    %get3A_1678 = arith.index_cast %get3A_1676 : i32 to index
    %get3A_1679 = arith.constant 64 : index
    %get3A_1680 = tpu.vector_load %arg7[%get3A_1677, %get3A_1678, %get3A_1679] {strides = array<i32>} : memref<2x16x128xi32, #tpu.memory_space<vmem>>, vector<16xi32>,
    %max3A_1681 = arith.maxsi %max3A_1674, %get3A_1680 : vector<16xi32>
    %get3A_1682 = arith.constant 1 : i32
    %get3A_1683 = arith.constant 13 : i32
    %get3A_1684 = arith.index_cast %get3A_1682 : i32 to index
    %get3A_1685 = arith.index_cast %get3A_1683 : i32 to index
    %get3A_1686 = arith.constant 64 : index
    %get3A_1687 = tpu.vector_load %arg7[%get3A_1684, %get3A_1685, %get3A_1686] {strides = array<i32>} : memref<2x16x128xi32, #tpu.memory_space<vmem>>, vector<16xi32>,
    %max3A_1688 = arith.maxsi %max3A_1681, %get3A_1687 : vector<16xi32>
    %get3A_1689 = arith.constant 1 : i32
    %get3A_1690 = arith.constant 14 : i32
    %get3A_1691 = arith.index_cast %get3A_1689 : i32 to index
    %get3A_1692 = arith.index_cast %get3A_1690 : i32 to index
    %get3A_1693 = arith.constant 64 : index
    %get3A_1694 = tpu.vector_load %arg7[%get3A_1691, %get3A_1692, %get3A_1693] {strides = array<i32>} : memref<2x16x128xi32, #tpu.memory_space<vmem>>, vector<16xi32>,
    %max3A_1695 = arith.maxsi %max3A_1688, %get3A_1694 : vector<16xi32>
    %get3A_1696 = arith.constant 1 : i32
    %get3A_1697 = arith.constant 15 : i32
    %get3A_1698 = arith.index_cast %get3A_1696 : i32 to index
    %get3A_1699 = arith.index_cast %get3A_1697 : i32 to index
    %get3A_1700 = arith.constant 64 : index
    %get3A_1701 = tpu.vector_load %arg7[%get3A_1698, %get3A_1699, %get3A_1700] {strides = array<i32>} : memref<2x16x128xi32, #tpu.memory_space<vmem>>, vector<16xi32>,
    %max3A_1702 = arith.maxsi %max3A_1695, %get3A_1701 : vector<16xi32>
    %sub3A_1703 = arith.constant 1 : i32
    %sub3A_1704 = vector.broadcast %sub3A_1703 : i32 to vector<16xi32>
    %sub3A_1705 = arith.subi %max3A_1702, %sub3A_1704 : vector<16xi32>
    %swap3A_1706 = arith.constant 1 : i32
    %swap3A_1707 = arith.index_cast %swap3A_1706 : i32 to index
    %swap3A_1708 = arith.constant 64 : index
    %swap3A_1709 = tpu.vector_load %arg8[%swap3A_1707, %swap3A_1708] {strides = array<i32>} : memref<2x128xi32, #tpu.memory_space<vmem>>, vector<16xi32>,
    tpu.vector_store %arg8[%swap3A_1707, %swap3A_1708], %sub3A_1705 {strides = array<i32>} : memref<2x128xi32, #tpu.memory_space<vmem>>, vector<16xi32>,
    %get3A_1710 = arith.constant 1 : i32
    %get3A_1711 = arith.constant 0 : i32
    %get3A_1712 = arith.index_cast %get3A_1710 : i32 to index
    %get3A_1713 = arith.index_cast %get3A_1711 : i32 to index
    %get3A_1714 = arith.constant 80 : index
    %get3A_1715 = tpu.vector_load %arg7[%get3A_1712, %get3A_1713, %get3A_1714] {strides = array<i32>} : memref<2x16x128xi32, #tpu.memory_space<vmem>>, vector<16xi32>,
    %get3A_1716 = arith.constant 1 : i32
    %get3A_1717 = arith.constant 1 : i32
    %get3A_1718 = arith.index_cast %get3A_1716 : i32 to index
    %get3A_1719 = arith.index_cast %get3A_1717 : i32 to index
    %get3A_1720 = arith.constant 80 : index
    %get3A_1721 = tpu.vector_load %arg7[%get3A_1718, %get3A_1719, %get3A_1720] {strides = array<i32>} : memref<2x16x128xi32, #tpu.memory_space<vmem>>, vector<16xi32>,
    %max3A_1722 = arith.maxsi %get3A_1715, %get3A_1721 : vector<16xi32>
    %get3A_1723 = arith.constant 1 : i32
    %get3A_1724 = arith.constant 2 : i32
    %get3A_1725 = arith.index_cast %get3A_1723 : i32 to index
    %get3A_1726 = arith.index_cast %get3A_1724 : i32 to index
    %get3A_1727 = arith.constant 80 : index
    %get3A_1728 = tpu.vector_load %arg7[%get3A_1725, %get3A_1726, %get3A_1727] {strides = array<i32>} : memref<2x16x128xi32, #tpu.memory_space<vmem>>, vector<16xi32>,
    %max3A_1729 = arith.maxsi %max3A_1722, %get3A_1728 : vector<16xi32>
    %get3A_1730 = arith.constant 1 : i32
    %get3A_1731 = arith.constant 3 : i32
    %get3A_1732 = arith.index_cast %get3A_1730 : i32 to index
    %get3A_1733 = arith.index_cast %get3A_1731 : i32 to index
    %get3A_1734 = arith.constant 80 : index
    %get3A_1735 = tpu.vector_load %arg7[%get3A_1732, %get3A_1733, %get3A_1734] {strides = array<i32>} : memref<2x16x128xi32, #tpu.memory_space<vmem>>, vector<16xi32>,
    %max3A_1736 = arith.maxsi %max3A_1729, %get3A_1735 : vector<16xi32>
    %get3A_1737 = arith.constant 1 : i32
    %get3A_1738 = arith.constant 4 : i32
    %get3A_1739 = arith.index_cast %get3A_1737 : i32 to index
    %get3A_1740 = arith.index_cast %get3A_1738 : i32 to index
    %get3A_1741 = arith.constant 80 : index
    %get3A_1742 = tpu.vector_load %arg7[%get3A_1739, %get3A_1740, %get3A_1741] {strides = array<i32>} : memref<2x16x128xi32, #tpu.memory_space<vmem>>, vector<16xi32>,
    %max3A_1743 = arith.maxsi %max3A_1736, %get3A_1742 : vector<16xi32>
    %get3A_1744 = arith.constant 1 : i32
    %get3A_1745 = arith.constant 5 : i32
    %get3A_1746 = arith.index_cast %get3A_1744 : i32 to index
    %get3A_1747 = arith.index_cast %get3A_1745 : i32 to index
    %get3A_1748 = arith.constant 80 : index
    %get3A_1749 = tpu.vector_load %arg7[%get3A_1746, %get3A_1747, %get3A_1748] {strides = array<i32>} : memref<2x16x128xi32, #tpu.memory_space<vmem>>, vector<16xi32>,
    %max3A_1750 = arith.maxsi %max3A_1743, %get3A_1749 : vector<16xi32>
    %get3A_1751 = arith.constant 1 : i32
    %get3A_1752 = arith.constant 6 : i32
    %get3A_1753 = arith.index_cast %get3A_1751 : i32 to index
    %get3A_1754 = arith.index_cast %get3A_1752 : i32 to index
    %get3A_1755 = arith.constant 80 : index
    %get3A_1756 = tpu.vector_load %arg7[%get3A_1753, %get3A_1754, %get3A_1755] {strides = array<i32>} : memref<2x16x128xi32, #tpu.memory_space<vmem>>, vector<16xi32>,
    %max3A_1757 = arith.maxsi %max3A_1750, %get3A_1756 : vector<16xi32>
    %get3A_1758 = arith.constant 1 : i32
    %get3A_1759 = arith.constant 7 : i32
    %get3A_1760 = arith.index_cast %get3A_1758 : i32 to index
    %get3A_1761 = arith.index_cast %get3A_1759 : i32 to index
    %get3A_1762 = arith.constant 80 : index
    %get3A_1763 = tpu.vector_load %arg7[%get3A_1760, %get3A_1761, %get3A_1762] {strides = array<i32>} : memref<2x16x128xi32, #tpu.memory_space<vmem>>, vector<16xi32>,
    %max3A_1764 = arith.maxsi %max3A_1757, %get3A_1763 : vector<16xi32>
    %get3A_1765 = arith.constant 1 : i32
    %get3A_1766 = arith.constant 8 : i32
    %get3A_1767 = arith.index_cast %get3A_1765 : i32 to index
    %get3A_1768 = arith.index_cast %get3A_1766 : i32 to index
    %get3A_1769 = arith.constant 80 : index
    %get3A_1770 = tpu.vector_load %arg7[%get3A_1767, %get3A_1768, %get3A_1769] {strides = array<i32>} : memref<2x16x128xi32, #tpu.memory_space<vmem>>, vector<16xi32>,
    %max3A_1771 = arith.maxsi %max3A_1764, %get3A_1770 : vector<16xi32>
    %get3A_1772 = arith.constant 1 : i32
    %get3A_1773 = arith.constant 9 : i32
    %get3A_1774 = arith.index_cast %get3A_1772 : i32 to index
    %get3A_1775 = arith.index_cast %get3A_1773 : i32 to index
    %get3A_1776 = arith.constant 80 : index
    %get3A_1777 = tpu.vector_load %arg7[%get3A_1774, %get3A_1775, %get3A_1776] {strides = array<i32>} : memref<2x16x128xi32, #tpu.memory_space<vmem>>, vector<16xi32>,
    %max3A_1778 = arith.maxsi %max3A_1771, %get3A_1777 : vector<16xi32>
    %get3A_1779 = arith.constant 1 : i32
    %get3A_1780 = arith.constant 10 : i32
    %get3A_1781 = arith.index_cast %get3A_1779 : i32 to index
    %get3A_1782 = arith.index_cast %get3A_1780 : i32 to index
    %get3A_1783 = arith.constant 80 : index
    %get3A_1784 = tpu.vector_load %arg7[%get3A_1781, %get3A_1782, %get3A_1783] {strides = array<i32>} : memref<2x16x128xi32, #tpu.memory_space<vmem>>, vector<16xi32>,
    %max3A_1785 = arith.maxsi %max3A_1778, %get3A_1784 : vector<16xi32>
    %get3A_1786 = arith.constant 1 : i32
    %get3A_1787 = arith.constant 11 : i32
    %get3A_1788 = arith.index_cast %get3A_1786 : i32 to index
    %get3A_1789 = arith.index_cast %get3A_1787 : i32 to index
    %get3A_1790 = arith.constant 80 : index
    %get3A_1791 = tpu.vector_load %arg7[%get3A_1788, %get3A_1789, %get3A_1790] {strides = array<i32>} : memref<2x16x128xi32, #tpu.memory_space<vmem>>, vector<16xi32>,
    %max3A_1792 = arith.maxsi %max3A_1785, %get3A_1791 : vector<16xi32>
    %get3A_1793 = arith.constant 1 : i32
    %get3A_1794 = arith.constant 12 : i32
    %get3A_1795 = arith.index_cast %get3A_1793 : i32 to index
    %get3A_1796 = arith.index_cast %get3A_1794 : i32 to index
    %get3A_1797 = arith.constant 80 : index
    %get3A_1798 = tpu.vector_load %arg7[%get3A_1795, %get3A_1796, %get3A_1797] {strides = array<i32>} : memref<2x16x128xi32, #tpu.memory_space<vmem>>, vector<16xi32>,
    %max3A_1799 = arith.maxsi %max3A_1792, %get3A_1798 : vector<16xi32>
    %get3A_1800 = arith.constant 1 : i32
    %get3A_1801 = arith.constant 13 : i32
    %get3A_1802 = arith.index_cast %get3A_1800 : i32 to index
    %get3A_1803 = arith.index_cast %get3A_1801 : i32 to index
    %get3A_1804 = arith.constant 80 : index
    %get3A_1805 = tpu.vector_load %arg7[%get3A_1802, %get3A_1803, %get3A_1804] {strides = array<i32>} : memref<2x16x128xi32, #tpu.memory_space<vmem>>, vector<16xi32>,
    %max3A_1806 = arith.maxsi %max3A_1799, %get3A_1805 : vector<16xi32>
    %get3A_1807 = arith.constant 1 : i32
    %get3A_1808 = arith.constant 14 : i32
    %get3A_1809 = arith.index_cast %get3A_1807 : i32 to index
    %get3A_1810 = arith.index_cast %get3A_1808 : i32 to index
    %get3A_1811 = arith.constant 80 : index
    %get3A_1812 = tpu.vector_load %arg7[%get3A_1809, %get3A_1810, %get3A_1811] {strides = array<i32>} : memref<2x16x128xi32, #tpu.memory_space<vmem>>, vector<16xi32>,
    %max3A_1813 = arith.maxsi %max3A_1806, %get3A_1812 : vector<16xi32>
    %get3A_1814 = arith.constant 1 : i32
    %get3A_1815 = arith.constant 15 : i32
    %get3A_1816 = arith.index_cast %get3A_1814 : i32 to index
    %get3A_1817 = arith.index_cast %get3A_1815 : i32 to index
    %get3A_1818 = arith.constant 80 : index
    %get3A_1819 = tpu.vector_load %arg7[%get3A_1816, %get3A_1817, %get3A_1818] {strides = array<i32>} : memref<2x16x128xi32, #tpu.memory_space<vmem>>, vector<16xi32>,
    %max3A_1820 = arith.maxsi %max3A_1813, %get3A_1819 : vector<16xi32>
    %sub3A_1821 = arith.constant 1 : i32
    %sub3A_1822 = vector.broadcast %sub3A_1821 : i32 to vector<16xi32>
    %sub3A_1823 = arith.subi %max3A_1820, %sub3A_1822 : vector<16xi32>
    %swap3A_1824 = arith.constant 1 : i32
    %swap3A_1825 = arith.index_cast %swap3A_1824 : i32 to index
    %swap3A_1826 = arith.constant 80 : index
    %swap3A_1827 = tpu.vector_load %arg8[%swap3A_1825, %swap3A_1826] {strides = array<i32>} : memref<2x128xi32, #tpu.memory_space<vmem>>, vector<16xi32>,
    tpu.vector_store %arg8[%swap3A_1825, %swap3A_1826], %sub3A_1823 {strides = array<i32>} : memref<2x128xi32, #tpu.memory_space<vmem>>, vector<16xi32>,
    %get3A_1828 = arith.constant 1 : i32
    %get3A_1829 = arith.constant 0 : i32
    %get3A_1830 = arith.index_cast %get3A_1828 : i32 to index
    %get3A_1831 = arith.index_cast %get3A_1829 : i32 to index
    %get3A_1832 = arith.constant 96 : index
    %get3A_1833 = tpu.vector_load %arg7[%get3A_1830, %get3A_1831, %get3A_1832] {strides = array<i32>} : memref<2x16x128xi32, #tpu.memory_space<vmem>>, vector<16xi32>,
    %get3A_1834 = arith.constant 1 : i32
    %get3A_1835 = arith.constant 1 : i32
    %get3A_1836 = arith.index_cast %get3A_1834 : i32 to index
    %get3A_1837 = arith.index_cast %get3A_1835 : i32 to index
    %get3A_1838 = arith.constant 96 : index
    %get3A_1839 = tpu.vector_load %arg7[%get3A_1836, %get3A_1837, %get3A_1838] {strides = array<i32>} : memref<2x16x128xi32, #tpu.memory_space<vmem>>, vector<16xi32>,
    %max3A_1840 = arith.maxsi %get3A_1833, %get3A_1839 : vector<16xi32>
    %get3A_1841 = arith.constant 1 : i32
    %get3A_1842 = arith.constant 2 : i32
    %get3A_1843 = arith.index_cast %get3A_1841 : i32 to index
    %get3A_1844 = arith.index_cast %get3A_1842 : i32 to index
    %get3A_1845 = arith.constant 96 : index
    %get3A_1846 = tpu.vector_load %arg7[%get3A_1843, %get3A_1844, %get3A_1845] {strides = array<i32>} : memref<2x16x128xi32, #tpu.memory_space<vmem>>, vector<16xi32>,
    %max3A_1847 = arith.maxsi %max3A_1840, %get3A_1846 : vector<16xi32>
    %get3A_1848 = arith.constant 1 : i32
    %get3A_1849 = arith.constant 3 : i32
    %get3A_1850 = arith.index_cast %get3A_1848 : i32 to index
    %get3A_1851 = arith.index_cast %get3A_1849 : i32 to index
    %get3A_1852 = arith.constant 96 : index
    %get3A_1853 = tpu.vector_load %arg7[%get3A_1850, %get3A_1851, %get3A_1852] {strides = array<i32>} : memref<2x16x128xi32, #tpu.memory_space<vmem>>, vector<16xi32>,
    %max3A_1854 = arith.maxsi %max3A_1847, %get3A_1853 : vector<16xi32>
    %get3A_1855 = arith.constant 1 : i32
    %get3A_1856 = arith.constant 4 : i32
    %get3A_1857 = arith.index_cast %get3A_1855 : i32 to index
    %get3A_1858 = arith.index_cast %get3A_1856 : i32 to index
    %get3A_1859 = arith.constant 96 : index
    %get3A_1860 = tpu.vector_load %arg7[%get3A_1857, %get3A_1858, %get3A_1859] {strides = array<i32>} : memref<2x16x128xi32, #tpu.memory_space<vmem>>, vector<16xi32>,
    %max3A_1861 = arith.maxsi %max3A_1854, %get3A_1860 : vector<16xi32>
    %get3A_1862 = arith.constant 1 : i32
    %get3A_1863 = arith.constant 5 : i32
    %get3A_1864 = arith.index_cast %get3A_1862 : i32 to index
    %get3A_1865 = arith.index_cast %get3A_1863 : i32 to index
    %get3A_1866 = arith.constant 96 : index
    %get3A_1867 = tpu.vector_load %arg7[%get3A_1864, %get3A_1865, %get3A_1866] {strides = array<i32>} : memref<2x16x128xi32, #tpu.memory_space<vmem>>, vector<16xi32>,
    %max3A_1868 = arith.maxsi %max3A_1861, %get3A_1867 : vector<16xi32>
    %get3A_1869 = arith.constant 1 : i32
    %get3A_1870 = arith.constant 6 : i32
    %get3A_1871 = arith.index_cast %get3A_1869 : i32 to index
    %get3A_1872 = arith.index_cast %get3A_1870 : i32 to index
    %get3A_1873 = arith.constant 96 : index
    %get3A_1874 = tpu.vector_load %arg7[%get3A_1871, %get3A_1872, %get3A_1873] {strides = array<i32>} : memref<2x16x128xi32, #tpu.memory_space<vmem>>, vector<16xi32>,
    %max3A_1875 = arith.maxsi %max3A_1868, %get3A_1874 : vector<16xi32>
    %get3A_1876 = arith.constant 1 : i32
    %get3A_1877 = arith.constant 7 : i32
    %get3A_1878 = arith.index_cast %get3A_1876 : i32 to index
    %get3A_1879 = arith.index_cast %get3A_1877 : i32 to index
    %get3A_1880 = arith.constant 96 : index
    %get3A_1881 = tpu.vector_load %arg7[%get3A_1878, %get3A_1879, %get3A_1880] {strides = array<i32>} : memref<2x16x128xi32, #tpu.memory_space<vmem>>, vector<16xi32>,
    %max3A_1882 = arith.maxsi %max3A_1875, %get3A_1881 : vector<16xi32>
    %get3A_1883 = arith.constant 1 : i32
    %get3A_1884 = arith.constant 8 : i32
    %get3A_1885 = arith.index_cast %get3A_1883 : i32 to index
    %get3A_1886 = arith.index_cast %get3A_1884 : i32 to index
    %get3A_1887 = arith.constant 96 : index
    %get3A_1888 = tpu.vector_load %arg7[%get3A_1885, %get3A_1886, %get3A_1887] {strides = array<i32>} : memref<2x16x128xi32, #tpu.memory_space<vmem>>, vector<16xi32>,
    %max3A_1889 = arith.maxsi %max3A_1882, %get3A_1888 : vector<16xi32>
    %get3A_1890 = arith.constant 1 : i32
    %get3A_1891 = arith.constant 9 : i32
    %get3A_1892 = arith.index_cast %get3A_1890 : i32 to index
    %get3A_1893 = arith.index_cast %get3A_1891 : i32 to index
    %get3A_1894 = arith.constant 96 : index
    %get3A_1895 = tpu.vector_load %arg7[%get3A_1892, %get3A_1893, %get3A_1894] {strides = array<i32>} : memref<2x16x128xi32, #tpu.memory_space<vmem>>, vector<16xi32>,
    %max3A_1896 = arith.maxsi %max3A_1889, %get3A_1895 : vector<16xi32>
    %get3A_1897 = arith.constant 1 : i32
    %get3A_1898 = arith.constant 10 : i32
    %get3A_1899 = arith.index_cast %get3A_1897 : i32 to index
    %get3A_1900 = arith.index_cast %get3A_1898 : i32 to index
    %get3A_1901 = arith.constant 96 : index
    %get3A_1902 = tpu.vector_load %arg7[%get3A_1899, %get3A_1900, %get3A_1901] {strides = array<i32>} : memref<2x16x128xi32, #tpu.memory_space<vmem>>, vector<16xi32>,
    %max3A_1903 = arith.maxsi %max3A_1896, %get3A_1902 : vector<16xi32>
    %get3A_1904 = arith.constant 1 : i32
    %get3A_1905 = arith.constant 11 : i32
    %get3A_1906 = arith.index_cast %get3A_1904 : i32 to index
    %get3A_1907 = arith.index_cast %get3A_1905 : i32 to index
    %get3A_1908 = arith.constant 96 : index
    %get3A_1909 = tpu.vector_load %arg7[%get3A_1906, %get3A_1907, %get3A_1908] {strides = array<i32>} : memref<2x16x128xi32, #tpu.memory_space<vmem>>, vector<16xi32>,
    %max3A_1910 = arith.maxsi %max3A_1903, %get3A_1909 : vector<16xi32>
    %get3A_1911 = arith.constant 1 : i32
    %get3A_1912 = arith.constant 12 : i32
    %get3A_1913 = arith.index_cast %get3A_1911 : i32 to index
    %get3A_1914 = arith.index_cast %get3A_1912 : i32 to index
    %get3A_1915 = arith.constant 96 : index
    %get3A_1916 = tpu.vector_load %arg7[%get3A_1913, %get3A_1914, %get3A_1915] {strides = array<i32>} : memref<2x16x128xi32, #tpu.memory_space<vmem>>, vector<16xi32>,
    %max3A_1917 = arith.maxsi %max3A_1910, %get3A_1916 : vector<16xi32>
    %get3A_1918 = arith.constant 1 : i32
    %get3A_1919 = arith.constant 13 : i32
    %get3A_1920 = arith.index_cast %get3A_1918 : i32 to index
    %get3A_1921 = arith.index_cast %get3A_1919 : i32 to index
    %get3A_1922 = arith.constant 96 : index
    %get3A_1923 = tpu.vector_load %arg7[%get3A_1920, %get3A_1921, %get3A_1922] {strides = array<i32>} : memref<2x16x128xi32, #tpu.memory_space<vmem>>, vector<16xi32>,
    %max3A_1924 = arith.maxsi %max3A_1917, %get3A_1923 : vector<16xi32>
    %get3A_1925 = arith.constant 1 : i32
    %get3A_1926 = arith.constant 14 : i32
    %get3A_1927 = arith.index_cast %get3A_1925 : i32 to index
    %get3A_1928 = arith.index_cast %get3A_1926 : i32 to index
    %get3A_1929 = arith.constant 96 : index
    %get3A_1930 = tpu.vector_load %arg7[%get3A_1927, %get3A_1928, %get3A_1929] {strides = array<i32>} : memref<2x16x128xi32, #tpu.memory_space<vmem>>, vector<16xi32>,
    %max3A_1931 = arith.maxsi %max3A_1924, %get3A_1930 : vector<16xi32>
    %get3A_1932 = arith.constant 1 : i32
    %get3A_1933 = arith.constant 15 : i32
    %get3A_1934 = arith.index_cast %get3A_1932 : i32 to index
    %get3A_1935 = arith.index_cast %get3A_1933 : i32 to index
    %get3A_1936 = arith.constant 96 : index
    %get3A_1937 = tpu.vector_load %arg7[%get3A_1934, %get3A_1935, %get3A_1936] {strides = array<i32>} : memref<2x16x128xi32, #tpu.memory_space<vmem>>, vector<16xi32>,
    %max3A_1938 = arith.maxsi %max3A_1931, %get3A_1937 : vector<16xi32>
    %sub3A_1939 = arith.constant 1 : i32
    %sub3A_1940 = vector.broadcast %sub3A_1939 : i32 to vector<16xi32>
    %sub3A_1941 = arith.subi %max3A_1938, %sub3A_1940 : vector<16xi32>
    %swap3A_1942 = arith.constant 1 : i32
    %swap3A_1943 = arith.index_cast %swap3A_1942 : i32 to index
    %swap3A_1944 = arith.constant 96 : index
    %swap3A_1945 = tpu.vector_load %arg8[%swap3A_1943, %swap3A_1944] {strides = array<i32>} : memref<2x128xi32, #tpu.memory_space<vmem>>, vector<16xi32>,
    tpu.vector_store %arg8[%swap3A_1943, %swap3A_1944], %sub3A_1941 {strides = array<i32>} : memref<2x128xi32, #tpu.memory_space<vmem>>, vector<16xi32>,
    %get3A_1946 = arith.constant 1 : i32
    %get3A_1947 = arith.constant 0 : i32
    %get3A_1948 = arith.index_cast %get3A_1946 : i32 to index
    %get3A_1949 = arith.index_cast %get3A_1947 : i32 to index
    %get3A_1950 = arith.constant 112 : index
    %get3A_1951 = tpu.vector_load %arg7[%get3A_1948, %get3A_1949, %get3A_1950] {strides = array<i32>} : memref<2x16x128xi32, #tpu.memory_space<vmem>>, vector<16xi32>,
    %get3A_1952 = arith.constant 1 : i32
    %get3A_1953 = arith.constant 1 : i32
    %get3A_1954 = arith.index_cast %get3A_1952 : i32 to index
    %get3A_1955 = arith.index_cast %get3A_1953 : i32 to index
    %get3A_1956 = arith.constant 112 : index
    %get3A_1957 = tpu.vector_load %arg7[%get3A_1954, %get3A_1955, %get3A_1956] {strides = array<i32>} : memref<2x16x128xi32, #tpu.memory_space<vmem>>, vector<16xi32>,
    %max3A_1958 = arith.maxsi %get3A_1951, %get3A_1957 : vector<16xi32>
    %get3A_1959 = arith.constant 1 : i32
    %get3A_1960 = arith.constant 2 : i32
    %get3A_1961 = arith.index_cast %get3A_1959 : i32 to index
    %get3A_1962 = arith.index_cast %get3A_1960 : i32 to index
    %get3A_1963 = arith.constant 112 : index
    %get3A_1964 = tpu.vector_load %arg7[%get3A_1961, %get3A_1962, %get3A_1963] {strides = array<i32>} : memref<2x16x128xi32, #tpu.memory_space<vmem>>, vector<16xi32>,
    %max3A_1965 = arith.maxsi %max3A_1958, %get3A_1964 : vector<16xi32>
    %get3A_1966 = arith.constant 1 : i32
    %get3A_1967 = arith.constant 3 : i32
    %get3A_1968 = arith.index_cast %get3A_1966 : i32 to index
    %get3A_1969 = arith.index_cast %get3A_1967 : i32 to index
    %get3A_1970 = arith.constant 112 : index
    %get3A_1971 = tpu.vector_load %arg7[%get3A_1968, %get3A_1969, %get3A_1970] {strides = array<i32>} : memref<2x16x128xi32, #tpu.memory_space<vmem>>, vector<16xi32>,
    %max3A_1972 = arith.maxsi %max3A_1965, %get3A_1971 : vector<16xi32>
    %get3A_1973 = arith.constant 1 : i32
    %get3A_1974 = arith.constant 4 : i32
    %get3A_1975 = arith.index_cast %get3A_1973 : i32 to index
    %get3A_1976 = arith.index_cast %get3A_1974 : i32 to index
    %get3A_1977 = arith.constant 112 : index
    %get3A_1978 = tpu.vector_load %arg7[%get3A_1975, %get3A_1976, %get3A_1977] {strides = array<i32>} : memref<2x16x128xi32, #tpu.memory_space<vmem>>, vector<16xi32>,
    %max3A_1979 = arith.maxsi %max3A_1972, %get3A_1978 : vector<16xi32>
    %get3A_1980 = arith.constant 1 : i32
    %get3A_1981 = arith.constant 5 : i32
    %get3A_1982 = arith.index_cast %get3A_1980 : i32 to index
    %get3A_1983 = arith.index_cast %get3A_1981 : i32 to index
    %get3A_1984 = arith.constant 112 : index
    %get3A_1985 = tpu.vector_load %arg7[%get3A_1982, %get3A_1983, %get3A_1984] {strides = array<i32>} : memref<2x16x128xi32, #tpu.memory_space<vmem>>, vector<16xi32>,
    %max3A_1986 = arith.maxsi %max3A_1979, %get3A_1985 : vector<16xi32>
    %get3A_1987 = arith.constant 1 : i32
    %get3A_1988 = arith.constant 6 : i32
    %get3A_1989 = arith.index_cast %get3A_1987 : i32 to index
    %get3A_1990 = arith.index_cast %get3A_1988 : i32 to index
    %get3A_1991 = arith.constant 112 : index
    %get3A_1992 = tpu.vector_load %arg7[%get3A_1989, %get3A_1990, %get3A_1991] {strides = array<i32>} : memref<2x16x128xi32, #tpu.memory_space<vmem>>, vector<16xi32>,
    %max3A_1993 = arith.maxsi %max3A_1986, %get3A_1992 : vector<16xi32>
    %get3A_1994 = arith.constant 1 : i32
    %get3A_1995 = arith.constant 7 : i32
    %get3A_1996 = arith.index_cast %get3A_1994 : i32 to index
    %get3A_1997 = arith.index_cast %get3A_1995 : i32 to index
    %get3A_1998 = arith.constant 112 : index
    %get3A_1999 = tpu.vector_load %arg7[%get3A_1996, %get3A_1997, %get3A_1998] {strides = array<i32>} : memref<2x16x128xi32, #tpu.memory_space<vmem>>, vector<16xi32>,
    %max3A_2000 = arith.maxsi %max3A_1993, %get3A_1999 : vector<16xi32>
    %get3A_2001 = arith.constant 1 : i32
    %get3A_2002 = arith.constant 8 : i32
    %get3A_2003 = arith.index_cast %get3A_2001 : i32 to index
    %get3A_2004 = arith.index_cast %get3A_2002 : i32 to index
    %get3A_2005 = arith.constant 112 : index
    %get3A_2006 = tpu.vector_load %arg7[%get3A_2003, %get3A_2004, %get3A_2005] {strides = array<i32>} : memref<2x16x128xi32, #tpu.memory_space<vmem>>, vector<16xi32>,
    %max3A_2007 = arith.maxsi %max3A_2000, %get3A_2006 : vector<16xi32>
    %get3A_2008 = arith.constant 1 : i32
    %get3A_2009 = arith.constant 9 : i32
    %get3A_2010 = arith.index_cast %get3A_2008 : i32 to index
    %get3A_2011 = arith.index_cast %get3A_2009 : i32 to index
    %get3A_2012 = arith.constant 112 : index
    %get3A_2013 = tpu.vector_load %arg7[%get3A_2010, %get3A_2011, %get3A_2012] {strides = array<i32>} : memref<2x16x128xi32, #tpu.memory_space<vmem>>, vector<16xi32>,
    %max3A_2014 = arith.maxsi %max3A_2007, %get3A_2013 : vector<16xi32>
    %get3A_2015 = arith.constant 1 : i32
    %get3A_2016 = arith.constant 10 : i32
    %get3A_2017 = arith.index_cast %get3A_2015 : i32 to index
    %get3A_2018 = arith.index_cast %get3A_2016 : i32 to index
    %get3A_2019 = arith.constant 112 : index
    %get3A_2020 = tpu.vector_load %arg7[%get3A_2017, %get3A_2018, %get3A_2019] {strides = array<i32>} : memref<2x16x128xi32, #tpu.memory_space<vmem>>, vector<16xi32>,
    %max3A_2021 = arith.maxsi %max3A_2014, %get3A_2020 : vector<16xi32>
    %get3A_2022 = arith.constant 1 : i32
    %get3A_2023 = arith.constant 11 : i32
    %get3A_2024 = arith.index_cast %get3A_2022 : i32 to index
    %get3A_2025 = arith.index_cast %get3A_2023 : i32 to index
    %get3A_2026 = arith.constant 112 : index
    %get3A_2027 = tpu.vector_load %arg7[%get3A_2024, %get3A_2025, %get3A_2026] {strides = array<i32>} : memref<2x16x128xi32, #tpu.memory_space<vmem>>, vector<16xi32>,
    %max3A_2028 = arith.maxsi %max3A_2021, %get3A_2027 : vector<16xi32>
    %get3A_2029 = arith.constant 1 : i32
    %get3A_2030 = arith.constant 12 : i32
    %get3A_2031 = arith.index_cast %get3A_2029 : i32 to index
    %get3A_2032 = arith.index_cast %get3A_2030 : i32 to index
    %get3A_2033 = arith.constant 112 : index
    %get3A_2034 = tpu.vector_load %arg7[%get3A_2031, %get3A_2032, %get3A_2033] {strides = array<i32>} : memref<2x16x128xi32, #tpu.memory_space<vmem>>, vector<16xi32>,
    %max3A_2035 = arith.maxsi %max3A_2028, %get3A_2034 : vector<16xi32>
    %get3A_2036 = arith.constant 1 : i32
    %get3A_2037 = arith.constant 13 : i32
    %get3A_2038 = arith.index_cast %get3A_2036 : i32 to index
    %get3A_2039 = arith.index_cast %get3A_2037 : i32 to index
    %get3A_2040 = arith.constant 112 : index
    %get3A_2041 = tpu.vector_load %arg7[%get3A_2038, %get3A_2039, %get3A_2040] {strides = array<i32>} : memref<2x16x128xi32, #tpu.memory_space<vmem>>, vector<16xi32>,
    %max3A_2042 = arith.maxsi %max3A_2035, %get3A_2041 : vector<16xi32>
    %get3A_2043 = arith.constant 1 : i32
    %get3A_2044 = arith.constant 14 : i32
    %get3A_2045 = arith.index_cast %get3A_2043 : i32 to index
    %get3A_2046 = arith.index_cast %get3A_2044 : i32 to index
    %get3A_2047 = arith.constant 112 : index
    %get3A_2048 = tpu.vector_load %arg7[%get3A_2045, %get3A_2046, %get3A_2047] {strides = array<i32>} : memref<2x16x128xi32, #tpu.memory_space<vmem>>, vector<16xi32>,
    %max3A_2049 = arith.maxsi %max3A_2042, %get3A_2048 : vector<16xi32>
    %get3A_2050 = arith.constant 1 : i32
    %get3A_2051 = arith.constant 15 : i32
    %get3A_2052 = arith.index_cast %get3A_2050 : i32 to index
    %get3A_2053 = arith.index_cast %get3A_2051 : i32 to index
    %get3A_2054 = arith.constant 112 : index
    %get3A_2055 = tpu.vector_load %arg7[%get3A_2052, %get3A_2053, %get3A_2054] {strides = array<i32>} : memref<2x16x128xi32, #tpu.memory_space<vmem>>, vector<16xi32>,
    %max3A_2056 = arith.maxsi %max3A_2049, %get3A_2055 : vector<16xi32>
    %sub3A_2057 = arith.constant 1 : i32
    %sub3A_2058 = vector.broadcast %sub3A_2057 : i32 to vector<16xi32>
    %sub3A_2059 = arith.subi %max3A_2056, %sub3A_2058 : vector<16xi32>
    %swap3A_2060 = arith.constant 1 : i32
    %swap3A_2061 = arith.index_cast %swap3A_2060 : i32 to index
    %swap3A_2062 = arith.constant 112 : index
    %swap3A_2063 = tpu.vector_load %arg8[%swap3A_2061, %swap3A_2062] {strides = array<i32>} : memref<2x128xi32, #tpu.memory_space<vmem>>, vector<16xi32>,
    tpu.vector_store %arg8[%swap3A_2061, %swap3A_2062], %sub3A_2059 {strides = array<i32>} : memref<2x128xi32, #tpu.memory_space<vmem>>, vector<16xi32>,
    %mul3A_2064 = arith.constant 2 : i32
    %mul3A_2065 = arith.muli %arg0, %mul3A_2064 : i32
    %add3A_2066 = arith.constant 1 : i32
    %add3A_2067 = arith.addi %mul3A_2065, %add3A_2066 : i32
    %dma_start3A_2068 = arith.constant 1 : i32
    %dma_start3A_2069 = arith.constant 1 : i32
    %dma_start3A_2070 = arith.constant 0 : i32
    %dma_start3A_2071 = arith.constant 0 : i32
    %dma_start3A_2072 = tpu.memref_slice %arg9[%dma_start3A_2069, %dma_start3A_2070, %dma_start3A_2071] : memref<2x128x16xf32, #tpu.memory_space<vmem>> -> memref<1x128x16xf32, #tpu.memory_space<vmem>>
    %dma_start3A_2073 = tpu.memref_squeeze %dma_start3A_2072 : memref<1x128x16xf32, #tpu.memory_space<vmem>> -> memref<128x16xf32, #tpu.memory_space<vmem>>
    %dma_start3A_2074 = arith.constant 0 : i32
    %dma_start3A_2075 = tpu.memref_slice %arg8[%dma_start3A_2068, %dma_start3A_2074] : memref<2x128xi32, #tpu.memory_space<vmem>> -> memref<1x128xi32, #tpu.memory_space<vmem>>
    %dma_start3A_2076 = tpu.memref_squeeze %dma_start3A_2075 : memref<1x128xi32, #tpu.memory_space<vmem>> -> memref<128xi32, #tpu.memory_space<vmem>>
    %dma_start3A_2077 = arith.constant 0 : i32
    %dma_start3A_2078 = arith.constant 0 : i32
    %dma_start3A_2079 = tpu.memref_slice %arg2[%add3A_2067, %dma_start3A_2077, %dma_start3A_2078] : memref<4x20480x16xf32, #tpu.memory_space<hbm>> -> memref<1x20480x16xf32, #tpu.memory_space<hbm>>
    %dma_start3A_2080 = tpu.memref_squeeze %dma_start3A_2079 : memref<1x20480x16xf32, #tpu.memory_space<hbm>> -> memref<20480x16xf32, #tpu.memory_space<hbm>>
    %dma_start3A_2081 = arith.constant 0 : i32
    %dma_start3A_2082 = arith.constant 0 : i32
    %dma_start3A_2083 = tpu.memref_slice %dma_start3A_2080[%dma_start3A_2081, %dma_start3A_2082] : memref<20480x16xf32, #tpu.memory_space<hbm>> -> memref<20480x16xf32, #tpu.memory_space<hbm>>
    tpu.enqueue_indirect_dma source(%dma_start3A_2083 : memref<20480x16xf32, #tpu.memory_space<hbm>>) target(%dma_start3A_2073 : memref<128x16xf32, #tpu.memory_space<vmem>>) offsets(%dma_start3A_2076 : memref<128xi32, #tpu.memory_space<vmem>>) semaphore(%arg13 : memref<!tpu.dma_semaphore, #tpu.memory_space<semaphore_mem>>)
    %dma_wait3A_2084 = arith.constant 0 : i32
    %dma_wait3A_2085 = arith.constant 0 : i32
    %dma_wait3A_2086 = arith.constant 0 : i32
    %dma_wait3A_2087 = arith.constant 0 : i32
    %dma_wait3A_2088 = tpu.memref_slice %arg9[%dma_wait3A_2085, %dma_wait3A_2086, %dma_wait3A_2087] : memref<2x128x16xf32, #tpu.memory_space<vmem>> -> memref<1x128x16xf32, #tpu.memory_space<vmem>>
    %dma_wait3A_2089 = tpu.memref_squeeze %dma_wait3A_2088 : memref<1x128x16xf32, #tpu.memory_space<vmem>> -> memref<128x16xf32, #tpu.memory_space<vmem>>
    %dma_wait3A_2090 = arith.constant 0 : i32
    %dma_wait3A_2091 = tpu.memref_slice %arg8[%dma_wait3A_2084, %dma_wait3A_2090] : memref<2x128xi32, #tpu.memory_space<vmem>> -> memref<1x128xi32, #tpu.memory_space<vmem>>
    %dma_wait3A_2092 = tpu.memref_squeeze %dma_wait3A_2091 : memref<1x128xi32, #tpu.memory_space<vmem>> -> memref<128xi32, #tpu.memory_space<vmem>>
    %dma_wait3A_2093 = arith.constant 0 : i32
    %dma_wait3A_2094 = arith.constant 0 : i32
    %dma_wait3A_2095 = tpu.memref_slice %arg2[%add3A_1103, %dma_wait3A_2093, %dma_wait3A_2094] : memref<4x20480x16xf32, #tpu.memory_space<hbm>> -> memref<1x20480x16xf32, #tpu.memory_space<hbm>>
    %dma_wait3A_2096 = tpu.memref_squeeze %dma_wait3A_2095 : memref<1x20480x16xf32, #tpu.memory_space<hbm>> -> memref<20480x16xf32, #tpu.memory_space<hbm>>
    %dma_wait3A_2097 = arith.constant 0 : i32
    %dma_wait3A_2098 = arith.constant 0 : i32
    %dma_wait3A_2099 = tpu.memref_slice %dma_wait3A_2096[%dma_wait3A_2097, %dma_wait3A_2098] : memref<20480x16xf32, #tpu.memory_space<hbm>> -> memref<20480x16xf32, #tpu.memory_space<hbm>>
    tpu.wait_indirect_dma semaphore(%arg13 : memref<!tpu.dma_semaphore, #tpu.memory_space<semaphore_mem>>) src(%dma_wait3A_2099 : memref<20480x16xf32, #tpu.memory_space<hbm>>) dst(%dma_wait3A_2089 : memref<128x16xf32, #tpu.memory_space<vmem>>)
    %dma_wait3A_2100 = arith.constant 1 : i32
    %dma_wait3A_2101 = arith.constant 1 : i32
    %dma_wait3A_2102 = arith.constant 0 : i32
    %dma_wait3A_2103 = arith.constant 0 : i32
    %dma_wait3A_2104 = tpu.memref_slice %arg9[%dma_wait3A_2101, %dma_wait3A_2102, %dma_wait3A_2103] : memref<2x128x16xf32, #tpu.memory_space<vmem>> -> memref<1x128x16xf32, #tpu.memory_space<vmem>>
    %dma_wait3A_2105 = tpu.memref_squeeze %dma_wait3A_2104 : memref<1x128x16xf32, #tpu.memory_space<vmem>> -> memref<128x16xf32, #tpu.memory_space<vmem>>
    %dma_wait3A_2106 = arith.constant 0 : i32
    %dma_wait3A_2107 = tpu.memref_slice %arg8[%dma_wait3A_2100, %dma_wait3A_2106] : memref<2x128xi32, #tpu.memory_space<vmem>> -> memref<1x128xi32, #tpu.memory_space<vmem>>
    %dma_wait3A_2108 = tpu.memref_squeeze %dma_wait3A_2107 : memref<1x128xi32, #tpu.memory_space<vmem>> -> memref<128xi32, #tpu.memory_space<vmem>>
    %dma_wait3A_2109 = arith.constant 0 : i32
    %dma_wait3A_2110 = arith.constant 0 : i32
    %dma_wait3A_2111 = tpu.memref_slice %arg2[%add3A_2067, %dma_wait3A_2109, %dma_wait3A_2110] : memref<4x20480x16xf32, #tpu.memory_space<hbm>> -> memref<1x20480x16xf32, #tpu.memory_space<hbm>>
    %dma_wait3A_2112 = tpu.memref_squeeze %dma_wait3A_2111 : memref<1x20480x16xf32, #tpu.memory_space<hbm>> -> memref<20480x16xf32, #tpu.memory_space<hbm>>
    %dma_wait3A_2113 = arith.constant 0 : i32
    %dma_wait3A_2114 = arith.constant 0 : i32
    %dma_wait3A_2115 = tpu.memref_slice %dma_wait3A_2112[%dma_wait3A_2113, %dma_wait3A_2114] : memref<20480x16xf32, #tpu.memory_space<hbm>> -> memref<20480x16xf32, #tpu.memory_space<hbm>>
    tpu.wait_indirect_dma semaphore(%arg13 : memref<!tpu.dma_semaphore, #tpu.memory_space<semaphore_mem>>) src(%dma_wait3A_2115 : memref<20480x16xf32, #tpu.memory_space<hbm>>) dst(%dma_wait3A_2105 : memref<128x16xf32, #tpu.memory_space<vmem>>)
    %mul3A_2116 = arith.constant 2 : i32
    %mul3A_2117 = arith.muli %arg0, %mul3A_2116 : i32
    %add3A_2118 = arith.constant 0 : i32
    %add3A_2119 = arith.addi %mul3A_2117, %add3A_2118 : i32
    %mul3A_2120 = arith.constant 128 : i32
    %mul3A_2121 = arith.muli %arg1, %mul3A_2120 : i32
    %run_scoped3A_2122 = arith.constant 0 : i32
    "tpu.region"() ({
      %run_scoped3A_2130 = tpu.sem_alloc : memref<!tpu.dma_semaphore, #tpu.memory_space<semaphore_mem>>
      %dma_start3A_2131 = arith.constant 0 : i32
      %dma_start3A_2132 = arith.constant 0 : i32
      %dma_start3A_2133 = tpu.memref_slice %arg9[%run_scoped3A_2122, %dma_start3A_2131, %dma_start3A_2132] : memref<2x128x16xf32, #tpu.memory_space<vmem>> -> memref<1x128x16xf32, #tpu.memory_space<vmem>>
      %dma_start3A_2134 = tpu.memref_squeeze %dma_start3A_2133 : memref<1x128x16xf32, #tpu.memory_space<vmem>> -> memref<128x16xf32, #tpu.memory_space<vmem>>
      %dma_start3A_2135 = arith.constant 0 : i32
      %dma_start3A_2136 = tpu.memref_slice %arg4[%add3A_2119, %mul3A_2121, %dma_start3A_2135] : memref<4x2048x16xf32, #tpu.memory_space<hbm>> -> memref<1x128x16xf32, #tpu.memory_space<hbm>>
      %dma_start3A_2137 = tpu.memref_squeeze %dma_start3A_2136 : memref<1x128x16xf32, #tpu.memory_space<hbm>> -> memref<128x16xf32, #tpu.memory_space<hbm>>
      %dma_start3A_2138 = arith.constant 0 : i32
      %dma_start3A_2139 = tpu.memref_slice %arg4[%add3A_2119, %mul3A_2121, %dma_start3A_2138] : memref<4x2048x16xf32, #tpu.memory_space<hbm>> -> memref<1x128x16xf32, #tpu.memory_space<hbm>>
      %dma_start3A_2140 = tpu.memref_squeeze %dma_start3A_2139 : memref<1x128x16xf32, #tpu.memory_space<hbm>> -> memref<128x16xf32, #tpu.memory_space<hbm>>
      %dma_start3A_2141 = arith.constant 0 : i32
      %dma_start3A_2142 = arith.constant 0 : i32
      %dma_start3A_2143 = tpu.memref_slice %arg9[%run_scoped3A_2122, %dma_start3A_2141, %dma_start3A_2142] : memref<2x128x16xf32, #tpu.memory_space<vmem>> -> memref<1x128x16xf32, #tpu.memory_space<vmem>>
      %dma_start3A_2144 = tpu.memref_squeeze %dma_start3A_2143 : memref<1x128x16xf32, #tpu.memory_space<vmem>> -> memref<128x16xf32, #tpu.memory_space<vmem>>
      tpu.enqueue_dma source(%dma_start3A_2144 : memref<128x16xf32, #tpu.memory_space<vmem>>) target(%dma_start3A_2140 : memref<128x16xf32, #tpu.memory_space<hbm>>) target_semaphore(%run_scoped3A_2130 : memref<!tpu.dma_semaphore, #tpu.memory_space<semaphore_mem>>)
      %dma_wait3A_2145 = arith.constant 0 : i32
      %dma_wait3A_2146 = arith.constant 0 : i32
      %dma_wait3A_2147 = tpu.memref_slice %arg9[%run_scoped3A_2122, %dma_wait3A_2145, %dma_wait3A_2146] : memref<2x128x16xf32, #tpu.memory_space<vmem>> -> memref<1x128x16xf32, #tpu.memory_space<vmem>>
      %dma_wait3A_2148 = tpu.memref_squeeze %dma_wait3A_2147 : memref<1x128x16xf32, #tpu.memory_space<vmem>> -> memref<128x16xf32, #tpu.memory_space<vmem>>
      %dma_wait3A_2149 = arith.constant 0 : i32
      %dma_wait3A_2150 = tpu.memref_slice %arg4[%add3A_2119, %mul3A_2121, %dma_wait3A_2149] : memref<4x2048x16xf32, #tpu.memory_space<hbm>> -> memref<1x128x16xf32, #tpu.memory_space<hbm>>
      %dma_wait3A_2151 = tpu.memref_squeeze %dma_wait3A_2150 : memref<1x128x16xf32, #tpu.memory_space<hbm>> -> memref<128x16xf32, #tpu.memory_space<hbm>>
      %dma_wait3A_2152 = arith.constant 0 : i32
      %dma_wait3A_2153 = tpu.memref_slice %arg4[%add3A_2119, %mul3A_2121, %dma_wait3A_2152] : memref<4x2048x16xf32, #tpu.memory_space<hbm>> -> memref<1x128x16xf32, #tpu.memory_space<hbm>>
      %dma_wait3A_2154 = tpu.memref_squeeze %dma_wait3A_2153 : memref<1x128x16xf32, #tpu.memory_space<hbm>> -> memref<128x16xf32, #tpu.memory_space<hbm>>
      %dma_wait3A_2155 = arith.constant 0 : i32
      %dma_wait3A_2156 = arith.constant 0 : i32
      %dma_wait3A_2157 = tpu.memref_slice %arg9[%run_scoped3A_2122, %dma_wait3A_2155, %dma_wait3A_2156] : memref<2x128x16xf32, #tpu.memory_space<vmem>> -> memref<1x128x16xf32, #tpu.memory_space<vmem>>
      %dma_wait3A_2158 = tpu.memref_squeeze %dma_wait3A_2157 : memref<1x128x16xf32, #tpu.memory_space<vmem>> -> memref<128x16xf32, #tpu.memory_space<vmem>>
      tpu.wait_dma2 semaphore(%run_scoped3A_2130 : memref<!tpu.dma_semaphore, #tpu.memory_space<semaphore_mem>>) src(%dma_wait3A_2158 : memref<128x16xf32, #tpu.memory_space<vmem>>) dst(%dma_wait3A_2154 : memref<128x16xf32, #tpu.memory_space<hbm>>)
      tpu.yield
    }) : () -> ()
    %mul3A_2123 = arith.constant 2 : i32
    %mul3A_2124 = arith.muli %arg0, %mul3A_2123 : i32
    %add3A_2125 = arith.constant 1 : i32
    %add3A_2126 = arith.addi %mul3A_2124, %add3A_2125 : i32
    %mul3A_2127 = arith.constant 128 : i32
    %mul3A_2128 = arith.muli %arg1, %mul3A_2127 : i32
    %run_scoped3A_2129 = arith.constant 1 : i32
    "tpu.region"() ({
      %run_scoped3A_2130 = tpu.sem_alloc : memref<!tpu.dma_semaphore, #tpu.memory_space<semaphore_mem>>
      %dma_start3A_2131 = arith.constant 0 : i32
      %dma_start3A_2132 = arith.constant 0 : i32
      %dma_start3A_2133 = tpu.memref_slice %arg9[%run_scoped3A_2129, %dma_start3A_2131, %dma_start3A_2132] : memref<2x128x16xf32, #tpu.memory_space<vmem>> -> memref<1x128x16xf32, #tpu.memory_space<vmem>>
      %dma_start3A_2134 = tpu.memref_squeeze %dma_start3A_2133 : memref<1x128x16xf32, #tpu.memory_space<vmem>> -> memref<128x16xf32, #tpu.memory_space<vmem>>
      %dma_start3A_2135 = arith.constant 0 : i32
      %dma_start3A_2136 = tpu.memref_slice %arg4[%add3A_2126, %mul3A_2128, %dma_start3A_2135] : memref<4x2048x16xf32, #tpu.memory_space<hbm>> -> memref<1x128x16xf32, #tpu.memory_space<hbm>>
      %dma_start3A_2137 = tpu.memref_squeeze %dma_start3A_2136 : memref<1x128x16xf32, #tpu.memory_space<hbm>> -> memref<128x16xf32, #tpu.memory_space<hbm>>
      %dma_start3A_2138 = arith.constant 0 : i32
      %dma_start3A_2139 = tpu.memref_slice %arg4[%add3A_2126, %mul3A_2128, %dma_start3A_2138] : memref<4x2048x16xf32, #tpu.memory_space<hbm>> -> memref<1x128x16xf32, #tpu.memory_space<hbm>>
      %dma_start3A_2140 = tpu.memref_squeeze %dma_start3A_2139 : memref<1x128x16xf32, #tpu.memory_space<hbm>> -> memref<128x16xf32, #tpu.memory_space<hbm>>
      %dma_start3A_2141 = arith.constant 0 : i32
      %dma_start3A_2142 = arith.constant 0 : i32
      %dma_start3A_2143 = tpu.memref_slice %arg9[%run_scoped3A_2129, %dma_start3A_2141, %dma_start3A_2142] : memref<2x128x16xf32, #tpu.memory_space<vmem>> -> memref<1x128x16xf32, #tpu.memory_space<vmem>>
      %dma_start3A_2144 = tpu.memref_squeeze %dma_start3A_2143 : memref<1x128x16xf32, #tpu.memory_space<vmem>> -> memref<128x16xf32, #tpu.memory_space<vmem>>
      tpu.enqueue_dma source(%dma_start3A_2144 : memref<128x16xf32, #tpu.memory_space<vmem>>) target(%dma_start3A_2140 : memref<128x16xf32, #tpu.memory_space<hbm>>) target_semaphore(%run_scoped3A_2130 : memref<!tpu.dma_semaphore, #tpu.memory_space<semaphore_mem>>)
      %dma_wait3A_2145 = arith.constant 0 : i32
      %dma_wait3A_2146 = arith.constant 0 : i32
      %dma_wait3A_2147 = tpu.memref_slice %arg9[%run_scoped3A_2129, %dma_wait3A_2145, %dma_wait3A_2146] : memref<2x128x16xf32, #tpu.memory_space<vmem>> -> memref<1x128x16xf32, #tpu.memory_space<vmem>>
      %dma_wait3A_2148 = tpu.memref_squeeze %dma_wait3A_2147 : memref<1x128x16xf32, #tpu.memory_space<vmem>> -> memref<128x16xf32, #tpu.memory_space<vmem>>
      %dma_wait3A_2149 = arith.constant 0 : i32
      %dma_wait3A_2150 = tpu.memref_slice %arg4[%add3A_2126, %mul3A_2128, %dma_wait3A_2149] : memref<4x2048x16xf32, #tpu.memory_space<hbm>> -> memref<1x128x16xf32, #tpu.memory_space<hbm>>
      %dma_wait3A_2151 = tpu.memref_squeeze %dma_wait3A_2150 : memref<1x128x16xf32, #tpu.memory_space<hbm>> -> memref<128x16xf32, #tpu.memory_space<hbm>>
      %dma_wait3A_2152 = arith.constant 0 : i32
      %dma_wait3A_2153 = tpu.memref_slice %arg4[%add3A_2126, %mul3A_2128, %dma_wait3A_2152] : memref<4x2048x16xf32, #tpu.memory_space<hbm>> -> memref<1x128x16xf32, #tpu.memory_space<hbm>>
      %dma_wait3A_2154 = tpu.memref_squeeze %dma_wait3A_2153 : memref<1x128x16xf32, #tpu.memory_space<hbm>> -> memref<128x16xf32, #tpu.memory_space<hbm>>
      %dma_wait3A_2155 = arith.constant 0 : i32
      %dma_wait3A_2156 = arith.constant 0 : i32
      %dma_wait3A_2157 = tpu.memref_slice %arg9[%run_scoped3A_2129, %dma_wait3A_2155, %dma_wait3A_2156] : memref<2x128x16xf32, #tpu.memory_space<vmem>> -> memref<1x128x16xf32, #tpu.memory_space<vmem>>
      %dma_wait3A_2158 = tpu.memref_squeeze %dma_wait3A_2157 : memref<1x128x16xf32, #tpu.memory_space<vmem>> -> memref<128x16xf32, #tpu.memory_space<vmem>>
      tpu.wait_dma2 semaphore(%run_scoped3A_2130 : memref<!tpu.dma_semaphore, #tpu.memory_space<semaphore_mem>>) src(%dma_wait3A_2158 : memref<128x16xf32, #tpu.memory_space<vmem>>) dst(%dma_wait3A_2154 : memref<128x16xf32, #tpu.memory_space<hbm>>)
      tpu.yield
    }) : () -> ()
    return
  }
}

module attributes {stable_mosaic.version = 14 : i64} {
  func.func @_select_body(%arg0: i32, %arg1: memref<1x160x128xf32, #tpu.memory_space<vmem>>, %arg2: memref<1x160x128xi32, #tpu.memory_space<vmem>>) attributes {dimension_semantics = [#tpu.dimension_semantics<parallel>], iteration_bounds = array<i64: 4>, scalar_prefetch = 0 : i64, scratch_operands = 0 : i64, tpu.core_type = #tpu.core_type<tc>, window_params = [{transform_indices = @transform_0, window_bounds = array<i64: 1, 160, 128>}, {transform_indices = @transform_1, window_bounds = array<i64: 1, 160, 128>}]} {
    %get3A = arith.constant 0 : index
    %get3A_0 = arith.constant 0 : index
    %get3A_1 = arith.constant 0 : index
    %get3A_2 = vector.load %arg1[%get3A, %get3A_0, %get3A_1] : memref<1x160x128xf32, #tpu.memory_space<vmem>>, vector<1x160x128xf32>
    %get3A_3 = vector.shape_cast %get3A_2 : vector<1x160x128xf32> to vector<160x128xf32>
    %bitcast_convert_type3A = tpu.bitcast %get3A_3 : vector<160x128xf32> -> vector<160x128xi32>
    %shift_right_arithmetic3A = arith.constant 31 : i32
    %shift_right_arithmetic3A_4 = vector.broadcast %shift_right_arithmetic3A : i32 to vector<160x128xi32>
    %shift_right_arithmetic3A_5 = arith.shrsi %bitcast_convert_type3A, %shift_right_arithmetic3A_4 : vector<160x128xi32>
    %and3A = arith.constant 2147483647 : i32
    %and3A_6 = vector.broadcast %and3A : i32 to vector<160x128xi32>
    %and3A_7 = arith.andi %shift_right_arithmetic3A_5, %and3A_6 : vector<160x128xi32>
    %xor3A = arith.xori %bitcast_convert_type3A, %and3A_7 : vector<160x128xi32>
    %scan3A = arith.constant -2147483648 : i32
    %scan3A_8 = arith.constant 0 : i32
    %scan3A_9 = arith.constant 32 : i32
    %scan3A_10 = arith.addi %scan3A_8, %scan3A_9 : i32
    %scan3A_11 = arith.constant 1 : i32
    %scan3A_12 = scf.for %scan3A_73 = %scan3A_8 to %scan3A_10 step %scan3A_11 iter_args(%scan3A_74 = %scan3A) -> (i32)  : i32 {
      %sub3A_75 = arith.constant 31 : i32
      %sub3A_76 = arith.subi %sub3A_75, %scan3A_73 : i32
      %shift_left3A = arith.constant 1 : i32
      %shift_left3A_77 = arith.shli %shift_left3A, %sub3A_76 : i32
      %add3A_78 = arith.addi %scan3A_74, %shift_left3A_77 : i32
      %ge3A = vector.broadcast %add3A_78 : i32 to vector<160x128xi32>
      %ge3A_79 = arith.cmpi sge, %xor3A, %ge3A : vector<160x128xi32>
      %convert_element_type3A_80 = arith.extui %ge3A_79 : vector<160x128xi1> to vector<160x128xi32>
      %reduce_sum3A_81 = vector.shape_cast %convert_element_type3A_80 : vector<160x128xi32> to vector<1x160x128xi32>
      %reduce_sum3A_82 = arith.constant dense<0> : vector<1xi32>
      %reduce_sum3A_83 = vector.multi_reduction <add>, %reduce_sum3A_81, %reduce_sum3A_82 [1, 2] : vector<1x160x128xi32> to vector<1xi32>
      %reduce_sum3A_84 = vector.shape_cast %reduce_sum3A_83 : vector<1xi32> to vector<1x1x1xi32>
      %reduce_sum3A_85 = vector.extract %reduce_sum3A_84[0, 0, 0] : i32 from vector<1x1x1xi32>
      %ge3A_86 = arith.constant 2048 : i32
      %ge3A_87 = arith.cmpi sge, %reduce_sum3A_85, %ge3A_86 : i32
      %select_n3A_88 = arith.select %ge3A_87, %add3A_78, %scan3A_74 : i32
      scf.yield %select_n3A_88 : i32
    }
    %scan3A_13 = arith.constant 32 : i32
    %gt3A = vector.broadcast %scan3A_12 : i32 to vector<160x128xi32>
    %gt3A_14 = arith.cmpi sgt, %xor3A, %gt3A : vector<160x128xi32>
    %eq3A = vector.broadcast %scan3A_12 : i32 to vector<160x128xi32>
    %eq3A_15 = arith.cmpi eq, %xor3A, %eq3A : vector<160x128xi32>
    %convert_element_type3A = arith.extui %gt3A_14 : vector<160x128xi1> to vector<160x128xi32>
    %reduce_sum3A = vector.shape_cast %convert_element_type3A : vector<160x128xi32> to vector<1x160x128xi32>
    %reduce_sum3A_16 = arith.constant dense<0> : vector<1xi32>
    %reduce_sum3A_17 = vector.multi_reduction <add>, %reduce_sum3A, %reduce_sum3A_16 [1, 2] : vector<1x160x128xi32> to vector<1xi32>
    %reduce_sum3A_18 = vector.shape_cast %reduce_sum3A_17 : vector<1xi32> to vector<1x1x1xi32>
    %reduce_sum3A_19 = vector.extract %reduce_sum3A_18[0, 0, 0] : i32 from vector<1x1x1xi32>
    %sub3A = arith.constant 2048 : i32
    %sub3A_20 = arith.subi %sub3A, %reduce_sum3A_19 : i32
    %convert_element_type3A_21 = arith.sitofp %sub3A_20 : i32 to f32
    %iota3A = tpu.iota {dimensions = array<i32: 0>} : vector<128x128xi32>
    %iota3A_22 = tpu.iota {dimensions = array<i32: 1>} : vector<128x128xi32>
    %lt3A = arith.cmpi slt, %iota3A, %iota3A_22 : vector<128x128xi32>
    %jit3A = arith.constant 1.000000e+00 : f32
    %jit3A_23 = arith.constant 0.000000e+00 : f32
    %broadcast_in_dim3A = vector.broadcast %jit3A : f32 to vector<128x128xf32>
    %broadcast_in_dim3A_24 = vector.broadcast %jit3A_23 : f32 to vector<128x128xf32>
    %select_n3A = arith.select %lt3A, %broadcast_in_dim3A, %broadcast_in_dim3A_24 : vector<128x128xi1>, vector<128x128xf32>
    %convert_element_type3A_25 = arith.truncf %select_n3A : vector<128x128xf32> to vector<128x128xbf16>
    %iota3A_26 = tpu.iota {dimensions = array<i32: 0>} : vector<160x160xi32>
    %iota3A_27 = tpu.iota {dimensions = array<i32: 1>} : vector<160x160xi32>
    %lt3A_28 = arith.cmpi slt, %iota3A_27, %iota3A_26 : vector<160x160xi32>
    %jit3A_29 = arith.constant 1.000000e+00 : f32
    %jit3A_30 = arith.constant 0.000000e+00 : f32
    %broadcast_in_dim3A_31 = vector.broadcast %jit3A_29 : f32 to vector<160x160xf32>
    %broadcast_in_dim3A_32 = vector.broadcast %jit3A_30 : f32 to vector<160x160xf32>
    %select_n3A_33 = arith.select %lt3A_28, %broadcast_in_dim3A_31, %broadcast_in_dim3A_32 : vector<160x160xi1>, vector<160x160xf32>
    %convert_element_type3A_34 = arith.truncf %select_n3A_33 : vector<160x160xf32> to vector<160x160xbf16>
    %convert_element_type3A_35 = arith.extui %eq3A_15 : vector<160x128xi1> to vector<160x128xi32>
    %convert_element_type3A_36 = arith.sitofp %convert_element_type3A_35 : vector<160x128xi32> to vector<160x128xf32>
    %convert_element_type3A_37 = arith.truncf %convert_element_type3A_36 : vector<160x128xf32> to vector<160x128xbf16>
    %dot_general3A = arith.constant dense<0.000000e+00> : vector<160x128xf32>
    %dot_general3A_38 = tpu.matmul %convert_element_type3A_37, %convert_element_type3A_25, %dot_general3A {dimension_numbers = #tpu.dot_dimension_numbers<[1], [0], [0], [1], [0, 0, 1, 1], [], []>, transpose_lhs_hint = false} : vector<160x128xbf16>, vector<128x128xbf16>, vector<160x128xf32> -> vector<160x128xf32>
    %convert_element_type3A_39 = arith.extf %convert_element_type3A_37 : vector<160x128xbf16> to vector<160x128xf32>
    %reduce_sum3A_40 = arith.constant dense<0.000000e+00> : vector<160xf32>
    %reduce_sum3A_41 = vector.multi_reduction <add>, %convert_element_type3A_39, %reduce_sum3A_40 [1] : vector<160x128xf32> to vector<160xf32>
    %broadcast_in_dim3A_42 = vector.shape_cast %reduce_sum3A_41 : vector<160xf32> to vector<160x1xf32>
    %convert_element_type3A_43 = arith.truncf %broadcast_in_dim3A_42 : vector<160x1xf32> to vector<160x1xbf16>
    %dot_general3A_44 = arith.constant dense<0.000000e+00> : vector<160x1xf32>
    %dot_general3A_45 = tpu.matmul %convert_element_type3A_34, %convert_element_type3A_43, %dot_general3A_44 {dimension_numbers = #tpu.dot_dimension_numbers<[1], [0], [0], [1], [0, 0, 1, 1], [], []>, transpose_lhs_hint = false} : vector<160x160xbf16>, vector<160x1xbf16>, vector<160x1xf32> -> vector<160x1xf32>
    %add3A = vector.broadcast %dot_general3A_45 : vector<160x1xf32> to vector<160x128xf32>
    %add3A_46 = arith.addf %dot_general3A_38, %add3A : vector<160x128xf32>
    %lt3A_47 = vector.broadcast %convert_element_type3A_21 : f32 to vector<160x128xf32>
    %lt3A_48 = arith.cmpf olt, %add3A_46, %lt3A_47 : vector<160x128xf32>
    %and3A_49 = arith.andi %eq3A_15, %lt3A_48 : vector<160x128xi1>
    %or3A = arith.ori %gt3A_14, %and3A_49 : vector<160x128xi1>
    %convert_element_type3A_50 = arith.extui %or3A : vector<160x128xi1> to vector<160x128xi32>
    %convert_element_type3A_51 = arith.sitofp %convert_element_type3A_50 : vector<160x128xi32> to vector<160x128xf32>
    %convert_element_type3A_52 = arith.truncf %convert_element_type3A_51 : vector<160x128xf32> to vector<160x128xbf16>
    %dot_general3A_53 = arith.constant dense<0.000000e+00> : vector<160x128xf32>
    %dot_general3A_54 = tpu.matmul %convert_element_type3A_52, %convert_element_type3A_25, %dot_general3A_53 {dimension_numbers = #tpu.dot_dimension_numbers<[1], [0], [0], [1], [0, 0, 1, 1], [], []>, transpose_lhs_hint = false} : vector<160x128xbf16>, vector<128x128xbf16>, vector<160x128xf32> -> vector<160x128xf32>
    %convert_element_type3A_55 = arith.extf %convert_element_type3A_52 : vector<160x128xbf16> to vector<160x128xf32>
    %reduce_sum3A_56 = arith.constant dense<0.000000e+00> : vector<160xf32>
    %reduce_sum3A_57 = vector.multi_reduction <add>, %convert_element_type3A_55, %reduce_sum3A_56 [1] : vector<160x128xf32> to vector<160xf32>
    %broadcast_in_dim3A_58 = vector.shape_cast %reduce_sum3A_57 : vector<160xf32> to vector<160x1xf32>
    %convert_element_type3A_59 = arith.truncf %broadcast_in_dim3A_58 : vector<160x1xf32> to vector<160x1xbf16>
    %dot_general3A_60 = arith.constant dense<0.000000e+00> : vector<160x1xf32>
    %dot_general3A_61 = tpu.matmul %convert_element_type3A_34, %convert_element_type3A_59, %dot_general3A_60 {dimension_numbers = #tpu.dot_dimension_numbers<[1], [0], [0], [1], [0, 0, 1, 1], [], []>, transpose_lhs_hint = false} : vector<160x160xbf16>, vector<160x1xbf16>, vector<160x1xf32> -> vector<160x1xf32>
    %add3A_62 = vector.broadcast %dot_general3A_61 : vector<160x1xf32> to vector<160x128xf32>
    %add3A_63 = arith.addf %dot_general3A_54, %add3A_62 : vector<160x128xf32>
    %jit3A_64 = arith.constant 2.048000e+03 : f32
    %broadcast_in_dim3A_65 = vector.broadcast %jit3A_64 : f32 to vector<160x128xf32>
    %select_n3A_66 = arith.select %or3A, %add3A_63, %broadcast_in_dim3A_65 : vector<160x128xi1>, vector<160x128xf32>
    %convert_element_type3A_67 = arith.fptosi %select_n3A_66 : vector<160x128xf32> to vector<160x128xi32>
    %swap3A = arith.constant 0 : index
    %swap3A_68 = arith.constant 0 : index
    %swap3A_69 = arith.constant 0 : index
    %swap3A_70 = vector.load %arg2[%swap3A, %swap3A_68, %swap3A_69] : memref<1x160x128xi32, #tpu.memory_space<vmem>>, vector<1x160x128xi32>
    %swap3A_71 = vector.shape_cast %swap3A_70 : vector<1x160x128xi32> to vector<160x128xi32>
    %swap3A_72 = vector.shape_cast %convert_element_type3A_67 : vector<160x128xi32> to vector<1x160x128xi32>
    tpu.vector_store %arg2[%swap3A, %swap3A_68, %swap3A_69], %swap3A_72 {strides = array<i32>} : memref<1x160x128xi32, #tpu.memory_space<vmem>>, vector<1x160x128xi32>,
    return
  }
  func.func @transform_0(%arg0: i32) -> (i32, i32, i32) {
    %c0_i32 = arith.constant 0 : i32
    %c0_i32_0 = arith.constant 0 : i32
    %c0_i32_1 = arith.constant 0 : i32
    return %arg0, %c0_i32, %c0_i32_0 : i32, i32, i32
  }
  func.func @transform_1(%arg0: i32) -> (i32, i32, i32) {
    %c0_i32 = arith.constant 0 : i32
    %c0_i32_0 = arith.constant 0 : i32
    %c0_i32_1 = arith.constant 0 : i32
    return %arg0, %c0_i32, %c0_i32_0 : i32, i32, i32
  }
}

module attributes {stable_mosaic.version = 14 : i64} {
  func.func @_nms_body(%arg0: i32, %arg1: memref<1x2048x16xf32, #tpu.memory_space<vmem>>, %arg2: memref<1x16x2048xf32, #tpu.memory_space<vmem>>, %arg3: memref<1x512x16xf32, #tpu.memory_space<vmem>>, %arg4: memref<2048x2048xbf16, #tpu.memory_space<vmem>>, %arg5: memref<2048x2048xbf16, #tpu.memory_space<vmem>>) attributes {dimension_semantics = [#tpu.dimension_semantics<parallel>], iteration_bounds = array<i64: 4>, scalar_prefetch = 0 : i64, scratch_operands = 2 : i64, tpu.core_type = #tpu.core_type<tc>, window_params = [{transform_indices = @transform_0, window_bounds = array<i64: 1, 2048, 16>}, {transform_indices = @transform_1, window_bounds = array<i64: 1, 16, 2048>}, {transform_indices = @transform_2, window_bounds = array<i64: 1, 512, 16>}]} {
    %get3A = arith.constant 0 : index
    %get3A_0 = arith.constant 0 : index
    %get3A_1 = arith.constant 0 : index
    %get3A_2 = vector.load %arg2[%get3A, %get3A_0, %get3A_1] : memref<1x16x2048xf32, #tpu.memory_space<vmem>>, vector<1x1x2048xf32>
    %get3A_3 = vector.shape_cast %get3A_2 : vector<1x1x2048xf32> to vector<1x2048xf32>
    %get3A_4 = arith.constant 0 : index
    %get3A_5 = arith.constant 1 : index
    %get3A_6 = arith.constant 0 : index
    %get3A_7 = vector.load %arg2[%get3A_4, %get3A_5, %get3A_6] : memref<1x16x2048xf32, #tpu.memory_space<vmem>>, vector<1x1x2048xf32>
    %get3A_8 = vector.shape_cast %get3A_7 : vector<1x1x2048xf32> to vector<1x2048xf32>
    %get3A_9 = arith.constant 0 : index
    %get3A_10 = arith.constant 3 : index
    %get3A_11 = arith.constant 0 : index
    %get3A_12 = vector.load %arg2[%get3A_9, %get3A_10, %get3A_11] : memref<1x16x2048xf32, #tpu.memory_space<vmem>>, vector<1x1x2048xf32>
    %get3A_13 = vector.shape_cast %get3A_12 : vector<1x1x2048xf32> to vector<1x2048xf32>
    %get3A_14 = arith.constant 0 : index
    %get3A_15 = arith.constant 4 : index
    %get3A_16 = arith.constant 0 : index
    %get3A_17 = vector.load %arg2[%get3A_14, %get3A_15, %get3A_16] : memref<1x16x2048xf32, #tpu.memory_space<vmem>>, vector<1x1x2048xf32>
    %get3A_18 = vector.shape_cast %get3A_17 : vector<1x1x2048xf32> to vector<1x2048xf32>
    %get3A_19 = arith.constant 0 : index
    %get3A_20 = arith.constant 7 : index
    %get3A_21 = arith.constant 0 : index
    %get3A_22 = vector.load %arg2[%get3A_19, %get3A_20, %get3A_21] : memref<1x16x2048xf32, #tpu.memory_space<vmem>>, vector<1x1x2048xf32>
    %get3A_23 = vector.shape_cast %get3A_22 : vector<1x1x2048xf32> to vector<1x2048xf32>
    %get3A_24 = arith.constant 0 : index
    %get3A_25 = arith.constant 9 : index
    %get3A_26 = arith.constant 0 : index
    %get3A_27 = vector.load %arg2[%get3A_24, %get3A_25, %get3A_26] : memref<1x16x2048xf32, #tpu.memory_space<vmem>>, vector<1x1x2048xf32>
    %get3A_28 = vector.shape_cast %get3A_27 : vector<1x1x2048xf32> to vector<1x2048xf32>
    %mul3A = arith.constant 5.000000e-01 : f32
    %mul3A_29 = vector.broadcast %mul3A : f32 to vector<1x2048xf32>
    %mul3A_30 = arith.mulf %get3A_13, %mul3A_29 : vector<1x2048xf32>
    %sub3A = arith.subf %get3A_3, %mul3A_30 : vector<1x2048xf32>
    %mul3A_31 = arith.constant 5.000000e-01 : f32
    %mul3A_32 = vector.broadcast %mul3A_31 : f32 to vector<1x2048xf32>
    %mul3A_33 = arith.mulf %get3A_13, %mul3A_32 : vector<1x2048xf32>
    %add3A = arith.addf %get3A_3, %mul3A_33 : vector<1x2048xf32>
    %mul3A_34 = arith.constant 5.000000e-01 : f32
    %mul3A_35 = vector.broadcast %mul3A_34 : f32 to vector<1x2048xf32>
    %mul3A_36 = arith.mulf %get3A_18, %mul3A_35 : vector<1x2048xf32>
    %sub3A_37 = arith.subf %get3A_8, %mul3A_36 : vector<1x2048xf32>
    %mul3A_38 = arith.constant 5.000000e-01 : f32
    %mul3A_39 = vector.broadcast %mul3A_38 : f32 to vector<1x2048xf32>
    %mul3A_40 = arith.mulf %get3A_18, %mul3A_39 : vector<1x2048xf32>
    %add3A_41 = arith.addf %get3A_8, %mul3A_40 : vector<1x2048xf32>
    %mul3A_42 = arith.mulf %get3A_13, %get3A_18 : vector<1x2048xf32>
    %scan3A = arith.constant 0 : i32
    %scan3A_43 = arith.constant 8 : i32
    %scan3A_44 = arith.addi %scan3A, %scan3A_43 : i32
    %scan3A_45 = arith.constant 1 : i32
    scf.for %scan3A_73 = %scan3A to %scan3A_44 step %scan3A_45  : i32 {
      %mul3A_74 = arith.constant 256 : i32
      %mul3A_75 = arith.muli %scan3A_73, %mul3A_74 : i32
      %get3A_76 = arith.constant 0 : index
      %get3A_77 = arith.index_cast %mul3A_75 : i32 to index
      %get3A_78 = arith.constant 0 : index
      %get3A_79 = vector.load %arg1[%get3A_76, %get3A_77, %get3A_78] : memref<1x2048x16xf32, #tpu.memory_space<vmem>>, vector<1x256x16xf32>
      %get3A_80 = vector.shape_cast %get3A_79 : vector<1x256x16xf32> to vector<256x16xf32>
      %slice3A = vector.extract_strided_slice %get3A_80 {offsets = [0, 0], sizes = [256, 1], strides = [1, 1]} : vector<256x16xf32> to vector<256x1xf32>
      %slice3A_81 = vector.extract_strided_slice %get3A_80 {offsets = [0, 1], sizes = [256, 1], strides = [1, 1]} : vector<256x16xf32> to vector<256x1xf32>
      %slice3A_82 = vector.extract_strided_slice %get3A_80 {offsets = [0, 3], sizes = [256, 1], strides = [1, 1]} : vector<256x16xf32> to vector<256x1xf32>
      %slice3A_83 = vector.extract_strided_slice %get3A_80 {offsets = [0, 4], sizes = [256, 1], strides = [1, 1]} : vector<256x16xf32> to vector<256x1xf32>
      %slice3A_84 = vector.extract_strided_slice %get3A_80 {offsets = [0, 7], sizes = [256, 1], strides = [1, 1]} : vector<256x16xf32> to vector<256x1xf32>
      %slice3A_85 = vector.extract_strided_slice %get3A_80 {offsets = [0, 9], sizes = [256, 1], strides = [1, 1]} : vector<256x16xf32> to vector<256x1xf32>
      %mul3A_86 = arith.constant 5.000000e-01 : f32
      %mul3A_87 = vector.broadcast %mul3A_86 : f32 to vector<256x1xf32>
      %mul3A_88 = arith.mulf %slice3A_82, %mul3A_87 : vector<256x1xf32>
      %sub3A_89 = arith.subf %slice3A, %mul3A_88 : vector<256x1xf32>
      %mul3A_90 = arith.constant 5.000000e-01 : f32
      %mul3A_91 = vector.broadcast %mul3A_90 : f32 to vector<256x1xf32>
      %mul3A_92 = arith.mulf %slice3A_82, %mul3A_91 : vector<256x1xf32>
      %add3A_93 = arith.addf %slice3A, %mul3A_92 : vector<256x1xf32>
      %mul3A_94 = arith.constant 5.000000e-01 : f32
      %mul3A_95 = vector.broadcast %mul3A_94 : f32 to vector<256x1xf32>
      %mul3A_96 = arith.mulf %slice3A_83, %mul3A_95 : vector<256x1xf32>
      %sub3A_97 = arith.subf %slice3A_81, %mul3A_96 : vector<256x1xf32>
      %mul3A_98 = arith.constant 5.000000e-01 : f32
      %mul3A_99 = vector.broadcast %mul3A_98 : f32 to vector<256x1xf32>
      %mul3A_100 = arith.mulf %slice3A_83, %mul3A_99 : vector<256x1xf32>
      %add3A_101 = arith.addf %slice3A_81, %mul3A_100 : vector<256x1xf32>
      %mul3A_102 = arith.mulf %slice3A_82, %slice3A_83 : vector<256x1xf32>
      %min3A = vector.broadcast %add3A_93 : vector<256x1xf32> to vector<256x2048xf32>
      %min3A_103 = vector.broadcast %add3A : vector<1x2048xf32> to vector<256x2048xf32>
      %min3A_104 = arith.minimumf %min3A, %min3A_103 : vector<256x2048xf32>
      %max3A = vector.broadcast %sub3A_89 : vector<256x1xf32> to vector<256x2048xf32>
      %max3A_105 = vector.broadcast %sub3A : vector<1x2048xf32> to vector<256x2048xf32>
      %max3A_106 = arith.maximumf %max3A, %max3A_105 : vector<256x2048xf32>
      %sub3A_107 = arith.subf %min3A_104, %max3A_106 : vector<256x2048xf32>
      %jit3A_108 = arith.constant 0.000000e+00 : f32
      %max3A_109 = vector.broadcast %jit3A_108 : f32 to vector<256x2048xf32>
      %max3A_110 = arith.maximumf %max3A_109, %sub3A_107 : vector<256x2048xf32>
      %min3A_111 = vector.broadcast %add3A_101 : vector<256x1xf32> to vector<256x2048xf32>
      %min3A_112 = vector.broadcast %add3A_41 : vector<1x2048xf32> to vector<256x2048xf32>
      %min3A_113 = arith.minimumf %min3A_111, %min3A_112 : vector<256x2048xf32>
      %max3A_114 = vector.broadcast %sub3A_97 : vector<256x1xf32> to vector<256x2048xf32>
      %max3A_115 = vector.broadcast %sub3A_37 : vector<1x2048xf32> to vector<256x2048xf32>
      %max3A_116 = arith.maximumf %max3A_114, %max3A_115 : vector<256x2048xf32>
      %sub3A_117 = arith.subf %min3A_113, %max3A_116 : vector<256x2048xf32>
      %jit3A_118 = arith.constant 0.000000e+00 : f32
      %max3A_119 = vector.broadcast %jit3A_118 : f32 to vector<256x2048xf32>
      %max3A_120 = arith.maximumf %max3A_119, %sub3A_117 : vector<256x2048xf32>
      %mul3A_121 = arith.mulf %max3A_110, %max3A_120 : vector<256x2048xf32>
      %add3A_122 = vector.broadcast %mul3A_102 : vector<256x1xf32> to vector<256x2048xf32>
      %add3A_123 = vector.broadcast %mul3A_42 : vector<1x2048xf32> to vector<256x2048xf32>
      %add3A_124 = arith.addf %add3A_122, %add3A_123 : vector<256x2048xf32>
      %sub3A_125 = arith.subf %add3A_124, %mul3A_121 : vector<256x2048xf32>
      %max3A_126 = arith.constant 9.99999997E-7 : f32
      %max3A_127 = vector.broadcast %max3A_126 : f32 to vector<256x2048xf32>
      %max3A_128 = arith.maximumf %sub3A_125, %max3A_127 : vector<256x2048xf32>
      %div3A = arith.divf %mul3A_121, %max3A_128 : vector<256x2048xf32>
      %gt3A_129 = vector.broadcast %slice3A_84 : vector<256x1xf32> to vector<256x2048xf32>
      %gt3A_130 = vector.broadcast %get3A_23 : vector<1x2048xf32> to vector<256x2048xf32>
      %gt3A_131 = arith.cmpf ogt, %gt3A_129, %gt3A_130 : vector<256x2048xf32>
      %eq3A_132 = vector.broadcast %slice3A_84 : vector<256x1xf32> to vector<256x2048xf32>
      %eq3A_133 = vector.broadcast %get3A_23 : vector<1x2048xf32> to vector<256x2048xf32>
      %eq3A_134 = arith.cmpf oeq, %eq3A_132, %eq3A_133 : vector<256x2048xf32>
      %lt3A = vector.broadcast %slice3A_85 : vector<256x1xf32> to vector<256x2048xf32>
      %lt3A_135 = vector.broadcast %get3A_28 : vector<1x2048xf32> to vector<256x2048xf32>
      %lt3A_136 = arith.cmpf olt, %lt3A, %lt3A_135 : vector<256x2048xf32>
      %and3A_137 = arith.andi %eq3A_134, %lt3A_136 : vector<256x2048xi1>
      %or3A = arith.ori %gt3A_131, %and3A_137 : vector<256x2048xi1>
      %gt3A_138 = arith.constant 0.699999988 : f32
      %gt3A_139 = vector.broadcast %gt3A_138 : f32 to vector<256x2048xf32>
      %gt3A_140 = arith.cmpf ogt, %div3A, %gt3A_139 : vector<256x2048xf32>
      %and3A_141 = arith.andi %gt3A_140, %or3A : vector<256x2048xi1>
      %jit3A_142 = arith.constant 1.000000e+00 : f32
      %jit3A_143 = arith.constant 0.000000e+00 : f32
      %broadcast_in_dim3A_144 = vector.broadcast %jit3A_142 : f32 to vector<256x2048xf32>
      %broadcast_in_dim3A_145 = vector.broadcast %jit3A_143 : f32 to vector<256x2048xf32>
      %select_n3A_146 = arith.select %and3A_141, %broadcast_in_dim3A_144, %broadcast_in_dim3A_145 : vector<256x2048xi1>, vector<256x2048xf32>
      %convert_element_type3A_147 = arith.truncf %select_n3A_146 : vector<256x2048xf32> to vector<256x2048xbf16>
      %mul3A_148 = arith.constant 256 : i32
      %mul3A_149 = arith.muli %scan3A_73, %mul3A_148 : i32
      %swap3A_150 = arith.index_cast %mul3A_149 : i32 to index
      %swap3A_151 = arith.constant 0 : index
      %swap3A_152 = vector.load %arg4[%swap3A_150, %swap3A_151] : memref<2048x2048xbf16, #tpu.memory_space<vmem>>, vector<256x2048xbf16>
      tpu.vector_store %arg4[%swap3A_150, %swap3A_151], %convert_element_type3A_147 {strides = array<i32>} : memref<2048x2048xbf16, #tpu.memory_space<vmem>>, vector<256x2048xbf16>,
      %jit3A_153 = arith.constant 1.000000e+00 : f32
      %jit3A_154 = arith.constant 0.000000e+00 : f32
      %broadcast_in_dim3A_155 = vector.broadcast %jit3A_153 : f32 to vector<256x2048xf32>
      %broadcast_in_dim3A_156 = vector.broadcast %jit3A_154 : f32 to vector<256x2048xf32>
      %select_n3A_157 = arith.select %or3A, %broadcast_in_dim3A_155, %broadcast_in_dim3A_156 : vector<256x2048xi1>, vector<256x2048xf32>
      %convert_element_type3A_158 = arith.truncf %select_n3A_157 : vector<256x2048xf32> to vector<256x2048xbf16>
      %mul3A_159 = arith.constant 256 : i32
      %mul3A_160 = arith.muli %scan3A_73, %mul3A_159 : i32
      %swap3A_161 = arith.index_cast %mul3A_160 : i32 to index
      %swap3A_162 = arith.constant 0 : index
      %swap3A_163 = vector.load %arg5[%swap3A_161, %swap3A_162] : memref<2048x2048xbf16, #tpu.memory_space<vmem>>, vector<256x2048xbf16>
      tpu.vector_store %arg5[%swap3A_161, %swap3A_162], %convert_element_type3A_158 {strides = array<i32>} : memref<2048x2048xbf16, #tpu.memory_space<vmem>>, vector<256x2048xbf16>,
    }
    %scan3A_46 = arith.constant 8 : i32
    %broadcast_in_dim3A = arith.constant 1.000000e+00 : bf16
    %broadcast_in_dim3A_47 = vector.broadcast %broadcast_in_dim3A : bf16 to vector<1x2048xbf16>
    %while3A = arith.constant true
    %while3A_48:2 = scf.while (%while3A_73 = %broadcast_in_dim3A_47, %while3A_74 = %while3A) : (vector<1x2048xbf16>, i1) -> (vector<1x2048xbf16>, i1) {
      scf.condition(%while3A_74) %while3A_73, %while3A_74 : vector<1x2048xbf16>, i1
    } do {
    ^bb0(%while3A_73: vector<1x2048xbf16>, %while3A_74: i1):
      %get3A_75 = arith.constant 0 : index
      %get3A_76 = arith.constant 0 : index
      %get3A_77 = vector.load %arg4[%get3A_75, %get3A_76] : memref<2048x2048xbf16, #tpu.memory_space<vmem>>, vector<2048x2048xbf16>
      %dot_general3A_78 = arith.constant dense<0.000000e+00> : vector<1x2048xf32>
      %dot_general3A_79 = tpu.matmul %while3A_73, %get3A_77, %dot_general3A_78 {dimension_numbers = #tpu.dot_dimension_numbers<[1], [0], [0], [1], [0, 0, 1, 1], [], []>, transpose_lhs_hint = false} : vector<1x2048xbf16>, vector<2048x2048xbf16>, vector<1x2048xf32> -> vector<1x2048xf32>
      %eq3A_80 = arith.constant 0.000000e+00 : f32
      %eq3A_81 = vector.broadcast %eq3A_80 : f32 to vector<1x2048xf32>
      %eq3A_82 = arith.cmpf oeq, %dot_general3A_79, %eq3A_81 : vector<1x2048xf32>
      %convert_element_type3A_83 = arith.extui %eq3A_82 : vector<1x2048xi1> to vector<1x2048xi32>
      %convert_element_type3A_84 = arith.sitofp %convert_element_type3A_83 : vector<1x2048xi32> to vector<1x2048xf32>
      %convert_element_type3A_85 = arith.truncf %convert_element_type3A_84 : vector<1x2048xf32> to vector<1x2048xbf16>
      %convert_element_type3A_86 = arith.extf %convert_element_type3A_85 : vector<1x2048xbf16> to vector<1x2048xf32>
      %convert_element_type3A_87 = arith.extf %while3A_73 : vector<1x2048xbf16> to vector<1x2048xf32>
      %sub3A_88 = arith.subf %convert_element_type3A_86, %convert_element_type3A_87 : vector<1x2048xf32>
      %abs3A = math.absf %sub3A_88 : vector<1x2048xf32>
      %reduce_sum3A = vector.shape_cast %abs3A : vector<1x2048xf32> to vector<1x1x2048xf32>
      %reduce_sum3A_89 = arith.constant dense<0.000000e+00> : vector<1xf32>
      %reduce_sum3A_90 = vector.multi_reduction <add>, %reduce_sum3A, %reduce_sum3A_89 [1, 2] : vector<1x1x2048xf32> to vector<1xf32>
      %reduce_sum3A_91 = vector.shape_cast %reduce_sum3A_90 : vector<1xf32> to vector<1x1x1xf32>
      %reduce_sum3A_92 = vector.extract %reduce_sum3A_91[0, 0, 0] : f32 from vector<1x1x1xf32>
      %gt3A_93 = arith.constant 0.000000e+00 : f32
      %gt3A_94 = arith.cmpf ogt, %reduce_sum3A_92, %gt3A_93 : f32
      scf.yield %convert_element_type3A_85, %gt3A_94 : vector<1x2048xbf16>, i1
    }
    %get3A_49 = arith.constant 0 : index
    %get3A_50 = arith.constant 0 : index
    %get3A_51 = vector.load %arg5[%get3A_49, %get3A_50] : memref<2048x2048xbf16, #tpu.memory_space<vmem>>, vector<2048x2048xbf16>
    %dot_general3A = arith.constant dense<0.000000e+00> : vector<1x2048xf32>
    %dot_general3A_52 = tpu.matmul %while3A_48#0, %get3A_51, %dot_general3A {dimension_numbers = #tpu.dot_dimension_numbers<[1], [0], [0], [1], [0, 0, 1, 1], [], []>, transpose_lhs_hint = false} : vector<1x2048xbf16>, vector<2048x2048xbf16>, vector<1x2048xf32> -> vector<1x2048xf32>
    %convert_element_type3A = arith.extf %while3A_48#0 : vector<1x2048xbf16> to vector<1x2048xf32>
    %iota3A = tpu.iota {dimensions = array<i32: 0>} : vector<512x2048xi32>
    %convert_element_type3A_53 = arith.sitofp %iota3A : vector<512x2048xi32> to vector<512x2048xf32>
    %eq3A = vector.broadcast %dot_general3A_52 : vector<1x2048xf32> to vector<512x2048xf32>
    %eq3A_54 = arith.cmpf oeq, %eq3A, %convert_element_type3A_53 : vector<512x2048xf32>
    %gt3A = arith.constant 5.000000e-01 : f32
    %gt3A_55 = vector.broadcast %gt3A : f32 to vector<1x2048xf32>
    %gt3A_56 = arith.cmpf ogt, %convert_element_type3A, %gt3A_55 : vector<1x2048xf32>
    %and3A = vector.broadcast %gt3A_56 : vector<1x2048xi1> to vector<512x2048xi1>
    %and3A_57 = arith.andi %eq3A_54, %and3A : vector<512x2048xi1>
    %jit3A = arith.constant 1.000000e+00 : f32
    %jit3A_58 = arith.constant 0.000000e+00 : f32
    %broadcast_in_dim3A_59 = vector.broadcast %jit3A : f32 to vector<512x2048xf32>
    %broadcast_in_dim3A_60 = vector.broadcast %jit3A_58 : f32 to vector<512x2048xf32>
    %select_n3A = arith.select %and3A_57, %broadcast_in_dim3A_59, %broadcast_in_dim3A_60 : vector<512x2048xi1>, vector<512x2048xf32>
    %get3A_61 = arith.constant 0 : index
    %get3A_62 = arith.constant 0 : index
    %get3A_63 = arith.constant 0 : index
    %get3A_64 = vector.load %arg1[%get3A_61, %get3A_62, %get3A_63] : memref<1x2048x16xf32, #tpu.memory_space<vmem>>, vector<1x2048x16xf32>
    %get3A_65 = vector.shape_cast %get3A_64 : vector<1x2048x16xf32> to vector<2048x16xf32>
    %dot_general3A_66 = arith.constant dense<0.000000e+00> : vector<512x16xf32>
    %dot_general3A_67 = tpu.matmul %select_n3A, %get3A_65, %dot_general3A_66 {dimension_numbers = #tpu.dot_dimension_numbers<[1], [0], [0], [1], [0, 0, 1, 1], [], []>, precision = #tpu.contract_precision<fp32>, transpose_lhs_hint = false} : vector<512x2048xf32>, vector<2048x16xf32>, vector<512x16xf32> -> vector<512x16xf32>
    %swap3A = arith.constant 0 : index
    %swap3A_68 = arith.constant 0 : index
    %swap3A_69 = arith.constant 0 : index
    %swap3A_70 = vector.load %arg3[%swap3A, %swap3A_68, %swap3A_69] : memref<1x512x16xf32, #tpu.memory_space<vmem>>, vector<1x512x16xf32>
    %swap3A_71 = vector.shape_cast %swap3A_70 : vector<1x512x16xf32> to vector<512x16xf32>
    %swap3A_72 = vector.shape_cast %dot_general3A_67 : vector<512x16xf32> to vector<1x512x16xf32>
    tpu.vector_store %arg3[%swap3A, %swap3A_68, %swap3A_69], %swap3A_72 {strides = array<i32>} : memref<1x512x16xf32, #tpu.memory_space<vmem>>, vector<1x512x16xf32>,
    return
  }
  func.func @transform_0(%arg0: i32) -> (i32, i32, i32) {
    %c0_i32 = arith.constant 0 : i32
    %c0_i32_0 = arith.constant 0 : i32
    %c0_i32_1 = arith.constant 0 : i32
    return %arg0, %c0_i32, %c0_i32_0 : i32, i32, i32
  }
  func.func @transform_1(%arg0: i32) -> (i32, i32, i32) {
    %c0_i32 = arith.constant 0 : i32
    %c0_i32_0 = arith.constant 0 : i32
    %c0_i32_1 = arith.constant 0 : i32
    return %arg0, %c0_i32, %c0_i32_0 : i32, i32, i32
  }
  func.func @transform_2(%arg0: i32) -> (i32, i32, i32) {
    %c0_i32 = arith.constant 0 : i32
    %c0_i32_0 = arith.constant 0 : i32
    %c0_i32_1 = arith.constant 0 : i32
    return %arg0, %c0_i32, %c0_i32_0 : i32, i32, i32
  }
}

</mosaic_0001>

<sc_bundles>
// kernel: kernel.5.cloned.1.call-start
scs
__scs_entry_jumppad:
0x0: {  	(pc) =	sbr.rel $0x88, $3  }
0x1: {  	(tag) =	ssettag $0x0;
	lr =	simm.s32 $0x1  }
0x2: {  	[smem:$0x3F9F] =	sst lr;
	_ =	strace $0xD0000000  }
0x3: {  	_ = 	snop  }
0x4: {  	_ = 	snop  }
0x5: {  	_ = 	snop  }
0x6: {  	_ = 	snop  }
0x7: {  	_ = 	snop  }
__scs_overlays_trampoline_lowered:
0x8: {  	[smem:$0x3FAE] =	sst s0  }
0x9: {  	[smem:$0x3FAF] =	sst s1  }
0xa: {  	[smem:$0x3FB0] =	sst s2  }
0xb: {  	[smem:$0x3FB1] =	sst s3  }
0xc: {  	[smem:$0x3FB2] =	sst s4  }
0xd: {  	[smem:$0x3FB3] =	sst s5  }
0xe: {  	[smem:$0x3FB4] =	sst s6  }
0xf: {  	[smem:$0x3FB5] =	sst s7  }
0x10: {  	[smem:$0x3FB6] =	sst s8  }
0x11: {  	[smem:$0x3FB7] =	sst s9;
	s0 =	simm.s32 @!p0 $0x0  }
0x12: {  	s1 =	sld [smem:$0x3F9D];
	s0 =	simm.s32 @p0 $0x1  }
0x13: {  	[smem:$0x3FB8] =	sst s0;
	s0 =	simm.s32 @!p1 $0x0  }
0x14: {  	s2 =	sld [smem:$0x3F9C];
	s0 =	simm.s32 @p1 $0x1  }
0x15: {  	[smem:$0x3FB9] =	sst s0;
	s0 =	simm.s32 @!p2 $0x0  }
0x16: {  	s3 =	sld [smem:$0x3FDB];
	s0 =	simm.s32 @p2 $0x1  }
0x17: {  	s4 =	simm.s32 $0x1BF5;
	[smem:$0x3FBB] =	sst s0  }
0x18: {  	s0 =	sld [smem:$0x3F9E];
	_ =	swait.ge [sflag:s4], $0x0  }
0x19: {  	s7 =	sld [smem:$0x3F9F]  }
0x1a: {  	s8 =	sadd.s32 $0xFFFFE003, lr  }
0x1b: {  	s9 =	sadd.s32 $0xFFFFFEF7, lr;
	s5 =	simm.s32 $0xFFFFFFFF;
	p2 =	slt.u32 s8, $0xFFFFF086  }
0x1c: {  	p1 =	slt.u32 s9, $0xF7A;
	s5 =	simm.s32 @!p2 $0x0  }
0x1d: {  	s5 =	simm.s32 @p1 $0x1;
	p0 =	seq.s32 s7, s2  }
0x1e: {  	s7 =	smul.u32 @!p0 $0xF7A, s2;
	p2 =	seq.s32 @!p0 s5, $0x0  }
0x1f: {  	s9 =	smul.u32 $0xF7A, s1;
	s8 =	simm.s32 @!p0 $0x1BF5;
	p2 =	por !p2, p0  }
0x20: {  	[sflag:s8] =	ssyncset.s32 @!p0 $0xFFFFF086;
	s6 =	sadd.s32 @!p0 s3, s7;
	s7 =	simm.s32 @!p0 $0x108  }
0x21: {  	s3 =	sadd.s32 s3, s9;
	s6 =	sadd.s32 @!p0 $0x88, s6;
	s7 =	simm.s32 @p2 $0x1082  }
0x22: {  	[simem:s7], [sflag:s8] =	dma.local @!p0 [hbm:s6], $0xF7A  }
0x23: {  	s9 =	sor.u32 $0xD0000000, s2;
	s6 =	simm.s32 $0x108;
	_ =	swait.ge @!p0 [sflag:s8], $0x0  }
0x24: {  	s3 =	sadd.s32 $0x88, s3;
	s6 =	simm.s32 @!p1 $0x1082;
	[sflag:s4] =	ssyncset.s32 $0xFFFFF086  }
0x25: {  	[simem:s6], [sflag:s4] =	dma.local [hbm:s3], $0xF7A  }
0x26: {  	[smem:$0x3F9F] =	sst s1;
	(tag) =	ssettag s2;
	_ =	strace s9  }
0x27: {  	s1 =	sld [smem:$0x3FAF]  }
0x28: {  	s2 =	sld [smem:$0x3FB0]  }
0x29: {  	s4 =	sld [smem:$0x3FB2]  }
0x2a: {  	p0 =	seq.s32 s5, $0x0;
	s5 =	sld [smem:$0x3FB3]  }
0x2b: {  	s6 =	sld [smem:$0x3FB4]  }
0x2c: {  	s7 =	sld [smem:$0x3FB5]  }
0x2d: {  	s3 =	simm.s32 $0x108;
	s8 =	sld [smem:$0x3FB6]  }
0x2e: {  	s3 =	simm.s32 @!p0 $0x1082;
	s9 =	sld [smem:$0x3FB7]  }
0x2f: {  	lr =	sadd.s32 s0, s3;
	s0 =	sld [smem:$0x3FAE]  }
0x30: {  	s3 =	sld [smem:$0x3FB1]  }
0x31: {  	[smem:$0x3FBA] =	sst s10  }
0x32: {  	s10 =	sld [smem:$0x3FB8];
	_ =	sdelay $0x3  }
0x33: {  	p0 =	seq.s32 s10, $0x1;
	s10 =	sld [smem:$0x3FBA];
	_ =	sdelay $0x3  }
0x34: {  	[smem:$0x3FBA] =	sst s10  }
0x35: {  	s10 =	sld [smem:$0x3FB9];
	_ =	sdelay $0x3  }
0x36: {  	p1 =	seq.s32 s10, $0x1;
	s10 =	sld [smem:$0x3FBA];
	_ =	sdelay $0x3  }
0x37: {  	[smem:$0x3FBA] =	sst s10  }
0x38: {  	s10 =	sld [smem:$0x3FBB]  }
0x39: {  	_ = 	snop;
	(pc) =	sbr.ind lr, $3  }
0x3a: {  	_ = 	snop  }
0x3b: {  	_ = 	snop  }
0x3c: {  	p2 =	seq.s32 s10, $0x1;
	s10 =	sld [smem:$0x3FBA]  }
0x3d: {  	_ =	shalt  }
0x3e: {  	_ =	shalt  }
0x3f: {  	_ =	shalt  }
0x40: {  	_ =	shalt  }
0x41: {  	_ =	shalt  }
0x42: {  	_ =	shalt  }
0x43: {  	_ =	shalt  }
0x44: {  	_ =	shalt  }
0x45: {  	_ =	shalt  }
0x46: {  	_ =	shalt  }
0x47: {  	_ =	shalt  }
0x48: {  	_ =	shalt  }
0x49: {  	_ =	shalt  }
0x4a: {  	_ =	shalt  }
0x4b: {  	_ =	shalt  }
0x4c: {  	_ =	shalt  }
0x4d: {  	_ =	shalt  }
0x4e: {  	_ =	shalt  }
0x4f: {  	_ =	shalt  }
0x50: {  	_ =	shalt  }
0x51: {  	_ =	shalt  }
0x52: {  	_ =	shalt  }
0x53: {  	_ =	shalt  }
0x54: {  	_ =	shalt  }
0x55: {  	_ =	shalt  }
0x56: {  	_ =	shalt  }
0x57: {  	_ =	shalt  }
0x58: {  	_ =	shalt  }
0x59: {  	_ =	shalt  }
0x5a: {  	_ =	shalt  }
0x5b: {  	_ =	shalt  }
0x5c: {  	_ =	shalt  }
0x5d: {  	_ =	shalt  }
0x5e: {  	_ =	shalt  }
0x5f: {  	_ =	shalt  }
0x60: {  	_ =	shalt  }
0x61: {  	_ =	shalt  }
0x62: {  	_ =	shalt  }
0x63: {  	_ =	shalt  }
0x64: {  	_ =	shalt  }
0x65: {  	_ =	shalt  }
0x66: {  	_ =	shalt  }
0x67: {  	_ =	shalt  }
0x68: {  	_ =	shalt  }
0x69: {  	_ =	shalt  }
0x6a: {  	_ =	shalt  }
0x6b: {  	_ =	shalt  }
0x6c: {  	_ =	shalt  }
0x6d: {  	_ =	shalt  }
0x6e: {  	_ =	shalt  }
0x6f: {  	_ =	shalt  }
0x70: {  	_ =	shalt  }
0x71: {  	_ =	shalt  }
0x72: {  	_ =	shalt  }
0x73: {  	_ =	shalt  }
0x74: {  	_ =	shalt  }
0x75: {  	_ =	shalt  }
0x76: {  	_ =	shalt  }
0x77: {  	_ =	shalt  }
0x78: {  	_ =	shalt  }
0x79: {  	_ =	shalt  }
0x7a: {  	_ =	shalt  }
0x7b: {  	_ =	shalt  }
0x7c: {  	_ =	shalt  }
0x7d: {  	_ =	shalt  }
0x7e: {  	_ =	shalt  }
0x7f: {  	_ =	shalt  }
0x80: {  	_ =	shalt  }
0x81: {  	_ =	shalt  }
0x82: {  	_ =	shalt  }
0x83: {  	_ =	shalt  }
0x84: {  	_ =	shalt  }
0x85: {  	_ =	shalt  }
0x86: {  	_ =	shalt  }
0x87: {  	_ =	shalt  }
.Lfunc_end0:
.L_simem_size_0:
called_computation_lowered:
.L_overlay_start_0:
0x88: {  	s2 =	sld [smem:$0x3FD9]  }
0x89: {  	s3 =	sld [smem:$0x3FFE];
	_ =	sdelay $0x1  }
0x8a: {  	s1 =	srdreg.scid  }
0x8b: {  	s0 =	sand.u32 $0x1, s1  }
0x8c: {  	s16 =	sshll.u32 s0, $0xA;
	s2 =	sadd.s32 s3, s2  }
0x8d: {  	s2 =	sadd.s32 s2, s16  }
0x8e: {  	[smem:$0x3FC6] =	sst s2  }
0x8f: {  	_ = 	snop  }
0x90: {  	(tm) =	ssettm $0x1  }
0x91: {  	s17 =	sld [smem:$0x3FFB];
	_ =	sdelay $0x3  }
0x92: {  	_ =	strace s17  }
0x93: {  	s2 =	sld [smem:$0x3FFC];
	_ =	sdelay $0x3  }
0x94: {  	_ =	strace s2  }
0x95: {  	s2 =	sld [smem:$0x3FFD];
	_ =	sdelay $0x3  }
0x96: {  	_ =	strace s2  }
0x97: {  	_ =	strace $0x8FFFFFFF  }
0x98: {  	s18 =	sld [smem:$0x3FDB];
	_ =	sdelay $0x1  }
0x99: {  	s19 =	simm.s32 $_scs_section_size  }
0x9a: {  	s4 =	simm.s32 $_size__tile_overlayer_lowered;
	s5 =	simm.s32 $_tile_overlayer_lowered  }
0x9b: {  	s22 =	simm.s32 $0x1BFF;
	s21 =	sshll.u32 s5, $0x1;
	s2 =	sadd.s32 s19, s18  }
0x9c: {  	s6 =	simm.s32 $0x0;
	s20 =	sshll.u32 s4, $0x1;
	s4 =	sadd.s32 s21, s2  }
0x9d: {  	[timem:s6], [sflag:s22] =	dma.local [hbm:s4], s20  }
0x9e: {  	_ =	swait.ge [sflag:s22], s20  }
0x9f: {  	s3 =	ssub.s32 $0x0, s20;
	[sflag:s22] =	ssyncset.done $0x0  }
0xa0: {  	[sflag:s22] =	ssyncadd.s32 s3;
	_ =	sdelay $0x1  }
0xa1: {  	s23 =	simm.s32 $0x1B8B  }
0xa2: {  	_ =	swait.ge [sflag:s23], $0x1  }
0xa3: {  	[sflag:s23] =	ssyncset.done $0x0  }
0xa4: {  	s25 =	simm.s32 $0x1B8E;
	s24 =	sld [smem:$0x3FFE];
	[sflag:s23] =	ssyncadd.s32 $0xFFFFFFFF  }
0xa5: {  	s26 =	simm.s32 $execute0_lowered;
	[smem:$0x3FD2] =	sst s25  }
0xa6: {  	s4 =	sshll.u32 s26, $0x1;
	_ =	strace $0x80000046;
	[dreg:$0x1] =	wrdreg $0xFFFFFFFF  }
0xa7: {  	s28 =	simm.s32 $_size_execute0_lowered;
	s2 =	sadd.s32 s2, s4;
	[dreg:$0x0] =	wrdreg $0x0  }
0xa8: {  	s4 =	sshll.u32 s28, $0x1;
	[dreg:$0x2] =	wrdreg s2  }
0xa9: {  	[dreg:$0x3] =	wrdreg s4  }
0xaa: {  	[dreg:$0x4] =	wrdreg $0xC0  }
0xab: {  	_ =	task [dreg:s6], $0x5FFFF  }
0xac: {  	[dreg:$0x1] =	wrdreg $0xFFFFFFFF  }
0xad: {  	[dreg:$0x0] =	wrdreg $0x60  }
0xae: {  	[dreg:$0x2] =	wrdreg s24  }
0xaf: {  	[dreg:$0x3] =	wrdreg $0x3B000  }
0xb0: {  	[dreg:$0x4] =	wrdreg $0x9  }
0xb1: {  	_ =	task.clear_ibuf [dreg:s6], $0x5FFFF;
	_ =	strace $0x90000046  }
0xb2: {  	s29 =	simm.s32 $0x9;
	_ =	strace $0x80000048  }
0xb3: {  	_ =	swait.ge [sflag:s29], $0x1  }
0xb4: {  	[sflag:s29] =	ssyncadd.s32 $0xFFFFFFFF  }
0xb5: {  	_ =	strace $0x90000048  }
0xb6: {  	_ =	sfence  }
0xb7: {  	s30 =	sld [smem:$0x0];
	_ =	sdelay $0x2  }
0xb8: {  	s31 =	sshll.u32 s1, $0xD;
	s1 =	sshrl.u32 s1, $0x2  }
0xb9: {  	s3 =	sand.u32 $0x4000, s31;
	s1 =	sadd.s32 s1, s30  }
0xba: {  	s0 =	sor.u32 s3, s0;
	s1 =	sshll.u32 s1, $0x11  }
0xbb: {  	s0 =	sor.u32 s1, s0  }
0xbc: {  	s0 =	sadd.s32 $0x8F2B, s0  }
0xbd: {  	[sflag:s0] =	ssyncadd.remote.s32 $0x1  }
0xbe: {  	_ =	sfence.sel $0xFFFF  }
0xbf: {  	[dreg:$0x0] =	wrdreg $0xFFFFFFFF;
	(pc) =	sbr.abs _section_cstart, $3  }
0xc0: {  	[dreg:$0x1] =	wrdreg $0xFFFFFFFF  }
0xc1: {  	_ =	task.clear_ibuf [dreg:s6], $0x2FFFF;
	_ =	strace $0x9FFFFFFF  }
0xc2: {  	(tm) =	ssettm $0x7FFFFFFF  }
0xc3: {  	_ =	shalt  }
tec
execute0_lowered:
.L_overlay_start_1:
0x0: {  	(tag) =	ssettag $0x1  }
0x1: {  	s1 =	rddreg [dreg:$0x0]  }
0x2: {  	s3 =	rddreg [dreg:$0x1];
	s2 =	simm.s32 $0x0  }
0x3: {  	s0 =	srdreg.scid;
	s8 =	stileid.u32;
	s17 =	simm.s32 $0xA00  }
0x4: {  	s18 =	simm.s32 $0x1200;
	s19 =	simm.s32 $0x2;
	s28 =	simm.s32 $0x2A80  }
0x5: {  	s29 =	simm.s32 $0x3300;
	s30 =	simm.s32 $0x3;
	s31 =	simm.s32 $0x0  }
0x6: {  	[smem:$0x7FF] =	sst s2;
	s10 =	sand.u32 $0x1, s0;
	s0 =	smul.u32 $0x500, s8  }
0x7: {  	s11 =	sadd.s32 $0x142800, s1;
	s13 =	sadd.s32 $0x2800, s1;
	s15 =	sshll.u32 s8, $0xB  }
0x8: {  	s8 =	sshll.u32 s8, $0x7;
	_ =	strace $0x80000047;
	s4 =	smul.u32 $0xA000, s10  }
0x9: {  	s5 =	ssub.s32 $0x2, s10;
	s12 =	sshllo.u32 s10, $0x1;
	s22 =	smul.u32 $0x14000, s10  }
0xa: {  	s8 =	sadd.s32 s8, s3;
	s23 =	sshll.u32 s10, $0x10;
	s7 =	smul.u32 $0x5000, s12  }
0xb: {  	s6 =	sshrl.u32 s5, $0x1;
	s9 =	sadd.s32 $0x8000, s8;
	s16 =	smul.u32 $0xA000, s12  }
0xc: {  	s12 =	sshll.u32 s12, $0xF;
	s4 =	sadd.s32 s0, s4;
	s14 =	ssub.s32 s5, s6  }
0xd: {  	s5 =	sadd.s32 s15, s3;
	s3 =	sor.u32 s15, s23;
	s10 =	sadd.s32 s11, s22  }
0xe: {  	s25 =	sor.u32 s15, s12;
	s22 =	simm.s32 $0x1A00;
	s23 =	simm.s32 $0x4  }
0xf: {  	s4 =	sshrl.u32 s4, $0x3;
	s20 =	sadd.s32 s0, s7;
	s7 =	sadd.s32 $0x8000, s5  }
0x10: {  	s24 =	sshrl.u32 s3, $0x3;
	s11 =	sadd.s32 s11, s16;
	s26 =	sshrl.u32 s25, $0x3  }
0x11: {  	s14 =	smax.u32 s14, $0x1;
	s16 =	simm.s32 $0x1;
	s25 =	simm.s32 $0x2A00  }
0x12: {  	s4 =	sadd.s32 s1, s4;
	s21 =	sshrl.u32 s20, $0x3;
	s12 =	sadd.s32 s13, s24  }
0x13: {  	v1 =	vlaneseq.u32;
	s13 =	sadd.s32 s13, s26;
	s20 =	simm.s32 $0x80;
	s24 =	simm.s32 $0x2200  }
0x14: {  	v0 =	vimm.s32 $0x0;
	v1 =	vadd.s32 $0x1, v1;
	s26 =	simm.s32 $0x2B00;
	s6 =	sadd.s32 s1, s21;
	s21 =	simm.s32 $0x800  }
.LBB2_1:
0x15: {  	[tilespmem:s2], [sflag:$0x1] =	stream.linear.gather [hbm4b:s4+s2], $0x500, $0x38;
	[tilespmem:$0x4B00] =	vst v63  }
0x16: {  	s1 =	simm.s32 $0x500  }
0x17: {  	[tilespmem:s1], [sflag:$0x1] =	stream.linear.gather [hbm4b:s6+s2], $0x500, $0x38;
	[tilespmem:$0x4B00] =	vst v63  }
0x18: {  	_ =	swait.ge [sflag:s16], $0x500  }
0x19: {  	[sflag:s16] =	ssyncset.done $0x0  }
0x1a: {  	[sflag:s16] =	ssyncadd.s32 $0xFFFFFB00  }
0x1b: {  	_ =	swait.ge [sflag:s16], $0x500  }
0x1c: {  	[sflag:s16] =	ssyncset.done $0x0  }
0x1d: {  	s1 =	simm.s32 $0x0;
	[sflag:s16] =	ssyncadd.s32 $0xFFFFFB00  }
.LBB2_2:
0x1e: {  	p0 =	sne.s32 s1, $0x1FC0  }
.Ltmp0:
0x1f: {  	_ = 	snop;
	(pc) =	sbr.rel @p0 .LBB2_2-.Ltmp0, $3  }
0x20: {  	_ =	sdelay $0x1  }
0x21: {  	s3 =	sshra.s32 s1, $0x2  }
0x22: {  	s1 =	sadd.s32 $0x40, s1;
	[tilespmem:s3+$0xA00] =	vst v0  }
0x23: {  	s1 =	simm.s32 $0x0  }
0x24: {  	v3 =	vld [tilespmem:s1+$0x0];
	_ =	sdelay $0x4  }
0x25: {  	vm0 =	vlt.s32 v3, $0x800;
	_ =	sdelay $0x4  }
0x26: {  	v2 =	vadd.s32 s0, v1  }
0x27: {  	s15 =	simm.s32 $0x10;
	s3 =	smov.u32 s0;
	s1 =	simm.s32 $0x80;
	[tilespmem:v3+s17+$0x0] =	vst.idx.msk vm0, v2  }
.LBB2_4:
0x28: {  	p0 =	sne.s32 s1, $0x13C0;
	v3 =	vld [tilespmem:s15+$0x0];
	_ =	sdelay $0x4  }
0x29: {  	vm0 =	vlt.s32 v3, $0x800;
	_ =	sdelay $0x1  }
.Ltmp1:
0x2a: {  	(pc) =	sbr.rel @p0 .LBB2_4-.Ltmp1, $4  }
0x2b: {  	_ = 	snop  }
0x2c: {  	s3 =	sadd.s32 $0x10, s3  }
0x2d: {  	v4 =	vadd.s32 s3, v1  }
0x2e: {  	s15 =	sshra.s32 s1, $0x2;
	s1 =	sadd.s32 $0x40, s1;
	[tilespmem:v3+s17+$0x0] =	vst.idx.msk vm0, v4  }
0x2f: {  	v3 =	vld [tilespmem:s15+$0x0];
	_ =	sdelay $0x4  }
0x30: {  	vm0 =	vlt.s32 v3, $0x800;
	_ =	sdelay $0x3  }
0x31: {  	s1 =	sadd.s32 $0x10, s3  }
0x32: {  	v4 =	vadd.s32 s1, v1  }
0x33: {  	s3 =	simm.s32 $0x0;
	s1 =	simm.s32 $0x40;
	[tilespmem:v3+s17+$0x0] =	vst.idx.msk vm0, v4  }
0x34: {  	[spmem:s5] =	stream.linear.scatter [tilespmem:s17], [sflag:$0x2], $0x800, $0x38;
	[tilespmem:$0x4B00] =	vst v63  }
.LBB2_6:
0x35: {  	p0 =	sne.s32 s1, $0x1FC0;
	[tilespmem:s3+$0x1200] =	vst v0;
	s3 =	smov.u32 s1;
	s1 =	sadd.s32 $0x40, s1  }
.Ltmp2:
0x36: {  	(pc) =	sbr.rel @p0 .LBB2_6-.Ltmp2, $2  }
0x37: {  	_ =	sdelay $0x2  }
0x38: {  	s3 =	sshra.s32 s3, $0x2  }
0x39: {  	[tilespmem:s3+$0x1200] =	vst v0;
	s1 =	simm.s32 $0x0  }
0x3a: {  	v3 =	vld [tilespmem:s1+$0x500];
	_ =	sdelay $0x4  }
0x3b: {  	vm0 =	vlt.s32 v3, $0x800;
	_ =	sdelay $0x5  }
0x3c: {  	s15 =	simm.s32 $0x10;
	s3 =	smov.u32 s0;
	s1 =	simm.s32 $0x80;
	[tilespmem:v3+s18+$0x0] =	vst.idx.msk vm0, v2  }
.LBB2_8:
0x3d: {  	p0 =	sne.s32 s1, $0x13C0;
	v2 =	vld [tilespmem:s15+$0x500];
	_ =	sdelay $0x4  }
0x3e: {  	vm0 =	vlt.s32 v2, $0x800;
	_ =	sdelay $0x1  }
.Ltmp3:
0x3f: {  	(pc) =	sbr.rel @p0 .LBB2_8-.Ltmp3, $4  }
0x40: {  	_ = 	snop  }
0x41: {  	s3 =	sadd.s32 $0x10, s3  }
0x42: {  	v3 =	vadd.s32 s3, v1  }
0x43: {  	s15 =	sshra.s32 s1, $0x2;
	s1 =	sadd.s32 $0x40, s1;
	[tilespmem:v2+s18+$0x0] =	vst.idx.msk vm0, v3  }
0x44: {  	v2 =	vld [tilespmem:s15+$0x500];
	_ =	sdelay $0x4  }
0x45: {  	vm0 =	vlt.s32 v2, $0x800;
	_ =	sdelay $0x3  }
0x46: {  	s1 =	sadd.s32 $0x10, s3  }
0x47: {  	v3 =	vadd.s32 s1, v1  }
0x48: {  	[tilespmem:v2+s18+$0x0] =	vst.idx.msk vm0, v3  }
0x49: {  	[spmem:s7] =	stream.linear.scatter [tilespmem:s18], [sflag:$0x2], $0x800, $0x38;
	[tilespmem:$0x4B00] =	vst v63  }
0x4a: {  	_ =	swait.ge [sflag:s19], $0x800  }
0x4b: {  	[sflag:s19] =	ssyncset.done $0x0  }
0x4c: {  	[sflag:s19] =	ssyncadd.s32 $0xFFFFF800  }
0x4d: {  	_ =	swait.ge [sflag:s19], $0x800  }
0x4e: {  	[sflag:s19] =	ssyncset.done $0x0  }
0x4f: {  	[sflag:s19] =	ssyncadd.s32 $0xFFFFF800  }
0x50: {  	[bflag:$0x0] =	sbarrier.arrive $0xFFFF  }
0x51: {  	[tilespmem:s22], [sflag:$0x4] =	stream.strided.gather [spmem:s8], $0x800, s21, s20, $0x38;
	[tilespmem:$0x4B00] =	vst v63  }
0x52: {  	_ =	swait.ge [sflag:s23], $0x800  }
0x53: {  	[sflag:s23] =	ssyncset.done $0x0  }
0x54: {  	[sflag:s23] =	ssyncadd.s32 $0xFFFFF800  }
0x55: {  	[tilespmem:s24], [sflag:$0x4] =	stream.strided.gather [spmem:s9], $0x800, s21, s20, $0x38;
	[tilespmem:$0x4B00] =	vst v63  }
0x56: {  	_ =	swait.ge [sflag:s23], $0x800  }
0x57: {  	[sflag:s23] =	ssyncset.done $0x0  }
0x58: {  	[sflag:s23] =	ssyncadd.s32 $0xFFFFF800  }
0x59: {  	v2 =	vld [tilespmem:$0x1A00]  }
0x5a: {  	v3 =	vld [tilespmem:$0x1A80]  }
0x5b: {  	v4 =	vld [tilespmem:$0x1B00]  }
0x5c: {  	v5 =	vld [tilespmem:$0x1B80]  }
0x5d: {  	v13 =	vld [tilespmem:$0x1C00]  }
0x5e: {  	v14 =	vld [tilespmem:$0x1C80]  }
0x5f: {  	v16 =	vld [tilespmem:$0x1D00]  }
0x60: {  	v18 =	vld [tilespmem:$0x1D80]  }
0x61: {  	v19 =	vld [tilespmem:$0x1E00]  }
0x62: {  	v20 =	vld [tilespmem:$0x1E80]  }
0x63: {  	v21 =	vld [tilespmem:$0x1F00]  }
0x64: {  	v22 =	vld [tilespmem:$0x1F80]  }
0x65: {  	v23 =	vld [tilespmem:$0x2000]  }
0x66: {  	v24 =	vld [tilespmem:$0x2080]  }
0x67: {  	v25 =	vld [tilespmem:$0x2100]  }
0x68: {  	v26 =	vld [tilespmem:$0x2180]  }
0x69: {  	v6 =	vld [tilespmem:$0x1A10]  }
0x6a: {  	v7 =	vld [tilespmem:$0x1A90]  }
0x6b: {  	v27 =	vld [tilespmem:$0x1B10]  }
0x6c: {  	v28 =	vld [tilespmem:$0x1B90]  }
0x6d: {  	v29 =	vld [tilespmem:$0x1C10]  }
0x6e: {  	v30 =	vld [tilespmem:$0x1C90]  }
0x6f: {  	v31 =	vld [tilespmem:$0x1D10]  }
0x70: {  	v32 =	vld [tilespmem:$0x1D90]  }
0x71: {  	v33 =	vld [tilespmem:$0x1E10]  }
0x72: {  	v34 =	vld [tilespmem:$0x1E90]  }
0x73: {  	v35 =	vld [tilespmem:$0x1F10]  }
0x74: {  	v36 =	vld [tilespmem:$0x1F90]  }
0x75: {  	v37 =	vld [tilespmem:$0x2010]  }
0x76: {  	v38 =	vld [tilespmem:$0x2090]  }
0x77: {  	v39 =	vld [tilespmem:$0x2110]  }
0x78: {  	v40 =	vld [tilespmem:$0x2190]  }
0x79: {  	v41 =	vld [tilespmem:$0x1A20]  }
0x7a: {  	v42 =	vld [tilespmem:$0x1AA0]  }
0x7b: {  	v43 =	vld [tilespmem:$0x1B20]  }
0x7c: {  	v44 =	vld [tilespmem:$0x1BA0]  }
0x7d: {  	v45 =	vld [tilespmem:$0x1C20]  }
0x7e: {  	v17 =	vld [tilespmem:$0x1CA0]  }
0x7f: {  	v15 =	vld [tilespmem:$0x1D20]  }
0x80: {  	v12 =	vld [tilespmem:$0x1DA0]  }
0x81: {  	v11 =	vld [tilespmem:$0x1E20]  }
0x82: {  	v10 =	vld [tilespmem:$0x1EA0]  }
0x83: {  	v9 =	vld [tilespmem:$0x1F20]  }
0x84: {  	v8 =	vld [tilespmem:$0x1FA0]  }
0x85: {  	v58 =	vld [tilespmem:$0x1A30]  }
0x86: {  	v59 =	vld [tilespmem:$0x1AB0]  }
0x87: {  	v60 =	vld [tilespmem:$0x1B30]  }
0x88: {  	v61 =	vld [tilespmem:$0x1BB0]  }
0x89: {  	v46 =	vld [tilespmem:$0x1C30]  }
0x8a: {  	v62 =	vld [tilespmem:$0x1A40]  }
0x8b: {  	v63 =	vld [tilespmem:$0x1AC0];
	vm4 =	vgt.s32 v2, v3;
	vm5 =	vgt.s32 v6, v7  }
0x8c: {  	v47 =	vld [tilespmem:$0x1B40];
	v2 =	vsel vm4, v2, v3;
	v3 =	vsel vm5, v6, v7  }
0x8d: {  	v48 =	vld [tilespmem:$0x1BC0];
	vm1 =	vgt.s32 v2, v4;
	vm0 =	vgt.s32 v3, v27  }
0x8e: {  	v49 =	vld [tilespmem:$0x1C40];
	v2 =	vsel vm1, v2, v4;
	v3 =	vsel vm0, v3, v27  }
0x8f: {  	v50 =	vld [tilespmem:$0x1CC0];
	vm6 =	vgt.s32 v41, v42;
	vm1 =	vgt.s32 v2, v5;
	vm0 =	vgt.s32 v3, v28  }
0x90: {  	v51 =	vld [tilespmem:$0x1D40];
	vm7 =	vgt.s32 v58, v59;
	v2 =	vsel vm1, v2, v5;
	v3 =	vsel vm0, v3, v28  }
0x91: {  	v52 =	vld [tilespmem:$0x1DC0];
	vm9 =	vgt.s32 v62, v63;
	vm1 =	vgt.s32 v2, v13;
	vm0 =	vgt.s32 v3, v29  }
0x92: {  	v54 =	vld [tilespmem:$0x1E40];
	v53 =	vsel vm6, v41, v42;
	v2 =	vsel vm1, v2, v13;
	v3 =	vsel vm0, v3, v29  }
0x93: {  	v55 =	vld [tilespmem:$0x1EC0];
	vm8 =	vgt.s32 v53, v43;
	vm1 =	vgt.s32 v2, v14;
	vm0 =	vgt.s32 v3, v30  }
0x94: {  	v56 =	vld [tilespmem:$0x1F40];
	v27 =	vsel vm7, v58, v59;
	v2 =	vsel vm1, v2, v14;
	v3 =	vsel vm0, v3, v30  }
0x95: {  	v57 =	vld [tilespmem:$0x1FC0];
	vm10 =	vgt.s32 v27, v60;
	vm1 =	vgt.s32 v2, v16;
	vm0 =	vgt.s32 v3, v31  }
0x96: {  	v27 =	vsel vm10, v27, v60;
	v2 =	vsel vm1, v2, v16;
	v3 =	vsel vm0, v3, v31;
	v31 =	vld [tilespmem:$0x1CB0]  }
0x97: {  	v7 =	vld [tilespmem:$0x2020];
	vm13 =	vgt.s32 v27, v61;
	vm1 =	vgt.s32 v2, v18;
	vm0 =	vgt.s32 v3, v32  }
0x98: {  	v27 =	vsel vm13, v27, v61;
	v2 =	vsel vm1, v2, v18;
	v18 =	vld [tilespmem:$0x1D30];
	v3 =	vsel vm0, v3, v32  }
0x99: {  	v6 =	vld [tilespmem:$0x20A0];
	vm4 =	vgt.s32 v27, v46;
	vm1 =	vgt.s32 v2, v19;
	vm0 =	vgt.s32 v3, v33  }
0x9a: {  	v27 =	vsel vm4, v27, v46;
	v32 =	vld [tilespmem:$0x1DB0];
	v2 =	vsel vm1, v2, v19;
	v3 =	vsel vm0, v3, v33  }
0x9b: {  	v41 =	vld [tilespmem:$0x1CD0];
	vm1 =	vgt.s32 v2, v20;
	vm0 =	vgt.s32 v3, v34;
	vm7 =	vgt.s32 v27, v31  }
0x9c: {  	v4 =	vld [tilespmem:$0x21A0];
	v2 =	vsel vm1, v2, v20;
	v3 =	vsel vm0, v3, v34;
	v27 =	vsel vm7, v27, v31  }
0x9d: {  	v19 =	vld [tilespmem:$0x1E30];
	vm1 =	vgt.s32 v2, v21;
	vm0 =	vgt.s32 v3, v35;
	vm10 =	vgt.s32 v27, v18  }
0x9e: {  	v58 =	vld [tilespmem:$0x2040];
	v2 =	vsel vm1, v2, v21;
	v3 =	vsel vm0, v3, v35;
	v18 =	vsel vm10, v27, v18  }
0x9f: {  	v59 =	vld [tilespmem:$0x20C0];
	vm1 =	vgt.s32 v2, v22;
	vm0 =	vgt.s32 v3, v36;
	vm13 =	vgt.s32 v18, v32  }
0xa0: {  	v33 =	vld [tilespmem:$0x1EB0];
	v2 =	vsel vm1, v2, v22;
	v3 =	vsel vm0, v3, v36;
	v22 =	vsel vm9, v62, v63  }
0xa1: {  	v5 =	vld [tilespmem:$0x2120];
	v18 =	vsel vm13, v18, v32;
	vm1 =	vgt.s32 v2, v23;
	vm0 =	vgt.s32 v3, v37  }
0xa2: {  	v60 =	vld [tilespmem:$0x2140];
	vm12 =	vgt.s32 v22, v47;
	vm4 =	vgt.s32 v18, v19;
	v2 =	vsel vm1, v2, v23  }
0xa3: {  	v13 =	vld [tilespmem:$0x21B0];
	v3 =	vsel vm0, v3, v37;
	v22 =	vsel vm12, v22, v47;
	v18 =	vsel vm4, v18, v19  }
0xa4: {  	v20 =	vld [tilespmem:$0x1F30];
	vm1 =	vgt.s32 v2, v24;
	vm0 =	vgt.s32 v3, v38;
	vm15 =	vgt.s32 v22, v48  }
0xa5: {  	v61 =	vld [tilespmem:$0x21C0];
	vm7 =	vgt.s32 v18, v33;
	v3 =	vsel vm0, v3, v38;
	v38 =	vsel vm8, v53, v43  }
0xa6: {  	v29 =	vld [tilespmem:$0x1C70];
	v2 =	vsel vm1, v2, v24;
	v22 =	vsel vm15, v22, v48;
	vm11 =	vgt.s32 v38, v44  }
0xa7: {  	v14 =	vld [tilespmem:$0x2130];
	v18 =	vsel vm7, v18, v33;
	vm1 =	vgt.s32 v2, v25;
	v38 =	vsel vm11, v38, v44  }
0xa8: {  	v46 =	vld [tilespmem:$0x1E50];
	vm0 =	vgt.s32 v3, v39;
	vm6 =	vgt.s32 v22, v49;
	vm14 =	vgt.s32 v38, v45  }
0xa9: {  	v30 =	vld [tilespmem:$0x1CE0];
	vm10 =	vgt.s32 v18, v20;
	v22 =	vsel vm6, v22, v49;
	v38 =	vsel vm14, v38, v45  }
0xaa: {  	v34 =	vld [tilespmem:$0x1FB0];
	v2 =	vsel vm1, v2, v25;
	vm9 =	vgt.s32 v22, v50;
	vm5 =	vgt.s32 v38, v17  }
0xab: {  	v16 =	vld [tilespmem:$0x20B0];
	v3 =	vsel vm0, v3, v39;
	v63 =	vsel vm9, v22, v50;
	v17 =	vsel vm5, v38, v17  }
0xac: {  	v31 =	vld [tilespmem:$0x1CF0];
	v18 =	vsel vm10, v18, v20;
	vm12 =	vgt.s32 v63, v51;
	vm8 =	vgt.s32 v17, v15  }
0xad: {  	v21 =	vld [tilespmem:$0x2030];
	vm1 =	vgt.s32 v2, v26;
	v36 =	vsel vm12, v63, v51;
	v15 =	vsel vm8, v17, v15  }
0xae: {  	v27 =	vld [tilespmem:$0x1BD0];
	vm0 =	vgt.s32 v3, v40;
	vm15 =	vgt.s32 v36, v52;
	vm11 =	vgt.s32 v15, v12  }
0xaf: {  	v35 =	vld [tilespmem:$0x1DE0];
	vm13 =	vgt.s32 v18, v34;
	v42 =	vsel vm15, v36, v52;
	v12 =	vsel vm11, v15, v12  }
0xb0: {  	v62 =	vld [tilespmem:$0x1AD0];
	v2 =	vsel vm1, v2, v26;
	vm6 =	vgt.s32 v42, v54;
	vm14 =	vgt.s32 v12, v11  }
0xb1: {  	v47 =	vld [tilespmem:$0x1ED0];
	v3 =	vsel vm0, v3, v40;
	v45 =	vsel vm6, v42, v54;
	v11 =	vsel vm14, v12, v11  }
0xb2: {  	v37 =	vld [tilespmem:$0x1E60];
	v18 =	vsel vm13, v18, v34;
	vm9 =	vgt.s32 v45, v55;
	vm5 =	vgt.s32 v11, v10  }
0xb3: {  	v43 =	vld [tilespmem:$0x1D50];
	v2 =	vadd.s32 $0xFFFFFFFF, v2;
	v48 =	vsel vm9, v45, v55;
	v10 =	vsel vm5, v11, v10  }
0xb4: {  	v53 =	vld [tilespmem:$0x1A60];
	v3 =	vadd.s32 $0xFFFFFFFF, v3;
	vm12 =	vgt.s32 v48, v56;
	vm8 =	vgt.s32 v10, v9  }
0xb5: {  	v33 =	vld [tilespmem:$0x1D60];
	vm4 =	vgt.s32 v18, v21;
	v23 =	vsel vm12, v48, v56;
	v9 =	vsel vm8, v10, v9  }
0xb6: {  	v25 =	vld [tilespmem:$0x1A50];
	v18 =	vsel vm4, v18, v21;
	vm15 =	vgt.s32 v23, v57;
	vm11 =	vgt.s32 v9, v8  }
0xb7: {  	v44 =	vld [tilespmem:$0x1DD0];
	vm7 =	vgt.s32 v18, v16;
	v23 =	vsel vm15, v23, v57;
	v8 =	vsel vm11, v9, v8  }
0xb8: {  	v22 =	vld [tilespmem:$0x1B50];
	v16 =	vsel vm7, v18, v16;
	vm6 =	vgt.s32 v23, v58;
	vm14 =	vgt.s32 v8, v7  }
0xb9: {  	v38 =	vld [tilespmem:$0x1C50];
	vm10 =	vgt.s32 v16, v14;
	v52 =	vsel vm6, v23, v58;
	v51 =	vsel vm14, v8, v7  }
0xba: {  	v54 =	vld [tilespmem:$0x1AE0];
	v14 =	vsel vm10, v16, v14;
	vm9 =	vgt.s32 v52, v59;
	vm5 =	vgt.s32 v51, v6  }
0xbb: {  	vm13 =	vgt.s32 v14, v13;
	v56 =	vld [tilespmem:$0x1A70];
	v55 =	vsel vm9, v52, v59;
	v6 =	vsel vm5, v51, v6  }
0xbc: {  	v13 =	vsel vm13, v14, v13;
	v57 =	vld [tilespmem:$0x1AF0];
	vm12 =	vgt.s32 v55, v60;
	vm8 =	vgt.s32 v6, v5  }
0xbd: {  	vm15 =	vgt.s32 v25, v62;
	v59 =	vld [tilespmem:$0x1B60];
	v58 =	vsel vm12, v55, v60;
	v5 =	vsel vm8, v6, v5  }
0xbe: {  	v25 =	vsel vm15, v25, v62;
	v60 =	vld [tilespmem:$0x1B70];
	vm14 =	vgt.s32 v58, v61;
	vm11 =	vgt.s32 v5, v4  }
0xbf: {  	vm5 =	vgt.s32 v25, v22;
	v4 =	vsel vm11, v5, v4;
	v5 =	vsel vm14, v58, v61;
	v61 =	vld [tilespmem:$0x1BE0]  }
0xc0: {  	v13 =	vadd.s32 $0xFFFFFFFF, v13;
	vm4 =	vgt.s32 v53, v54;
	v62 =	vld [tilespmem:$0x1BF0];
	v22 =	vsel vm5, v25, v22  }
0xc1: {  	v63 =	vld [tilespmem:$0x1C60];
	v18 =	vsel vm4, v53, v54;
	vm6 =	vgt.s32 v56, v57;
	vm8 =	vgt.s32 v22, v27  }
0xc2: {  	v49 =	vld [tilespmem:$0x1F50];
	v16 =	vsel vm6, v56, v57;
	vm7 =	vgt.s32 v18, v59;
	v22 =	vsel vm8, v22, v27  }
0xc3: {  	v39 =	vld [tilespmem:$0x1EE0];
	v6 =	vsel vm7, v18, v59;
	vm11 =	vgt.s32 v22, v38;
	vm9 =	vgt.s32 v16, v60  }
0xc4: {  	v50 =	vld [tilespmem:$0x1FD0];
	v4 =	vadd.s32 $0xFFFFFFFF, v4;
	v14 =	vsel vm9, v16, v60;
	vm10 =	vgt.s32 v6, v61  }
0xc5: {  	v34 =	vld [tilespmem:$0x1D70];
	v5 =	vadd.s32 $0xFFFFFFFF, v5;
	vm12 =	vgt.s32 v14, v62;
	v6 =	vsel vm10, v6, v61  }
0xc6: {  	v40 =	vld [tilespmem:$0x1EF0];
	v17 =	vsel vm11, v22, v38;
	v14 =	vsel vm12, v14, v62;
	vm13 =	vgt.s32 v6, v63  }
0xc7: {  	v36 =	vld [tilespmem:$0x1DF0];
	vm14 =	vgt.s32 v17, v41;
	vm15 =	vgt.s32 v14, v29;
	v6 =	vsel vm13, v6, v63  }
0xc8: {  	v42 =	vld [tilespmem:$0x1F70];
	v17 =	vsel vm14, v17, v41;
	v14 =	vsel vm15, v14, v29;
	vm4 =	vgt.s32 v6, v30  }
0xc9: {  	v45 =	vld [tilespmem:$0x2060];
	vm5 =	vgt.s32 v17, v43;
	vm6 =	vgt.s32 v14, v31;
	v6 =	vsel vm4, v6, v30  }
0xca: {  	v38 =	vld [tilespmem:$0x1E70];
	v15 =	vsel vm5, v17, v43;
	v14 =	vsel vm6, v14, v31;
	vm7 =	vgt.s32 v6, v33  }
0xcb: {  	v48 =	vld [tilespmem:$0x20E0];
	vm8 =	vgt.s32 v15, v44;
	vm9 =	vgt.s32 v14, v34;
	v6 =	vsel vm7, v6, v33  }
0xcc: {  	v10 =	vld [tilespmem:$0x2050];
	v15 =	vsel vm8, v15, v44;
	v14 =	vsel vm9, v14, v34;
	vm10 =	vgt.s32 v6, v35  }
0xcd: {  	v41 =	vld [tilespmem:$0x1F60];
	vm11 =	vgt.s32 v15, v46;
	vm12 =	vgt.s32 v14, v36;
	v6 =	vsel vm10, v6, v35  }
0xce: {  	v9 =	vld [tilespmem:$0x20D0];
	v12 =	vsel vm11, v15, v46;
	v14 =	vsel vm12, v14, v36;
	vm13 =	vgt.s32 v6, v37  }
0xcf: {  	v43 =	vld [tilespmem:$0x1FE0];
	vm14 =	vgt.s32 v12, v47;
	vm15 =	vgt.s32 v14, v38;
	v6 =	vsel vm13, v6, v37  }
0xd0: {  	v44 =	vld [tilespmem:$0x1FF0];
	v12 =	vsel vm14, v12, v47;
	v14 =	vsel vm15, v14, v38;
	vm4 =	vgt.s32 v6, v39  }
0xd1: {  	v8 =	vld [tilespmem:$0x2150];
	vm5 =	vgt.s32 v12, v49;
	vm6 =	vgt.s32 v14, v40;
	v6 =	vsel vm4, v6, v39  }
0xd2: {  	v47 =	vld [tilespmem:$0x2070];
	v11 =	vsel vm5, v12, v49;
	v46 =	vsel vm6, v14, v40;
	vm7 =	vgt.s32 v6, v41  }
0xd3: {  	v7 =	vld [tilespmem:$0x21D0];
	vm8 =	vgt.s32 v11, v50;
	vm9 =	vgt.s32 v46, v42;
	v6 =	vsel vm7, v6, v41  }
0xd4: {  	v49 =	vld [tilespmem:$0x20F0];
	v11 =	vsel vm8, v11, v50;
	v12 =	vsel vm9, v46, v42;
	vm10 =	vgt.s32 v6, v43  }
0xd5: {  	v50 =	vld [tilespmem:$0x2160];
	vm11 =	vgt.s32 v11, v10;
	vm12 =	vgt.s32 v12, v44;
	v6 =	vsel vm10, v6, v43  }
0xd6: {  	v52 =	vld [tilespmem:$0x2170];
	v10 =	vsel vm11, v11, v10;
	v51 =	vsel vm12, v12, v44;
	vm13 =	vgt.s32 v6, v45  }
0xd7: {  	v53 =	vld [tilespmem:$0x21E0];
	vm14 =	vgt.s32 v10, v9;
	vm15 =	vgt.s32 v51, v47;
	v6 =	vsel vm13, v6, v45  }
0xd8: {  	v55 =	vld [tilespmem:$0x21F0];
	v9 =	vsel vm14, v10, v9;
	v54 =	vsel vm15, v51, v47;
	vm4 =	vgt.s32 v6, v48  }
0xd9: {  	[tilespmem:$0x2A00] =	vst v2;
	vm5 =	vgt.s32 v9, v8;
	vm6 =	vgt.s32 v54, v49;
	v2 =	vsel vm4, v6, v48  }
0xda: {  	[tilespmem:$0x2A10] =	vst v3;
	v3 =	vsel vm5, v9, v8;
	v56 =	vsel vm6, v54, v49;
	vm7 =	vgt.s32 v2, v50  }
0xdb: {  	[tilespmem:$0x2A30] =	vst v13;
	vm8 =	vgt.s32 v3, v7;
	vm9 =	vgt.s32 v56, v52;
	v2 =	vsel vm7, v2, v50  }
0xdc: {  	[tilespmem:$0x2A20] =	vst v4;
	v3 =	vsel vm8, v3, v7;
	v57 =	vsel vm9, v56, v52;
	vm10 =	vgt.s32 v2, v53  }
0xdd: {  	[tilespmem:$0x2A40] =	vst v5;
	v3 =	vadd.s32 $0xFFFFFFFF, v3;
	vm11 =	vgt.s32 v57, v55;
	v2 =	vsel vm10, v2, v53  }
0xde: {  	[tilespmem:$0x2A50] =	vst v3;
	v3 =	vsel vm11, v57, v55;
	v2 =	vadd.s32 $0xFFFFFFFF, v2  }
0xdf: {  	[tilespmem:$0x2A60] =	vst v2;
	v2 =	vadd.s32 $0xFFFFFFFF, v3  }
0xe0: {  	[tilespmem:$0x2A70] =	vst v2  }
0xe1: {  	[tilespmem:s26], [sflag:$0x3] =	stream.indirect.gather [hbm4b:s10+s20], $0x10, s25, s20, $0xb8;
	[tilespmem:$0x4B00] =	vst v63  }
0xe2: {  	v2 =	vld [tilespmem:$0x2200]  }
0xe3: {  	v3 =	vld [tilespmem:$0x2280]  }
0xe4: {  	v4 =	vld [tilespmem:$0x2300]  }
0xe5: {  	v58 =	vld [tilespmem:$0x2380]  }
0xe6: {  	v11 =	vld [tilespmem:$0x2400]  }
0xe7: {  	v13 =	vld [tilespmem:$0x2480]  }
0xe8: {  	v14 =	vld [tilespmem:$0x2500]  }
0xe9: {  	v16 =	vld [tilespmem:$0x2580]  }
0xea: {  	v17 =	vld [tilespmem:$0x2600]  }
0xeb: {  	v18 =	vld [tilespmem:$0x2680]  }
0xec: {  	v19 =	vld [tilespmem:$0x2700]  }
0xed: {  	v20 =	vld [tilespmem:$0x2780]  }
0xee: {  	v21 =	vld [tilespmem:$0x2800]  }
0xef: {  	v22 =	vld [tilespmem:$0x2880]  }
0xf0: {  	v23 =	vld [tilespmem:$0x2900]  }
0xf1: {  	v24 =	vld [tilespmem:$0x2980]  }
0xf2: {  	v59 =	vld [tilespmem:$0x2210]  }
0xf3: {  	v48 =	vld [tilespmem:$0x2290]  }
0xf4: {  	v49 =	vld [tilespmem:$0x2310]  }
0xf5: {  	v50 =	vld [tilespmem:$0x2390]  }
0xf6: {  	v51 =	vld [tilespmem:$0x2410]  }
0xf7: {  	v28 =	vld [tilespmem:$0x2490]  }
0xf8: {  	v29 =	vld [tilespmem:$0x2510]  }
0xf9: {  	v30 =	vld [tilespmem:$0x2590]  }
0xfa: {  	v31 =	vld [tilespmem:$0x2610]  }
0xfb: {  	v60 =	vld [tilespmem:$0x2690]  }
0xfc: {  	v61 =	vld [tilespmem:$0x2710]  }
0xfd: {  	v62 =	vld [tilespmem:$0x2790]  }
0xfe: {  	v63 =	vld [tilespmem:$0x2810]  }
0xff: {  	v52 =	vld [tilespmem:$0x2890]  }
0x100: {  	v37 =	vld [tilespmem:$0x2910]  }
0x101: {  	v38 =	vld [tilespmem:$0x2990]  }
0x102: {  	v53 =	vld [tilespmem:$0x2220]  }
0x103: {  	v54 =	vld [tilespmem:$0x22A0]  }
0x104: {  	v55 =	vld [tilespmem:$0x2320]  }
0x105: {  	v56 =	vld [tilespmem:$0x23A0]  }
0x106: {  	v57 =	vld [tilespmem:$0x2420]  }
0x107: {  	v44 =	vld [tilespmem:$0x24A0]  }
0x108: {  	v45 =	vld [tilespmem:$0x2520]  }
0x109: {  	v46 =	vld [tilespmem:$0x25A0]  }
0x10a: {  	v15 =	vld [tilespmem:$0x2620]  }
0x10b: {  	v12 =	vld [tilespmem:$0x26A0]  }
0x10c: {  	v10 =	vld [tilespmem:$0x2720]  }
0x10d: {  	v8 =	vld [tilespmem:$0x27A0]  }
0x10e: {  	v7 =	vld [tilespmem:$0x2820]  }
0x10f: {  	v6 =	vld [tilespmem:$0x28A0];
	vm12 =	vgt.s32 v2, v3  }
0x110: {  	v5 =	vld [tilespmem:$0x2920];
	vm13 =	vgt.s32 v59, v48;
	v2 =	vsel vm12, v2, v3  }
0x111: {  	v47 =	vld [tilespmem:$0x2330];
	v3 =	vsel vm13, v59, v48;
	vm14 =	vgt.s32 v2, v4  }
0x112: {  	v27 =	vld [tilespmem:$0x23B0];
	vm0 =	vgt.s32 v3, v49;
	v2 =	vsel vm14, v2, v4  }
0x113: {  	v9 =	vld [tilespmem:$0x29B0];
	v3 =	vsel vm0, v3, v49;
	vm1 =	vgt.s32 v2, v58  }
0x114: {  	v40 =	vld [tilespmem:$0x2440];
	vm0 =	vgt.s32 v3, v50;
	v2 =	vsel vm1, v2, v58  }
0x115: {  	v41 =	vld [tilespmem:$0x24D0];
	v3 =	vsel vm0, v3, v50;
	vm1 =	vgt.s32 v2, v11  }
0x116: {  	v43 =	vld [tilespmem:$0x2550];
	vm0 =	vgt.s32 v3, v51;
	v2 =	vsel vm1, v2, v11  }
0x117: {  	v32 =	vld [tilespmem:$0x23E0];
	v3 =	vsel vm0, v3, v51;
	vm1 =	vgt.s32 v2, v13  }
0x118: {  	v33 =	vld [tilespmem:$0x23F0];
	vm0 =	vgt.s32 v3, v28;
	v2 =	vsel vm1, v2, v13  }
0x119: {  	v34 =	vld [tilespmem:$0x2460];
	v3 =	vsel vm0, v3, v28;
	vm1 =	vgt.s32 v2, v14  }
0x11a: {  	v35 =	vld [tilespmem:$0x2470];
	vm0 =	vgt.s32 v3, v29;
	v2 =	vsel vm1, v2, v14  }
0x11b: {  	v36 =	vld [tilespmem:$0x24E0];
	v3 =	vsel vm0, v3, v29;
	vm1 =	vgt.s32 v2, v16  }
0x11c: {  	v59 =	vld [tilespmem:$0x22B0];
	vm0 =	vgt.s32 v3, v30;
	v2 =	vsel vm1, v2, v16  }
0x11d: {  	vm15 =	vgt.s32 v53, v54;
	v48 =	vld [tilespmem:$0x2430];
	v3 =	vsel vm0, v3, v30;
	vm1 =	vgt.s32 v2, v17  }
0x11e: {  	v39 =	vsel vm15, v53, v54;
	v54 =	vld [tilespmem:$0x25C0];
	vm0 =	vgt.s32 v3, v31;
	v2 =	vsel vm1, v2, v17  }
0x11f: {  	v58 =	vld [tilespmem:$0x2230];
	v3 =	vsel vm0, v3, v31;
	vm1 =	vgt.s32 v2, v18  }
0x120: {  	v4 =	vld [tilespmem:$0x29A0];
	vm0 =	vgt.s32 v3, v60;
	v2 =	vsel vm1, v2, v18  }
0x121: {  	v49 =	vld [tilespmem:$0x2530];
	v3 =	vsel vm0, v3, v60;
	vm1 =	vgt.s32 v2, v19  }
0x122: {  	v60 =	vld [tilespmem:$0x2240];
	vm0 =	vgt.s32 v3, v61;
	v2 =	vsel vm1, v2, v19  }
0x123: {  	vm6 =	vgt.s32 v39, v55;
	v3 =	vsel vm0, v3, v61;
	v61 =	vld [tilespmem:$0x22C0];
	vm1 =	vgt.s32 v2, v20  }
0x124: {  	v50 =	vld [tilespmem:$0x2630];
	vm11 =	vgt.s32 v58, v59;
	vm0 =	vgt.s32 v3, v62;
	v2 =	vsel vm1, v2, v20  }
0x125: {  	v11 =	vld [tilespmem:$0x2930];
	v25 =	vsel vm11, v58, v59;
	v3 =	vsel vm0, v3, v62;
	vm1 =	vgt.s32 v2, v21  }
0x126: {  	vm14 =	vgt.s32 v25, v47;
	v62 =	vld [tilespmem:$0x2340];
	vm0 =	vgt.s32 v3, v63;
	v2 =	vsel vm1, v2, v21  }
0x127: {  	v51 =	vld [tilespmem:$0x24C0];
	v25 =	vsel vm14, v25, v47;
	v3 =	vsel vm0, v3, v63;
	vm1 =	vgt.s32 v2, v22  }
0x128: {  	v28 =	vld [tilespmem:$0x24B0];
	vm4 =	vgt.s32 v3, v52;
	vm12 =	vgt.s32 v60, v61;
	v2 =	vsel vm1, v2, v22  }
0x129: {  	v63 =	vld [tilespmem:$0x23C0];
	v3 =	vsel vm4, v3, v52;
	v22 =	vsel vm6, v39, v55;
	v18 =	vsel vm12, v60, v61  }
0x12a: {  	v13 =	vld [tilespmem:$0x28B0];
	vm4 =	vgt.s32 v25, v27;
	vm5 =	vgt.s32 v2, v23;
	vm7 =	vgt.s32 v3, v37  }
0x12b: {  	v29 =	vld [tilespmem:$0x25B0];
	vm9 =	vgt.s32 v22, v56;
	vm15 =	vgt.s32 v18, v62;
	v25 =	vsel vm4, v25, v27  }
0x12c: {  	v14 =	vld [tilespmem:$0x2830];
	v2 =	vsel vm5, v2, v23;
	v53 =	vsel vm7, v3, v37;
	v22 =	vsel vm9, v22, v56  }
0x12d: {  	v58 =	vld [tilespmem:$0x27C0];
	v18 =	vsel vm15, v18, v62;
	vm6 =	vgt.s32 v25, v48;
	vm8 =	vgt.s32 v2, v24  }
0x12e: {  	v59 =	vld [tilespmem:$0x2840];
	vm10 =	vgt.s32 v53, v38;
	vm0 =	vgt.s32 v22, v57;
	vm5 =	vgt.s32 v18, v63  }
0x12f: {  	v30 =	vld [tilespmem:$0x26B0];
	v25 =	vsel vm6, v25, v48;
	v3 =	vsel vm8, v2, v24;
	v2 =	vsel vm10, v53, v38  }
0x130: {  	v52 =	vld [tilespmem:$0x2540];
	v22 =	vsel vm0, v22, v57;
	v18 =	vsel vm5, v18, v63;
	vm8 =	vgt.s32 v25, v28  }
0x131: {  	v16 =	vld [tilespmem:$0x27B0];
	vm13 =	vgt.s32 v22, v44;
	vm7 =	vgt.s32 v18, v40;
	v63 =	vsel vm8, v25, v28  }
0x132: {  	v47 =	vld [tilespmem:$0x26D0];
	v3 =	vadd.s32 $0xFFFFFFFF, v3;
	v22 =	vsel vm13, v22, v44;
	v18 =	vsel vm7, v18, v40  }
0x133: {  	v61 =	vld [tilespmem:$0x2250];
	vm10 =	vgt.s32 v63, v49;
	vm1 =	vgt.s32 v22, v45;
	vm9 =	vgt.s32 v18, v51  }
0x134: {  	v62 =	vld [tilespmem:$0x22D0];
	v39 =	vsel vm10, v63, v49;
	v22 =	vsel vm1, v22, v45;
	v18 =	vsel vm9, v18, v51  }
0x135: {  	v55 =	vld [tilespmem:$0x2640];
	vm12 =	vgt.s32 v39, v29;
	vm1 =	vgt.s32 v22, v46;
	vm11 =	vgt.s32 v18, v52  }
0x136: {  	v17 =	vld [tilespmem:$0x2730];
	v42 =	vsel vm12, v39, v29;
	v22 =	vsel vm1, v22, v46;
	v18 =	vsel vm11, v18, v52  }
0x137: {  	v56 =	vld [tilespmem:$0x26C0];
	vm14 =	vgt.s32 v42, v50;
	vm1 =	vgt.s32 v22, v15;
	vm13 =	vgt.s32 v18, v54  }
0x138: {  	v21 =	vld [tilespmem:$0x29C0];
	v45 =	vsel vm14, v42, v50;
	v15 =	vsel vm1, v22, v15;
	v18 =	vsel vm13, v18, v54  }
0x139: {  	v57 =	vld [tilespmem:$0x2740];
	vm4 =	vgt.s32 v45, v30;
	vm13 =	vgt.s32 v61, v62;
	vm1 =	vgt.s32 v15, v12  }
0x13a: {  	v60 =	vld [tilespmem:$0x28C0];
	vm15 =	vgt.s32 v18, v55;
	v48 =	vsel vm4, v45, v30;
	v12 =	vsel vm1, v15, v12  }
0x13b: {  	v27 =	vld [tilespmem:$0x2940];
	v18 =	vsel vm15, v18, v55;
	vm6 =	vgt.s32 v48, v17;
	vm1 =	vgt.s32 v12, v10  }
0x13c: {  	v37 =	vld [tilespmem:$0x2350];
	vm5 =	vgt.s32 v18, v56;
	v50 =	vsel vm6, v48, v17;
	v10 =	vsel vm1, v12, v10  }
0x13d: {  	v38 =	vld [tilespmem:$0x23D0];
	v18 =	vsel vm5, v18, v56;
	vm8 =	vgt.s32 v50, v16;
	vm1 =	vgt.s32 v10, v8  }
0x13e: {  	v40 =	vld [tilespmem:$0x2450];
	vm7 =	vgt.s32 v18, v57;
	v52 =	vsel vm8, v50, v16;
	v8 =	vsel vm1, v10, v8  }
0x13f: {  	v55 =	vld [tilespmem:$0x2260];
	v51 =	vsel vm7, v18, v57;
	vm10 =	vgt.s32 v52, v14;
	vm1 =	vgt.s32 v8, v7  }
0x140: {  	v57 =	vld [tilespmem:$0x22E0];
	vm9 =	vgt.s32 v51, v58;
	v54 =	vsel vm10, v52, v14;
	v7 =	vsel vm1, v8, v7  }
0x141: {  	v44 =	vld [tilespmem:$0x25D0];
	v53 =	vsel vm9, v51, v58;
	vm12 =	vgt.s32 v54, v13;
	v58 =	vsel vm13, v61, v62  }
0x142: {  	v49 =	vld [tilespmem:$0x2750];
	vm1 =	vgt.s32 v7, v6;
	vm11 =	vgt.s32 v53, v59;
	vm4 =	vgt.s32 v58, v37  }
0x143: {  	v62 =	vld [tilespmem:$0x2360];
	v6 =	vsel vm1, v7, v6;
	v56 =	vsel vm11, v53, v59;
	v61 =	vsel vm4, v58, v37  }
0x144: {  	v59 =	vld [tilespmem:$0x2270];
	vm1 =	vgt.s32 v6, v5;
	vm14 =	vgt.s32 v56, v60;
	vm7 =	vgt.s32 v61, v38  }
0x145: {  	vm9 =	vgt.s32 v55, v57;
	v5 =	vsel vm1, v6, v5;
	v14 =	vsel vm14, v56, v60;
	v60 =	vld [tilespmem:$0x22F0]  }
0x146: {  	v63 =	vld [tilespmem:$0x2370];
	v31 =	vsel vm7, v61, v38;
	v6 =	vsel vm9, v55, v57;
	vm1 =	vgt.s32 v5, v4  }
0x147: {  	v46 =	vld [tilespmem:$0x2650];
	vm5 =	vgt.s32 v14, v27;
	v4 =	vsel vm1, v5, v4;
	v5 =	vsel vm12, v54, v13  }
0x148: {  	v42 =	vld [tilespmem:$0x25F0];
	vm0 =	vgt.s32 v31, v40;
	v14 =	vsel vm5, v14, v27;
	vm15 =	vgt.s32 v5, v11  }
0x149: {  	v30 =	vld [tilespmem:$0x27D0];
	vm12 =	vgt.s32 v6, v62;
	vm8 =	vgt.s32 v14, v21;
	v5 =	vsel vm15, v5, v11  }
0x14a: {  	v45 =	vld [tilespmem:$0x2670];
	v6 =	vsel vm12, v6, v62;
	vm6 =	vgt.s32 v5, v9;
	vm10 =	vgt.s32 v59, v60  }
0x14b: {  	v17 =	vld [tilespmem:$0x29D0];
	v5 =	vsel vm6, v5, v9;
	v9 =	vsel vm0, v31, v40;
	v19 =	vsel vm10, v59, v60  }
0x14c: {  	v48 =	vld [tilespmem:$0x2760];
	v14 =	vsel vm8, v14, v21;
	vm11 =	vgt.s32 v9, v41;
	vm13 =	vgt.s32 v19, v63  }
0x14d: {  	v37 =	vld [tilespmem:$0x24F0];
	vm14 =	vgt.s32 v6, v32;
	v9 =	vsel vm11, v9, v41;
	v19 =	vsel vm13, v19, v63  }
0x14e: {  	v38 =	vld [tilespmem:$0x2560];
	v6 =	vsel vm14, v6, v32;
	vm1 =	vgt.s32 v9, v43;
	vm15 =	vgt.s32 v19, v33  }
0x14f: {  	vm4 =	vgt.s32 v6, v34;
	v40 =	vld [tilespmem:$0x2570];
	v9 =	vsel vm1, v9, v43;
	v39 =	vsel vm15, v19, v33  }
0x150: {  	v6 =	vsel vm4, v6, v34;
	v41 =	vld [tilespmem:$0x25E0];
	vm1 =	vgt.s32 v9, v44;
	vm5 =	vgt.s32 v39, v35  }
0x151: {  	v50 =	vld [tilespmem:$0x27E0];
	vm6 =	vgt.s32 v6, v36;
	v9 =	vsel vm1, v9, v44;
	v15 =	vsel vm5, v39, v35  }
0x152: {  	v6 =	vsel vm6, v6, v36;
	v43 =	vld [tilespmem:$0x2660];
	vm1 =	vgt.s32 v9, v46;
	vm7 =	vgt.s32 v15, v37  }
0x153: {  	v18 =	vld [tilespmem:$0x28D0];
	vm8 =	vgt.s32 v6, v38;
	v9 =	vsel vm1, v9, v46;
	v44 =	vsel vm7, v15, v37  }
0x154: {  	v6 =	vsel vm8, v6, v38;
	v46 =	vld [tilespmem:$0x26E0];
	vm1 =	vgt.s32 v9, v47;
	vm9 =	vgt.s32 v44, v40  }
0x155: {  	vm10 =	vgt.s32 v6, v41;
	v9 =	vsel vm1, v9, v47;
	v13 =	vsel vm9, v44, v40;
	v47 =	vld [tilespmem:$0x26F0]  }
0x156: {  	v52 =	vld [tilespmem:$0x2860];
	v6 =	vsel vm10, v6, v41;
	vm1 =	vgt.s32 v9, v49;
	vm11 =	vgt.s32 v13, v42  }
0x157: {  	vm12 =	vgt.s32 v6, v43;
	v9 =	vsel vm1, v9, v49;
	v13 =	vsel vm11, v13, v42;
	v49 =	vld [tilespmem:$0x2770]  }
0x158: {  	v2 =	vadd.s32 $0xFFFFFFFF, v2;
	v8 =	vld [tilespmem:$0x2850];
	v6 =	vsel vm12, v6, v43;
	vm13 =	vgt.s32 v13, v45  }
0x159: {  	v51 =	vld [tilespmem:$0x27F0];
	v4 =	vadd.s32 $0xFFFFFFFF, v4;
	vm14 =	vgt.s32 v6, v46;
	v13 =	vsel vm13, v13, v45  }
0x15a: {  	v7 =	vld [tilespmem:$0x2950];
	v62 =	vadd.s32 $0xFFFFFFFF, v14;
	v6 =	vsel vm14, v6, v46;
	vm15 =	vgt.s32 v13, v47  }
0x15b: {  	v54 =	vld [tilespmem:$0x2870];
	v61 =	vadd.s32 $0xFFFFFFFF, v5;
	vm4 =	vgt.s32 v6, v48;
	v53 =	vsel vm15, v13, v47  }
0x15c: {  	v55 =	vld [tilespmem:$0x28E0];
	vm1 =	vgt.s32 v9, v30;
	v6 =	vsel vm4, v6, v48;
	vm5 =	vgt.s32 v53, v49  }
0x15d: {  	v56 =	vld [tilespmem:$0x28F0];
	v9 =	vsel vm1, v9, v30;
	vm6 =	vgt.s32 v6, v50;
	v11 =	vsel vm5, v53, v49  }
0x15e: {  	v57 =	vld [tilespmem:$0x2960];
	vm1 =	vgt.s32 v9, v8;
	v6 =	vsel vm6, v6, v50;
	vm7 =	vgt.s32 v11, v51  }
0x15f: {  	v58 =	vld [tilespmem:$0x2970];
	v8 =	vsel vm1, v9, v8;
	vm8 =	vgt.s32 v6, v52;
	v11 =	vsel vm7, v11, v51  }
0x160: {  	v59 =	vld [tilespmem:$0x29E0];
	vm1 =	vgt.s32 v8, v18;
	v6 =	vsel vm8, v6, v52;
	vm9 =	vgt.s32 v11, v54  }
0x161: {  	v60 =	vld [tilespmem:$0x29F0];
	v8 =	vsel vm1, v8, v18;
	vm10 =	vgt.s32 v6, v55;
	v11 =	vsel vm9, v11, v54  }
0x162: {  	[tilespmem:$0x2A80] =	vst v3;
	vm1 =	vgt.s32 v8, v7;
	v3 =	vsel vm10, v6, v55;
	vm11 =	vgt.s32 v11, v56  }
0x163: {  	[tilespmem:$0x2A90] =	vst v2;
	v7 =	vsel vm1, v8, v7;
	vm12 =	vgt.s32 v3, v57;
	v2 =	vsel vm11, v11, v56  }
0x164: {  	[tilespmem:$0x2AA0] =	vst v4;
	vm1 =	vgt.s32 v7, v17;
	v3 =	vsel vm12, v3, v57;
	vm13 =	vgt.s32 v2, v58  }
0x165: {  	[tilespmem:$0x2AC0] =	vst v62;
	v7 =	vsel vm1, v7, v17;
	vm14 =	vgt.s32 v3, v59;
	v2 =	vsel vm13, v2, v58  }
0x166: {  	[tilespmem:$0x2AB0] =	vst v61;
	v63 =	vadd.s32 $0xFFFFFFFF, v7;
	v3 =	vsel vm14, v3, v59;
	vm15 =	vgt.s32 v2, v60  }
0x167: {  	[tilespmem:$0x2AD0] =	vst v63;
	v3 =	vadd.s32 $0xFFFFFFFF, v3;
	v2 =	vsel vm15, v2, v60  }
0x168: {  	[tilespmem:$0x2AE0] =	vst v3;
	v2 =	vadd.s32 $0xFFFFFFFF, v2  }
0x169: {  	[tilespmem:$0x2AF0] =	vst v2  }
0x16a: {  	[tilespmem:s29], [sflag:$0x3] =	stream.indirect.gather [hbm4b:s11+s20], $0x10, s28, s20, $0xb8;
	[tilespmem:$0x4B00] =	vst v63  }
0x16b: {  	_ =	swait.ge [sflag:s30], $0x800  }
0x16c: {  	[sflag:s30] =	ssyncset.done $0x0  }
0x16d: {  	[sflag:s30] =	ssyncadd.s32 $0xFFFFF800  }
0x16e: {  	_ =	swait.ge [sflag:s30], $0x800  }
0x16f: {  	[sflag:s30] =	ssyncset.done $0x0  }
0x170: {  	[sflag:s30] =	ssyncadd.s32 $0xFFFFF800  }
0x171: {  	[hbm4b:s12+s2] =	stream.linear.scatter [tilespmem:s26], [sflag:$0x4], $0x800, $0x38;
	[tilespmem:$0x4B00] =	vst v63  }
0x172: {  	s31 =	sadd.s32 $0x1, s31;
	_ =	swait.ge [sflag:s23], $0x800  }
0x173: {  	p0 =	sne.s32 s31, s14;
	[sflag:s23] =	ssyncset.done $0x0  }
.Ltmp4:
0x174: {  	[sflag:s23] =	ssyncadd.s32 $0xFFFFF800;
	(pc) =	sbr.rel @p0 .LBB2_1-.Ltmp4, $4  }
0x175: {  	[hbm4b:s13+s2] =	stream.linear.scatter [tilespmem:s29], [sflag:$0x4], $0x800, $0x38;
	[tilespmem:$0x4B00] =	vst v63  }
0x176: {  	_ =	swait.ge [sflag:s23], $0x800  }
0x177: {  	[sflag:s23] =	ssyncset.done $0x0  }
0x178: {  	[sflag:s23] =	ssyncadd.s32 $0xFFFFF800  }
0x179: {  	_ =	sfence.sel $0x180000  }
0x17a: {  	[bflag:$0x0] =	sbarrier.arrive $0xFFFF  }
0x17b: {  	_ =	strace $0x90000047  }
0x17c: {  	s0 =	stileid.u32;
	[bflag:$0x2] =	sbarrier.arrive $0xFFFF  }
0x17d: {  	p0 =	sne.s32 s0, $0x0;
	s0 =	rddreg [dreg:$0x2]  }
0x17e: {  	s0 =	sadd.s32 @!p0 $0x100000, s0  }
0x17f: {  	[sflag:s0] =	ssyncadd.tile.s32 @!p0 $0x1;
	_ =	shalt  }
.Lfunc_end2:
_tile_overlayer_lowered:
.L_overlay_start_2:
0x180: {  	(tag) =	ssettag $0x2  }
0x181: {  	s0 =	rddreg [dreg:$0x0];
	s2 =	stileid.u32  }
0x182: {  	s1 =	rddreg [dreg:$0x1];
	p0 =	sne.s32 s2, $0x0  }
0x183: {  	s3 =	rddreg [dreg:$0x2];
	[bflag:$0x3] =	sbarrier.arrive $0xFFFF;
	s2 =	simm.s32 @!p0 $0x1C04  }
0x184: {  	[timem:s3], [sflag:s2] =	dma.local @!p0 [hbm:s0], s1  }
0x185: {  	s0 =	simm.s32 @!p0 $0x4  }
0x186: {  	_ =	swait.ge @!p0 [sflag:s0], s1  }
0x187: {  	s1 =	ssub.s32 @!p0 $0x0, s1;
	[sflag:s0] =	ssyncset.done @!p0 $0x0  }
0x188: {  	[sflag:s0] =	ssyncadd.s32 @!p0 s1  }
0x189: {  	[bflag:$0x3] =	sbarrier.arrive $0xFFFF  }
0x18a: {  	_ =	shalt  }

</sc_bundles>
